<compile_context>
chip_gen: v7x
topology: tpu7x:2x2x1
jax: 0.10.2.dev20260603
libtpu: 0.0.44.dev20260713+nightly
codegen_flags: <defaults>
</compile_context>

<pallas_src>
import functools

import jax
import jax.numpy as jnp
from jax import lax
from jax.experimental import pallas as pl
from jax.experimental.pallas import tpu as pltpu
from jax.experimental.pallas import tpu_sc as plsc

N = 10000
NP = 10240
HALF = NP // 2
E = 320000
D = 128
NC = 2
NS = 16
EPT = E // NS
CH = 128
NCH = -(-EPT // CH)
EPAD = NCH * CH
TRASH = HALF
AR = 5376
RPT = AR // NS
WPT = HALF // NS
RCH = 160

RB = 400
GRID = N // RB


def _sc_mesh():
    return plsc.VectorSubcoreMesh(core_axis_name="c", subcore_axis_name="s")


def _make_prop():

    @functools.partial(
        pl.kernel,
        mesh=_sc_mesh(),
        out_type=jax.ShapeDtypeStruct((NP, D), jnp.float32),
        scratch_types=[
            pltpu.VMEM((2, CH), jnp.int32),
            pltpu.VMEM((CH, D), jnp.float32),
            pltpu.VMEM((RCH, D), jnp.float32),
            pltpu.VMEM_SHARED((AR, D), jnp.float32),
            pltpu.SemaphoreType.DMA,
        ],
    )
    def prop(h_hbm, pidx_hbm, zeros_hbm, out_hbm,
             pbuf_v, rows_v, zbuf_v, acc_sh, sem):
        c = lax.axis_index("c")
        s = lax.axis_index("s")
        pltpu.sync_copy(zeros_hbm, zbuf_v)
        zb = s * RPT
        for r0, rn in ((0, RCH), (RCH, RCH), (2 * RCH, RPT - 2 * RCH)):
            pltpu.sync_copy(zbuf_v.at[pl.ds(0, rn)],
                            acc_sh.at[pl.ds(zb + r0, rn)])
        plsc.subcore_barrier()

        def body(j, carry):
            pltpu.sync_copy(pidx_hbm.at[c, s, j], pbuf_v)
            gather = pltpu.async_copy(h_hbm.at[pbuf_v.at[0]], rows_v, sem)
            gather.wait()
            pltpu.sync_copy(rows_v, acc_sh.at[pbuf_v.at[1]], add=True)
            return carry

        lax.fori_loop(0, NCH, body, 0)
        plsc.subcore_barrier()
        wb = s * WPT
        for i in range(2):
            r0 = wb + i * RCH
            pltpu.sync_copy(acc_sh.at[pl.ds(r0, RCH)], zbuf_v)
            pltpu.sync_copy(zbuf_v, out_hbm.at[pl.ds(c * HALF + r0, RCH)])

    return prop


def _dinv_block(degp):
    return lax.rsqrt(degp[:, 0:1] + 1.0)


def _pre_body(x_ref, w_ref, b_ref, degp_ref, out_ref):
    dinv = _dinv_block(degp_ref[...])
    h = jnp.dot(x_ref[...], w_ref[...], preferred_element_type=jnp.float32)
    out_ref[...] = (h + b_ref[...]) * dinv


def _mid_body(p_ref, prev_ref, degp_ref, out_ref, *, power):
    dinv = _dinv_block(degp_ref[...])
    scale = dinv * dinv if power == 2 else dinv
    out_ref[...] = (p_ref[...] + prev_ref[...]) * scale


def _layer_body(p_ref, prev_ref, degp_ref, w_ref, b_ref, out_ref):
    dinv = _dinv_block(degp_ref[...])
    h = (p_ref[...] + prev_ref[...]) * dinv
    r = jnp.maximum(h, 0.0)
    h2 = jnp.dot(r, w_ref[...], preferred_element_type=jnp.float32)
    out_ref[...] = (h2 + b_ref[...]) * dinv


_ROWS = pl.BlockSpec((RB, D), lambda i: (i, 0))
_MAT = pl.BlockSpec((D, D), lambda i: (0, 0))
_BIAS = pl.BlockSpec((1, D), lambda i: (0, 0))
_DEGP = pl.BlockSpec((RB, D), lambda i: (i, 0))
_OUT = jax.ShapeDtypeStruct((N, D), jnp.float32)


def _tc_pre(x, w1, b1, degp):
    return pl.pallas_call(
        _pre_body, grid=(GRID,),
        in_specs=[_ROWS, _MAT, _BIAS, _DEGP], out_specs=_ROWS,
        out_shape=_OUT,
    )(x, w1, b1, degp)


def _tc_mid(p, prev, degp, power):
    return pl.pallas_call(
        functools.partial(_mid_body, power=power), grid=(GRID,),
        in_specs=[_ROWS, _ROWS, _DEGP], out_specs=_ROWS,
        out_shape=_OUT,
    )(p, prev, degp)


def _tc_layer(p, prev, degp, w2, b2):
    return pl.pallas_call(
        _layer_body, grid=(GRID,),
        in_specs=[_ROWS, _ROWS, _DEGP, _MAT, _BIAS], out_specs=_ROWS,
        out_shape=_OUT,
    )(p, prev, degp, w2, b2)


def kernel(x, edge_index, layer_K, W1, b1, W2, b2):
    del layer_K
    pad = ((0, 0), (0, EPAD - EPT))
    srcf = jnp.pad(edge_index[0].reshape(NS, EPT), pad)
    dstf = jnp.pad(edge_index[1].reshape(NS, EPT), pad, constant_values=-1)
    lo = jnp.arange(NC, dtype=jnp.int32).reshape(NC, 1, 1) * HALF
    own = (dstf[None] >= lo) & (dstf[None] < lo + HALF)
    src = jnp.broadcast_to(srcf[None], (NC, NS, EPAD)).reshape(NC, NS, NCH, CH)
    tdst = jnp.where(own, dstf[None] - lo, TRASH).reshape(NC, NS, NCH, CH)
    pidx = jnp.stack([src, tdst], axis=3)
    zrows = jnp.zeros((RCH, D), jnp.float32)
    ones_h = jnp.ones((N, D), jnp.float32)
    b1r = b1.reshape(1, D)
    b2r = b2.reshape(1, D)

    prop_fn = _make_prop()

    degp = prop_fn(ones_h, pidx, zrows)

    ha = _tc_pre(x, W1, b1r, degp)
    p = prop_fn(ha, pidx, zrows)
    ha = _tc_mid(p, ha, degp, power=2)
    p = prop_fn(ha, pidx, zrows)
    ha = _tc_layer(p, ha, degp, W2, b2r)
    p = prop_fn(ha, pidx, zrows)
    ha = _tc_mid(p, ha, degp, power=2)
    p = prop_fn(ha, pidx, zrows)
    return _tc_mid(p, ha, degp, power=1)

# --- scband reference (transcript-rebuilt; emitter-appended) ---
"""Pipeline reference for scband-gnnencoder-82171314307140 (READ-ONLY COPY).

The authoritative reference and input builder live on the scoring server;
editing this copy changes nothing except your own understanding.
"""

import jax, jax.numpy as jnp
import numpy as np

N = 10000
E = 320000
D_IN = 128
D_HID = 128
D_OUT = 128
FIX_K = 2  # eval mode: generate_step returns fix_k


def setup_inputs(seed: int = 0) -> dict:
    key = jax.random.key(seed)
    k1, k2, k3, k4 = jax.random.split(key, 4)
    x = jax.random.normal(k1, (N, D_IN), dtype=jnp.float32)
    edge_index = jax.random.randint(k2, (2, E), 0, N, dtype=jnp.int32)
    W1 = jax.random.normal(k3, (D_IN, D_HID), dtype=jnp.float32) * (1.0 / np.sqrt(D_IN))
    b1 = jnp.zeros((D_HID,), dtype=jnp.float32)
    W2 = jax.random.normal(k4, (D_HID, D_OUT), dtype=jnp.float32) * (1.0 / np.sqrt(D_HID))
    b2 = jnp.zeros((D_OUT,), dtype=jnp.float32)
    return {"x": x, "edge_index": edge_index, "layer_K": 4, "W1": W1, "b1": b1, "W2": W2, "b2": b2}


def _propagate(h, src, dst, n):
    # symmetric-normalized GCN propagation step: D^{-1/2} A D^{-1/2} h
    deg = jax.ops.segment_sum(jnp.ones_like(dst, dtype=h.dtype), dst, num_segments=n)
    dinv = jnp.where(deg > 0, 1.0 / jnp.sqrt(deg), 0.0)
    coef = dinv[src] * dinv[dst]
    msgs = h[src] * coef[:, None]
    return jax.ops.segment_sum(msgs, dst, num_segments=n)


def _gcn_layer(x, W, b, src, dst, n, k):
    # GCNLayer(x, edge_index, k): linear transform, then k propagation steps
    h = x @ W + b
    for _ in range(k):
        h = _propagate(h, src, dst, n)
    return h


def reference(x, edge_index, layer_K, W1, b1, W2, b2):
    n = x.shape[0]
    # add self loops so every node retains its own signal during propagation
    loops = jnp.arange(n, dtype=edge_index.dtype)
    src = jnp.concatenate([edge_index[0], loops])
    dst = jnp.concatenate([edge_index[1], loops])
    k = FIX_K  # eval mode: k = self.fix_k regardless of layer_K
    h = _gcn_layer(x, W1, b1, src, dst, n, k)
    h = jax.nn.relu(h)
    h = _gcn_layer(h, W2, b2, src, dst, n, k)
    return h

if __name__ == "__main__":
    import jax
    _d = setup_inputs()
    print(jax.jit(kernel)(*tuple(_d.values())))

</pallas_src>

<mosaic_0001>
#map = affine_map<(d0, d1) -> (0, 0)>
#map1 = affine_map<(d0, d1) -> (0, 0, 0, 0, 0)>
module attributes {stable_mosaic.version = 14 : i64} {
  func.func @prop(%arg0: i32, %arg1: i32, %arg2: memref<10000x128xf32, #tpu.memory_space<hbm>>, %arg3: memref<2x16x157x2x128xi32, #tpu.memory_space<hbm>>, %arg4: memref<160x128xf32, #tpu.memory_space<hbm>>, %arg5: memref<10240x128xf32, #tpu.memory_space<hbm>>, %arg6: memref<2x128xi32, #tpu.memory_space<vmem>>, %arg7: memref<128x128xf32, #tpu.memory_space<vmem>>, %arg8: memref<160x128xf32, #tpu.memory_space<vmem>>, %arg9: memref<5376x128xf32, #tpu.memory_space<vmem_shared>>, %arg10: memref<!tpu.dma_semaphore, #tpu.memory_space<semaphore_mem>>) attributes {dimension_semantics = [#tpu.dimension_semantics<core_parallel>, #tpu.dimension_semantics<subcore_parallel>], iteration_bounds = array<i64: 2, 16>, scalar_prefetch = 0 : i64, scratch_operands = 5 : i64, tpu.core_type = #tpu.core_type<sc_vector_subcore>, window_params = [{transform_indices = #map}, {transform_indices = #map1}, {transform_indices = #map}, {transform_indices = #map}]} {
    "tpu.region"() ({
      %run_scoped3A = tpu.sem_alloc : memref<!tpu.dma_semaphore, #tpu.memory_space<semaphore_mem>>
      tpu.enqueue_dma source(%arg4 : memref<160x128xf32, #tpu.memory_space<hbm>>) target(%arg8 : memref<160x128xf32, #tpu.memory_space<vmem>>) target_semaphore(%run_scoped3A : memref<!tpu.dma_semaphore, #tpu.memory_space<semaphore_mem>>)
      tpu.wait_dma2 semaphore(%run_scoped3A : memref<!tpu.dma_semaphore, #tpu.memory_space<semaphore_mem>>) src(%arg4 : memref<160x128xf32, #tpu.memory_space<hbm>>) dst(%arg8 : memref<160x128xf32, #tpu.memory_space<vmem>>)
      tpu.yield
    }) : () -> ()
    %mul3A = arith.constant 336 : i32
    %mul3A_0 = arith.muli %arg1, %mul3A : i32
    %add3A = arith.constant 0 : i32
    %add3A_1 = arith.addi %mul3A_0, %add3A : i32
    "tpu.region"() ({
      %run_scoped3A = tpu.sem_alloc : memref<!tpu.dma_semaphore, #tpu.memory_space<semaphore_mem>>
      %dma_start3A = arith.constant 0 : i32
      %dma_start3A_24 = arith.constant 0 : i32
      %dma_start3A_25 = tpu.memref_slice %arg8[%dma_start3A, %dma_start3A_24] : memref<160x128xf32, #tpu.memory_space<vmem>> -> memref<160x128xf32, #tpu.memory_space<vmem>>
      %dma_start3A_26 = arith.constant 0 : i32
      %dma_start3A_27 = tpu.memref_slice %arg9[%add3A_1, %dma_start3A_26] : memref<5376x128xf32, #tpu.memory_space<vmem_shared>> -> memref<160x128xf32, #tpu.memory_space<vmem_shared>>
      %dma_start3A_28 = arith.constant 0 : i32
      %dma_start3A_29 = tpu.memref_slice %arg9[%add3A_1, %dma_start3A_28] : memref<5376x128xf32, #tpu.memory_space<vmem_shared>> -> memref<160x128xf32, #tpu.memory_space<vmem_shared>>
      %dma_start3A_30 = arith.constant 0 : i32
      %dma_start3A_31 = arith.constant 0 : i32
      %dma_start3A_32 = tpu.memref_slice %arg8[%dma_start3A_30, %dma_start3A_31] : memref<160x128xf32, #tpu.memory_space<vmem>> -> memref<160x128xf32, #tpu.memory_space<vmem>>
      tpu.enqueue_dma source(%dma_start3A_32 : memref<160x128xf32, #tpu.memory_space<vmem>>) target(%dma_start3A_29 : memref<160x128xf32, #tpu.memory_space<vmem_shared>>) target_semaphore(%run_scoped3A : memref<!tpu.dma_semaphore, #tpu.memory_space<semaphore_mem>>)
      %dma_wait3A = arith.constant 0 : i32
      %dma_wait3A_33 = arith.constant 0 : i32
      %dma_wait3A_34 = tpu.memref_slice %arg8[%dma_wait3A, %dma_wait3A_33] : memref<160x128xf32, #tpu.memory_space<vmem>> -> memref<160x128xf32, #tpu.memory_space<vmem>>
      %dma_wait3A_35 = arith.constant 0 : i32
      %dma_wait3A_36 = tpu.memref_slice %arg9[%add3A_1, %dma_wait3A_35] : memref<5376x128xf32, #tpu.memory_space<vmem_shared>> -> memref<160x128xf32, #tpu.memory_space<vmem_shared>>
      %dma_wait3A_37 = arith.constant 0 : i32
      %dma_wait3A_38 = tpu.memref_slice %arg9[%add3A_1, %dma_wait3A_37] : memref<5376x128xf32, #tpu.memory_space<vmem_shared>> -> memref<160x128xf32, #tpu.memory_space<vmem_shared>>
      %dma_wait3A_39 = arith.constant 0 : i32
      %dma_wait3A_40 = arith.constant 0 : i32
      %dma_wait3A_41 = tpu.memref_slice %arg8[%dma_wait3A_39, %dma_wait3A_40] : memref<160x128xf32, #tpu.memory_space<vmem>> -> memref<160x128xf32, #tpu.memory_space<vmem>>
      tpu.wait_dma2 semaphore(%run_scoped3A : memref<!tpu.dma_semaphore, #tpu.memory_space<semaphore_mem>>) src(%dma_wait3A_41 : memref<160x128xf32, #tpu.memory_space<vmem>>) dst(%dma_wait3A_38 : memref<160x128xf32, #tpu.memory_space<vmem_shared>>)
      tpu.yield
    }) : () -> ()
    %add3A_2 = arith.constant 160 : i32
    %add3A_3 = arith.addi %mul3A_0, %add3A_2 : i32
    "tpu.region"() ({
      %run_scoped3A = tpu.sem_alloc : memref<!tpu.dma_semaphore, #tpu.memory_space<semaphore_mem>>
      %dma_start3A = arith.constant 0 : i32
      %dma_start3A_24 = arith.constant 0 : i32
      %dma_start3A_25 = tpu.memref_slice %arg8[%dma_start3A, %dma_start3A_24] : memref<160x128xf32, #tpu.memory_space<vmem>> -> memref<160x128xf32, #tpu.memory_space<vmem>>
      %dma_start3A_26 = arith.constant 0 : i32
      %dma_start3A_27 = tpu.memref_slice %arg9[%add3A_3, %dma_start3A_26] : memref<5376x128xf32, #tpu.memory_space<vmem_shared>> -> memref<160x128xf32, #tpu.memory_space<vmem_shared>>
      %dma_start3A_28 = arith.constant 0 : i32
      %dma_start3A_29 = tpu.memref_slice %arg9[%add3A_3, %dma_start3A_28] : memref<5376x128xf32, #tpu.memory_space<vmem_shared>> -> memref<160x128xf32, #tpu.memory_space<vmem_shared>>
      %dma_start3A_30 = arith.constant 0 : i32
      %dma_start3A_31 = arith.constant 0 : i32
      %dma_start3A_32 = tpu.memref_slice %arg8[%dma_start3A_30, %dma_start3A_31] : memref<160x128xf32, #tpu.memory_space<vmem>> -> memref<160x128xf32, #tpu.memory_space<vmem>>
      tpu.enqueue_dma source(%dma_start3A_32 : memref<160x128xf32, #tpu.memory_space<vmem>>) target(%dma_start3A_29 : memref<160x128xf32, #tpu.memory_space<vmem_shared>>) target_semaphore(%run_scoped3A : memref<!tpu.dma_semaphore, #tpu.memory_space<semaphore_mem>>)
      %dma_wait3A = arith.constant 0 : i32
      %dma_wait3A_33 = arith.constant 0 : i32
      %dma_wait3A_34 = tpu.memref_slice %arg8[%dma_wait3A, %dma_wait3A_33] : memref<160x128xf32, #tpu.memory_space<vmem>> -> memref<160x128xf32, #tpu.memory_space<vmem>>
      %dma_wait3A_35 = arith.constant 0 : i32
      %dma_wait3A_36 = tpu.memref_slice %arg9[%add3A_3, %dma_wait3A_35] : memref<5376x128xf32, #tpu.memory_space<vmem_shared>> -> memref<160x128xf32, #tpu.memory_space<vmem_shared>>
      %dma_wait3A_37 = arith.constant 0 : i32
      %dma_wait3A_38 = tpu.memref_slice %arg9[%add3A_3, %dma_wait3A_37] : memref<5376x128xf32, #tpu.memory_space<vmem_shared>> -> memref<160x128xf32, #tpu.memory_space<vmem_shared>>
      %dma_wait3A_39 = arith.constant 0 : i32
      %dma_wait3A_40 = arith.constant 0 : i32
      %dma_wait3A_41 = tpu.memref_slice %arg8[%dma_wait3A_39, %dma_wait3A_40] : memref<160x128xf32, #tpu.memory_space<vmem>> -> memref<160x128xf32, #tpu.memory_space<vmem>>
      tpu.wait_dma2 semaphore(%run_scoped3A : memref<!tpu.dma_semaphore, #tpu.memory_space<semaphore_mem>>) src(%dma_wait3A_41 : memref<160x128xf32, #tpu.memory_space<vmem>>) dst(%dma_wait3A_38 : memref<160x128xf32, #tpu.memory_space<vmem_shared>>)
      tpu.yield
    }) : () -> ()
    %add3A_4 = arith.constant 320 : i32
    %add3A_5 = arith.addi %mul3A_0, %add3A_4 : i32
    "tpu.region"() ({
      %run_scoped3A = tpu.sem_alloc : memref<!tpu.dma_semaphore, #tpu.memory_space<semaphore_mem>>
      %dma_start3A = arith.constant 0 : i32
      %dma_start3A_24 = arith.constant 0 : i32
      %dma_start3A_25 = tpu.memref_slice %arg8[%dma_start3A, %dma_start3A_24] : memref<160x128xf32, #tpu.memory_space<vmem>> -> memref<16x128xf32, #tpu.memory_space<vmem>>
      %dma_start3A_26 = arith.constant 0 : i32
      %dma_start3A_27 = tpu.memref_slice %arg9[%add3A_5, %dma_start3A_26] : memref<5376x128xf32, #tpu.memory_space<vmem_shared>> -> memref<16x128xf32, #tpu.memory_space<vmem_shared>>
      %dma_start3A_28 = arith.constant 0 : i32
      %dma_start3A_29 = tpu.memref_slice %arg9[%add3A_5, %dma_start3A_28] : memref<5376x128xf32, #tpu.memory_space<vmem_shared>> -> memref<16x128xf32, #tpu.memory_space<vmem_shared>>
      %dma_start3A_30 = arith.constant 0 : i32
      %dma_start3A_31 = arith.constant 0 : i32
      %dma_start3A_32 = tpu.memref_slice %arg8[%dma_start3A_30, %dma_start3A_31] : memref<160x128xf32, #tpu.memory_space<vmem>> -> memref<16x128xf32, #tpu.memory_space<vmem>>
      tpu.enqueue_dma source(%dma_start3A_32 : memref<16x128xf32, #tpu.memory_space<vmem>>) target(%dma_start3A_29 : memref<16x128xf32, #tpu.memory_space<vmem_shared>>) target_semaphore(%run_scoped3A : memref<!tpu.dma_semaphore, #tpu.memory_space<semaphore_mem>>)
      %dma_wait3A = arith.constant 0 : i32
      %dma_wait3A_33 = arith.constant 0 : i32
      %dma_wait3A_34 = tpu.memref_slice %arg8[%dma_wait3A, %dma_wait3A_33] : memref<160x128xf32, #tpu.memory_space<vmem>> -> memref<16x128xf32, #tpu.memory_space<vmem>>
      %dma_wait3A_35 = arith.constant 0 : i32
      %dma_wait3A_36 = tpu.memref_slice %arg9[%add3A_5, %dma_wait3A_35] : memref<5376x128xf32, #tpu.memory_space<vmem_shared>> -> memref<16x128xf32, #tpu.memory_space<vmem_shared>>
      %dma_wait3A_37 = arith.constant 0 : i32
      %dma_wait3A_38 = tpu.memref_slice %arg9[%add3A_5, %dma_wait3A_37] : memref<5376x128xf32, #tpu.memory_space<vmem_shared>> -> memref<16x128xf32, #tpu.memory_space<vmem_shared>>
      %dma_wait3A_39 = arith.constant 0 : i32
      %dma_wait3A_40 = arith.constant 0 : i32
      %dma_wait3A_41 = tpu.memref_slice %arg8[%dma_wait3A_39, %dma_wait3A_40] : memref<160x128xf32, #tpu.memory_space<vmem>> -> memref<16x128xf32, #tpu.memory_space<vmem>>
      tpu.wait_dma2 semaphore(%run_scoped3A : memref<!tpu.dma_semaphore, #tpu.memory_space<semaphore_mem>>) src(%dma_wait3A_41 : memref<16x128xf32, #tpu.memory_space<vmem>>) dst(%dma_wait3A_38 : memref<16x128xf32, #tpu.memory_space<vmem_shared>>)
      tpu.yield
    }) : () -> ()
    %barrier3A = arith.constant 0 : index
    tpu.barrier barrier_id(%barrier3A)
    %scan3A = arith.constant 0 : i32
    %scan3A_6 = arith.constant 0 : i32
    %scan3A_7 = arith.constant 157 : i32
    %scan3A_8 = arith.addi %scan3A_6, %scan3A_7 : i32
    %scan3A_9 = arith.constant 1 : i32
    scf.for %scan3A_24 = %scan3A_6 to %scan3A_8 step %scan3A_9  : i32 {
      "tpu.region"() ({
        %run_scoped3A_37 = tpu.sem_alloc : memref<!tpu.dma_semaphore, #tpu.memory_space<semaphore_mem>>
        %dma_start3A_38 = arith.constant 0 : i32
        %dma_start3A_39 = arith.constant 0 : i32
        %dma_start3A_40 = tpu.memref_slice %arg3[%arg0, %arg1, %scan3A_24, %dma_start3A_38, %dma_start3A_39] : memref<2x16x157x2x128xi32, #tpu.memory_space<hbm>> -> memref<1x1x1x2x128xi32, #tpu.memory_space<hbm>>
        %dma_start3A_41 = tpu.memref_squeeze %dma_start3A_40 : memref<1x1x1x2x128xi32, #tpu.memory_space<hbm>> -> memref<2x128xi32, #tpu.memory_space<hbm>>
        %dma_start3A_42 = arith.constant 0 : i32
        %dma_start3A_43 = arith.constant 0 : i32
        %dma_start3A_44 = tpu.memref_slice %arg3[%arg0, %arg1, %scan3A_24, %dma_start3A_42, %dma_start3A_43] : memref<2x16x157x2x128xi32, #tpu.memory_space<hbm>> -> memref<1x1x1x2x128xi32, #tpu.memory_space<hbm>>
        %dma_start3A_45 = tpu.memref_squeeze %dma_start3A_44 : memref<1x1x1x2x128xi32, #tpu.memory_space<hbm>> -> memref<2x128xi32, #tpu.memory_space<hbm>>
        tpu.enqueue_dma source(%dma_start3A_45 : memref<2x128xi32, #tpu.memory_space<hbm>>) target(%arg6 : memref<2x128xi32, #tpu.memory_space<vmem>>) target_semaphore(%run_scoped3A_37 : memref<!tpu.dma_semaphore, #tpu.memory_space<semaphore_mem>>)
        %dma_wait3A_46 = arith.constant 0 : i32
        %dma_wait3A_47 = arith.constant 0 : i32
        %dma_wait3A_48 = tpu.memref_slice %arg3[%arg0, %arg1, %scan3A_24, %dma_wait3A_46, %dma_wait3A_47] : memref<2x16x157x2x128xi32, #tpu.memory_space<hbm>> -> memref<1x1x1x2x128xi32, #tpu.memory_space<hbm>>
        %dma_wait3A_49 = tpu.memref_squeeze %dma_wait3A_48 : memref<1x1x1x2x128xi32, #tpu.memory_space<hbm>> -> memref<2x128xi32, #tpu.memory_space<hbm>>
        %dma_wait3A_50 = arith.constant 0 : i32
        %dma_wait3A_51 = arith.constant 0 : i32
        %dma_wait3A_52 = tpu.memref_slice %arg3[%arg0, %arg1, %scan3A_24, %dma_wait3A_50, %dma_wait3A_51] : memref<2x16x157x2x128xi32, #tpu.memory_space<hbm>> -> memref<1x1x1x2x128xi32, #tpu.memory_space<hbm>>
        %dma_wait3A_53 = tpu.memref_squeeze %dma_wait3A_52 : memref<1x1x1x2x128xi32, #tpu.memory_space<hbm>> -> memref<2x128xi32, #tpu.memory_space<hbm>>
        tpu.wait_dma2 semaphore(%run_scoped3A_37 : memref<!tpu.dma_semaphore, #tpu.memory_space<semaphore_mem>>) src(%dma_wait3A_53 : memref<2x128xi32, #tpu.memory_space<hbm>>) dst(%arg6 : memref<2x128xi32, #tpu.memory_space<vmem>>)
        tpu.yield
      }) : () -> ()
      %dma_start3A = arith.constant 0 : i32
      %dma_start3A_25 = arith.constant 0 : i32
      %dma_start3A_26 = tpu.memref_slice %arg6[%dma_start3A, %dma_start3A_25] : memref<2x128xi32, #tpu.memory_space<vmem>> -> memref<1x128xi32, #tpu.memory_space<vmem>>
      %dma_start3A_27 = tpu.memref_squeeze %dma_start3A_26 : memref<1x128xi32, #tpu.memory_space<vmem>> -> memref<128xi32, #tpu.memory_space<vmem>>
      %dma_start3A_28 = arith.constant 0 : i32
      %dma_start3A_29 = arith.constant 0 : i32
      %dma_start3A_30 = tpu.memref_slice %arg2[%dma_start3A_28, %dma_start3A_29] : memref<10000x128xf32, #tpu.memory_space<hbm>> -> memref<10000x128xf32, #tpu.memory_space<hbm>>
      tpu.enqueue_indirect_dma source(%dma_start3A_30 : memref<10000x128xf32, #tpu.memory_space<hbm>>) target(%arg7 : memref<128x128xf32, #tpu.memory_space<vmem>>) offsets(%dma_start3A_27 : memref<128xi32, #tpu.memory_space<vmem>>) semaphore(%arg10 : memref<!tpu.dma_semaphore, #tpu.memory_space<semaphore_mem>>)
      %dma_wait3A = arith.constant 0 : i32
      %dma_wait3A_31 = arith.constant 0 : i32
      %dma_wait3A_32 = tpu.memref_slice %arg6[%dma_wait3A, %dma_wait3A_31] : memref<2x128xi32, #tpu.memory_space<vmem>> -> memref<1x128xi32, #tpu.memory_space<vmem>>
      %dma_wait3A_33 = tpu.memref_squeeze %dma_wait3A_32 : memref<1x128xi32, #tpu.memory_space<vmem>> -> memref<128xi32, #tpu.memory_space<vmem>>
      %dma_wait3A_34 = arith.constant 0 : i32
      %dma_wait3A_35 = arith.constant 0 : i32
      %dma_wait3A_36 = tpu.memref_slice %arg2[%dma_wait3A_34, %dma_wait3A_35] : memref<10000x128xf32, #tpu.memory_space<hbm>> -> memref<10000x128xf32, #tpu.memory_space<hbm>>
      tpu.wait_indirect_dma semaphore(%arg10 : memref<!tpu.dma_semaphore, #tpu.memory_space<semaphore_mem>>) src(%dma_wait3A_36 : memref<10000x128xf32, #tpu.memory_space<hbm>>) dst(%arg7 : memref<128x128xf32, #tpu.memory_space<vmem>>)
      %run_scoped3A = arith.constant 1 : i32
      "tpu.region"() ({
        %run_scoped3A_37 = tpu.sem_alloc : memref<!tpu.dma_semaphore, #tpu.memory_space<semaphore_mem>>
        %dma_start3A_38 = arith.constant 0 : i32
        %dma_start3A_39 = tpu.memref_slice %arg6[%run_scoped3A, %dma_start3A_38] : memref<2x128xi32, #tpu.memory_space<vmem>> -> memref<1x128xi32, #tpu.memory_space<vmem>>
        %dma_start3A_40 = tpu.memref_squeeze %dma_start3A_39 : memref<1x128xi32, #tpu.memory_space<vmem>> -> memref<128xi32, #tpu.memory_space<vmem>>
        %dma_start3A_41 = arith.constant 0 : i32
        %dma_start3A_42 = arith.constant 0 : i32
        %dma_start3A_43 = tpu.memref_slice %arg9[%dma_start3A_41, %dma_start3A_42] : memref<5376x128xf32, #tpu.memory_space<vmem_shared>> -> memref<5376x128xf32, #tpu.memory_space<vmem_shared>>
        tpu.enqueue_indirect_dma source(%arg7 : memref<128x128xf32, #tpu.memory_space<vmem>>) target(%dma_start3A_43 : memref<5376x128xf32, #tpu.memory_space<vmem_shared>>) offsets(%dma_start3A_40 : memref<128xi32, #tpu.memory_space<vmem>>) semaphore(%run_scoped3A_37 : memref<!tpu.dma_semaphore, #tpu.memory_space<semaphore_mem>>) {add = true}
        %dma_wait3A_44 = arith.constant 0 : i32
        %dma_wait3A_45 = tpu.memref_slice %arg6[%run_scoped3A, %dma_wait3A_44] : memref<2x128xi32, #tpu.memory_space<vmem>> -> memref<1x128xi32, #tpu.memory_space<vmem>>
        %dma_wait3A_46 = tpu.memref_squeeze %dma_wait3A_45 : memref<1x128xi32, #tpu.memory_space<vmem>> -> memref<128xi32, #tpu.memory_space<vmem>>
        %dma_wait3A_47 = arith.constant 0 : i32
        %dma_wait3A_48 = arith.constant 0 : i32
        %dma_wait3A_49 = tpu.memref_slice %arg9[%dma_wait3A_47, %dma_wait3A_48] : memref<5376x128xf32, #tpu.memory_space<vmem_shared>> -> memref<5376x128xf32, #tpu.memory_space<vmem_shared>>
        tpu.wait_indirect_dma semaphore(%run_scoped3A_37 : memref<!tpu.dma_semaphore, #tpu.memory_space<semaphore_mem>>) src(%arg7 : memref<128x128xf32, #tpu.memory_space<vmem>>) dst(%dma_wait3A_49 : memref<5376x128xf32, #tpu.memory_space<vmem_shared>>)
        tpu.yield
      }) : () -> ()
    }
    %scan3A_10 = arith.constant 157 : i32
    %barrier3A_11 = arith.constant 0 : index
    tpu.barrier barrier_id(%barrier3A_11)
    %mul3A_12 = arith.constant 320 : i32
    %mul3A_13 = arith.muli %arg1, %mul3A_12 : i32
    %add3A_14 = arith.constant 0 : i32
    %add3A_15 = arith.addi %mul3A_13, %add3A_14 : i32
    "tpu.region"() ({
      %run_scoped3A = tpu.sem_alloc : memref<!tpu.dma_semaphore, #tpu.memory_space<semaphore_mem>>
      %dma_start3A = arith.constant 0 : i32
      %dma_start3A_24 = tpu.memref_slice %arg9[%add3A_15, %dma_start3A] : memref<5376x128xf32, #tpu.memory_space<vmem_shared>> -> memref<160x128xf32, #tpu.memory_space<vmem_shared>>
      %dma_start3A_25 = arith.constant 0 : i32
      %dma_start3A_26 = tpu.memref_slice %arg9[%add3A_15, %dma_start3A_25] : memref<5376x128xf32, #tpu.memory_space<vmem_shared>> -> memref<160x128xf32, #tpu.memory_space<vmem_shared>>
      tpu.enqueue_dma source(%dma_start3A_26 : memref<160x128xf32, #tpu.memory_space<vmem_shared>>) target(%arg8 : memref<160x128xf32, #tpu.memory_space<vmem>>) target_semaphore(%run_scoped3A : memref<!tpu.dma_semaphore, #tpu.memory_space<semaphore_mem>>)
      %dma_wait3A = arith.constant 0 : i32
      %dma_wait3A_27 = tpu.memref_slice %arg9[%add3A_15, %dma_wait3A] : memref<5376x128xf32, #tpu.memory_space<vmem_shared>> -> memref<160x128xf32, #tpu.memory_space<vmem_shared>>
      %dma_wait3A_28 = arith.constant 0 : i32
      %dma_wait3A_29 = tpu.memref_slice %arg9[%add3A_15, %dma_wait3A_28] : memref<5376x128xf32, #tpu.memory_space<vmem_shared>> -> memref<160x128xf32, #tpu.memory_space<vmem_shared>>
      tpu.wait_dma2 semaphore(%run_scoped3A : memref<!tpu.dma_semaphore, #tpu.memory_space<semaphore_mem>>) src(%dma_wait3A_29 : memref<160x128xf32, #tpu.memory_space<vmem_shared>>) dst(%arg8 : memref<160x128xf32, #tpu.memory_space<vmem>>)
      tpu.yield
    }) : () -> ()
    %mul3A_16 = arith.constant 5120 : i32
    %mul3A_17 = arith.muli %arg0, %mul3A_16 : i32
    %add3A_18 = arith.addi %mul3A_17, %add3A_15 : i32
    "tpu.region"() ({
      %run_scoped3A = tpu.sem_alloc : memref<!tpu.dma_semaphore, #tpu.memory_space<semaphore_mem>>
      %dma_start3A = arith.constant 0 : i32
      %dma_start3A_24 = tpu.memref_slice %arg5[%add3A_18, %dma_start3A] : memref<10240x128xf32, #tpu.memory_space<hbm>> -> memref<160x128xf32, #tpu.memory_space<hbm>>
      %dma_start3A_25 = arith.constant 0 : i32
      %dma_start3A_26 = tpu.memref_slice %arg5[%add3A_18, %dma_start3A_25] : memref<10240x128xf32, #tpu.memory_space<hbm>> -> memref<160x128xf32, #tpu.memory_space<hbm>>
      tpu.enqueue_dma source(%arg8 : memref<160x128xf32, #tpu.memory_space<vmem>>) target(%dma_start3A_26 : memref<160x128xf32, #tpu.memory_space<hbm>>) target_semaphore(%run_scoped3A : memref<!tpu.dma_semaphore, #tpu.memory_space<semaphore_mem>>)
      %dma_wait3A = arith.constant 0 : i32
      %dma_wait3A_27 = tpu.memref_slice %arg5[%add3A_18, %dma_wait3A] : memref<10240x128xf32, #tpu.memory_space<hbm>> -> memref<160x128xf32, #tpu.memory_space<hbm>>
      %dma_wait3A_28 = arith.constant 0 : i32
      %dma_wait3A_29 = tpu.memref_slice %arg5[%add3A_18, %dma_wait3A_28] : memref<10240x128xf32, #tpu.memory_space<hbm>> -> memref<160x128xf32, #tpu.memory_space<hbm>>
      tpu.wait_dma2 semaphore(%run_scoped3A : memref<!tpu.dma_semaphore, #tpu.memory_space<semaphore_mem>>) src(%arg8 : memref<160x128xf32, #tpu.memory_space<vmem>>) dst(%dma_wait3A_29 : memref<160x128xf32, #tpu.memory_space<hbm>>)
      tpu.yield
    }) : () -> ()
    %add3A_19 = arith.constant 160 : i32
    %add3A_20 = arith.addi %mul3A_13, %add3A_19 : i32
    "tpu.region"() ({
      %run_scoped3A = tpu.sem_alloc : memref<!tpu.dma_semaphore, #tpu.memory_space<semaphore_mem>>
      %dma_start3A = arith.constant 0 : i32
      %dma_start3A_24 = tpu.memref_slice %arg9[%add3A_20, %dma_start3A] : memref<5376x128xf32, #tpu.memory_space<vmem_shared>> -> memref<160x128xf32, #tpu.memory_space<vmem_shared>>
      %dma_start3A_25 = arith.constant 0 : i32
      %dma_start3A_26 = tpu.memref_slice %arg9[%add3A_20, %dma_start3A_25] : memref<5376x128xf32, #tpu.memory_space<vmem_shared>> -> memref<160x128xf32, #tpu.memory_space<vmem_shared>>
      tpu.enqueue_dma source(%dma_start3A_26 : memref<160x128xf32, #tpu.memory_space<vmem_shared>>) target(%arg8 : memref<160x128xf32, #tpu.memory_space<vmem>>) target_semaphore(%run_scoped3A : memref<!tpu.dma_semaphore, #tpu.memory_space<semaphore_mem>>)
      %dma_wait3A = arith.constant 0 : i32
      %dma_wait3A_27 = tpu.memref_slice %arg9[%add3A_20, %dma_wait3A] : memref<5376x128xf32, #tpu.memory_space<vmem_shared>> -> memref<160x128xf32, #tpu.memory_space<vmem_shared>>
      %dma_wait3A_28 = arith.constant 0 : i32
      %dma_wait3A_29 = tpu.memref_slice %arg9[%add3A_20, %dma_wait3A_28] : memref<5376x128xf32, #tpu.memory_space<vmem_shared>> -> memref<160x128xf32, #tpu.memory_space<vmem_shared>>
      tpu.wait_dma2 semaphore(%run_scoped3A : memref<!tpu.dma_semaphore, #tpu.memory_space<semaphore_mem>>) src(%dma_wait3A_29 : memref<160x128xf32, #tpu.memory_space<vmem_shared>>) dst(%arg8 : memref<160x128xf32, #tpu.memory_space<vmem>>)
      tpu.yield
    }) : () -> ()
    %mul3A_21 = arith.constant 5120 : i32
    %mul3A_22 = arith.muli %arg0, %mul3A_21 : i32
    %add3A_23 = arith.addi %mul3A_22, %add3A_20 : i32
    "tpu.region"() ({
      %run_scoped3A = tpu.sem_alloc : memref<!tpu.dma_semaphore, #tpu.memory_space<semaphore_mem>>
      %dma_start3A = arith.constant 0 : i32
      %dma_start3A_24 = tpu.memref_slice %arg5[%add3A_23, %dma_start3A] : memref<10240x128xf32, #tpu.memory_space<hbm>> -> memref<160x128xf32, #tpu.memory_space<hbm>>
      %dma_start3A_25 = arith.constant 0 : i32
      %dma_start3A_26 = tpu.memref_slice %arg5[%add3A_23, %dma_start3A_25] : memref<10240x128xf32, #tpu.memory_space<hbm>> -> memref<160x128xf32, #tpu.memory_space<hbm>>
      tpu.enqueue_dma source(%arg8 : memref<160x128xf32, #tpu.memory_space<vmem>>) target(%dma_start3A_26 : memref<160x128xf32, #tpu.memory_space<hbm>>) target_semaphore(%run_scoped3A : memref<!tpu.dma_semaphore, #tpu.memory_space<semaphore_mem>>)
      %dma_wait3A = arith.constant 0 : i32
      %dma_wait3A_27 = tpu.memref_slice %arg5[%add3A_23, %dma_wait3A] : memref<10240x128xf32, #tpu.memory_space<hbm>> -> memref<160x128xf32, #tpu.memory_space<hbm>>
      %dma_wait3A_28 = arith.constant 0 : i32
      %dma_wait3A_29 = tpu.memref_slice %arg5[%add3A_23, %dma_wait3A_28] : memref<10240x128xf32, #tpu.memory_space<hbm>> -> memref<160x128xf32, #tpu.memory_space<hbm>>
      tpu.wait_dma2 semaphore(%run_scoped3A : memref<!tpu.dma_semaphore, #tpu.memory_space<semaphore_mem>>) src(%arg8 : memref<160x128xf32, #tpu.memory_space<vmem>>) dst(%dma_wait3A_29 : memref<160x128xf32, #tpu.memory_space<hbm>>)
      tpu.yield
    }) : () -> ()
    return
  }
}

#map = affine_map<(d0, d1) -> (0, 0)>
#map1 = affine_map<(d0, d1) -> (0, 0, 0, 0, 0)>
module attributes {stable_mosaic.version = 14 : i64} {
  func.func @prop(%arg0: i32, %arg1: i32, %arg2: memref<10000x128xf32, #tpu.memory_space<hbm>>, %arg3: memref<2x16x157x2x128xi32, #tpu.memory_space<hbm>>, %arg4: memref<160x128xf32, #tpu.memory_space<hbm>>, %arg5: memref<10240x128xf32, #tpu.memory_space<hbm>>, %arg6: memref<2x128xi32, #tpu.memory_space<vmem>>, %arg7: memref<128x128xf32, #tpu.memory_space<vmem>>, %arg8: memref<160x128xf32, #tpu.memory_space<vmem>>, %arg9: memref<5376x128xf32, #tpu.memory_space<vmem_shared>>, %arg10: memref<!tpu.dma_semaphore, #tpu.memory_space<semaphore_mem>>) attributes {dimension_semantics = [#tpu.dimension_semantics<core_parallel>, #tpu.dimension_semantics<subcore_parallel>], iteration_bounds = array<i64: 2, 16>, scalar_prefetch = 0 : i64, scratch_operands = 5 : i64, tpu.core_type = #tpu.core_type<sc_vector_subcore>, window_params = [{transform_indices = #map}, {transform_indices = #map1}, {transform_indices = #map}, {transform_indices = #map}]} {
    "tpu.region"() ({
      %run_scoped3A = tpu.sem_alloc : memref<!tpu.dma_semaphore, #tpu.memory_space<semaphore_mem>>
      tpu.enqueue_dma source(%arg4 : memref<160x128xf32, #tpu.memory_space<hbm>>) target(%arg8 : memref<160x128xf32, #tpu.memory_space<vmem>>) target_semaphore(%run_scoped3A : memref<!tpu.dma_semaphore, #tpu.memory_space<semaphore_mem>>)
      tpu.wait_dma2 semaphore(%run_scoped3A : memref<!tpu.dma_semaphore, #tpu.memory_space<semaphore_mem>>) src(%arg4 : memref<160x128xf32, #tpu.memory_space<hbm>>) dst(%arg8 : memref<160x128xf32, #tpu.memory_space<vmem>>)
      tpu.yield
    }) : () -> ()
    %mul3A = arith.constant 336 : i32
    %mul3A_0 = arith.muli %arg1, %mul3A : i32
    %add3A = arith.constant 0 : i32
    %add3A_1 = arith.addi %mul3A_0, %add3A : i32
    "tpu.region"() ({
      %run_scoped3A = tpu.sem_alloc : memref<!tpu.dma_semaphore, #tpu.memory_space<semaphore_mem>>
      %dma_start3A = arith.constant 0 : i32
      %dma_start3A_24 = arith.constant 0 : i32
      %dma_start3A_25 = tpu.memref_slice %arg8[%dma_start3A, %dma_start3A_24] : memref<160x128xf32, #tpu.memory_space<vmem>> -> memref<160x128xf32, #tpu.memory_space<vmem>>
      %dma_start3A_26 = arith.constant 0 : i32
      %dma_start3A_27 = tpu.memref_slice %arg9[%add3A_1, %dma_start3A_26] : memref<5376x128xf32, #tpu.memory_space<vmem_shared>> -> memref<160x128xf32, #tpu.memory_space<vmem_shared>>
      %dma_start3A_28 = arith.constant 0 : i32
      %dma_start3A_29 = tpu.memref_slice %arg9[%add3A_1, %dma_start3A_28] : memref<5376x128xf32, #tpu.memory_space<vmem_shared>> -> memref<160x128xf32, #tpu.memory_space<vmem_shared>>
      %dma_start3A_30 = arith.constant 0 : i32
      %dma_start3A_31 = arith.constant 0 : i32
      %dma_start3A_32 = tpu.memref_slice %arg8[%dma_start3A_30, %dma_start3A_31] : memref<160x128xf32, #tpu.memory_space<vmem>> -> memref<160x128xf32, #tpu.memory_space<vmem>>
      tpu.enqueue_dma source(%dma_start3A_32 : memref<160x128xf32, #tpu.memory_space<vmem>>) target(%dma_start3A_29 : memref<160x128xf32, #tpu.memory_space<vmem_shared>>) target_semaphore(%run_scoped3A : memref<!tpu.dma_semaphore, #tpu.memory_space<semaphore_mem>>)
      %dma_wait3A = arith.constant 0 : i32
      %dma_wait3A_33 = arith.constant 0 : i32
      %dma_wait3A_34 = tpu.memref_slice %arg8[%dma_wait3A, %dma_wait3A_33] : memref<160x128xf32, #tpu.memory_space<vmem>> -> memref<160x128xf32, #tpu.memory_space<vmem>>
      %dma_wait3A_35 = arith.constant 0 : i32
      %dma_wait3A_36 = tpu.memref_slice %arg9[%add3A_1, %dma_wait3A_35] : memref<5376x128xf32, #tpu.memory_space<vmem_shared>> -> memref<160x128xf32, #tpu.memory_space<vmem_shared>>
      %dma_wait3A_37 = arith.constant 0 : i32
      %dma_wait3A_38 = tpu.memref_slice %arg9[%add3A_1, %dma_wait3A_37] : memref<5376x128xf32, #tpu.memory_space<vmem_shared>> -> memref<160x128xf32, #tpu.memory_space<vmem_shared>>
      %dma_wait3A_39 = arith.constant 0 : i32
      %dma_wait3A_40 = arith.constant 0 : i32
      %dma_wait3A_41 = tpu.memref_slice %arg8[%dma_wait3A_39, %dma_wait3A_40] : memref<160x128xf32, #tpu.memory_space<vmem>> -> memref<160x128xf32, #tpu.memory_space<vmem>>
      tpu.wait_dma2 semaphore(%run_scoped3A : memref<!tpu.dma_semaphore, #tpu.memory_space<semaphore_mem>>) src(%dma_wait3A_41 : memref<160x128xf32, #tpu.memory_space<vmem>>) dst(%dma_wait3A_38 : memref<160x128xf32, #tpu.memory_space<vmem_shared>>)
      tpu.yield
    }) : () -> ()
    %add3A_2 = arith.constant 160 : i32
    %add3A_3 = arith.addi %mul3A_0, %add3A_2 : i32
    "tpu.region"() ({
      %run_scoped3A = tpu.sem_alloc : memref<!tpu.dma_semaphore, #tpu.memory_space<semaphore_mem>>
      %dma_start3A = arith.constant 0 : i32
      %dma_start3A_24 = arith.constant 0 : i32
      %dma_start3A_25 = tpu.memref_slice %arg8[%dma_start3A, %dma_start3A_24] : memref<160x128xf32, #tpu.memory_space<vmem>> -> memref<160x128xf32, #tpu.memory_space<vmem>>
      %dma_start3A_26 = arith.constant 0 : i32
      %dma_start3A_27 = tpu.memref_slice %arg9[%add3A_3, %dma_start3A_26] : memref<5376x128xf32, #tpu.memory_space<vmem_shared>> -> memref<160x128xf32, #tpu.memory_space<vmem_shared>>
      %dma_start3A_28 = arith.constant 0 : i32
      %dma_start3A_29 = tpu.memref_slice %arg9[%add3A_3, %dma_start3A_28] : memref<5376x128xf32, #tpu.memory_space<vmem_shared>> -> memref<160x128xf32, #tpu.memory_space<vmem_shared>>
      %dma_start3A_30 = arith.constant 0 : i32
      %dma_start3A_31 = arith.constant 0 : i32
      %dma_start3A_32 = tpu.memref_slice %arg8[%dma_start3A_30, %dma_start3A_31] : memref<160x128xf32, #tpu.memory_space<vmem>> -> memref<160x128xf32, #tpu.memory_space<vmem>>
      tpu.enqueue_dma source(%dma_start3A_32 : memref<160x128xf32, #tpu.memory_space<vmem>>) target(%dma_start3A_29 : memref<160x128xf32, #tpu.memory_space<vmem_shared>>) target_semaphore(%run_scoped3A : memref<!tpu.dma_semaphore, #tpu.memory_space<semaphore_mem>>)
      %dma_wait3A = arith.constant 0 : i32
      %dma_wait3A_33 = arith.constant 0 : i32
      %dma_wait3A_34 = tpu.memref_slice %arg8[%dma_wait3A, %dma_wait3A_33] : memref<160x128xf32, #tpu.memory_space<vmem>> -> memref<160x128xf32, #tpu.memory_space<vmem>>
      %dma_wait3A_35 = arith.constant 0 : i32
      %dma_wait3A_36 = tpu.memref_slice %arg9[%add3A_3, %dma_wait3A_35] : memref<5376x128xf32, #tpu.memory_space<vmem_shared>> -> memref<160x128xf32, #tpu.memory_space<vmem_shared>>
      %dma_wait3A_37 = arith.constant 0 : i32
      %dma_wait3A_38 = tpu.memref_slice %arg9[%add3A_3, %dma_wait3A_37] : memref<5376x128xf32, #tpu.memory_space<vmem_shared>> -> memref<160x128xf32, #tpu.memory_space<vmem_shared>>
      %dma_wait3A_39 = arith.constant 0 : i32
      %dma_wait3A_40 = arith.constant 0 : i32
      %dma_wait3A_41 = tpu.memref_slice %arg8[%dma_wait3A_39, %dma_wait3A_40] : memref<160x128xf32, #tpu.memory_space<vmem>> -> memref<160x128xf32, #tpu.memory_space<vmem>>
      tpu.wait_dma2 semaphore(%run_scoped3A : memref<!tpu.dma_semaphore, #tpu.memory_space<semaphore_mem>>) src(%dma_wait3A_41 : memref<160x128xf32, #tpu.memory_space<vmem>>) dst(%dma_wait3A_38 : memref<160x128xf32, #tpu.memory_space<vmem_shared>>)
      tpu.yield
    }) : () -> ()
    %add3A_4 = arith.constant 320 : i32
    %add3A_5 = arith.addi %mul3A_0, %add3A_4 : i32
    "tpu.region"() ({
      %run_scoped3A = tpu.sem_alloc : memref<!tpu.dma_semaphore, #tpu.memory_space<semaphore_mem>>
      %dma_start3A = arith.constant 0 : i32
      %dma_start3A_24 = arith.constant 0 : i32
      %dma_start3A_25 = tpu.memref_slice %arg8[%dma_start3A, %dma_start3A_24] : memref<160x128xf32, #tpu.memory_space<vmem>> -> memref<16x128xf32, #tpu.memory_space<vmem>>
      %dma_start3A_26 = arith.constant 0 : i32
      %dma_start3A_27 = tpu.memref_slice %arg9[%add3A_5, %dma_start3A_26] : memref<5376x128xf32, #tpu.memory_space<vmem_shared>> -> memref<16x128xf32, #tpu.memory_space<vmem_shared>>
      %dma_start3A_28 = arith.constant 0 : i32
      %dma_start3A_29 = tpu.memref_slice %arg9[%add3A_5, %dma_start3A_28] : memref<5376x128xf32, #tpu.memory_space<vmem_shared>> -> memref<16x128xf32, #tpu.memory_space<vmem_shared>>
      %dma_start3A_30 = arith.constant 0 : i32
      %dma_start3A_31 = arith.constant 0 : i32
      %dma_start3A_32 = tpu.memref_slice %arg8[%dma_start3A_30, %dma_start3A_31] : memref<160x128xf32, #tpu.memory_space<vmem>> -> memref<16x128xf32, #tpu.memory_space<vmem>>
      tpu.enqueue_dma source(%dma_start3A_32 : memref<16x128xf32, #tpu.memory_space<vmem>>) target(%dma_start3A_29 : memref<16x128xf32, #tpu.memory_space<vmem_shared>>) target_semaphore(%run_scoped3A : memref<!tpu.dma_semaphore, #tpu.memory_space<semaphore_mem>>)
      %dma_wait3A = arith.constant 0 : i32
      %dma_wait3A_33 = arith.constant 0 : i32
      %dma_wait3A_34 = tpu.memref_slice %arg8[%dma_wait3A, %dma_wait3A_33] : memref<160x128xf32, #tpu.memory_space<vmem>> -> memref<16x128xf32, #tpu.memory_space<vmem>>
      %dma_wait3A_35 = arith.constant 0 : i32
      %dma_wait3A_36 = tpu.memref_slice %arg9[%add3A_5, %dma_wait3A_35] : memref<5376x128xf32, #tpu.memory_space<vmem_shared>> -> memref<16x128xf32, #tpu.memory_space<vmem_shared>>
      %dma_wait3A_37 = arith.constant 0 : i32
      %dma_wait3A_38 = tpu.memref_slice %arg9[%add3A_5, %dma_wait3A_37] : memref<5376x128xf32, #tpu.memory_space<vmem_shared>> -> memref<16x128xf32, #tpu.memory_space<vmem_shared>>
      %dma_wait3A_39 = arith.constant 0 : i32
      %dma_wait3A_40 = arith.constant 0 : i32
      %dma_wait3A_41 = tpu.memref_slice %arg8[%dma_wait3A_39, %dma_wait3A_40] : memref<160x128xf32, #tpu.memory_space<vmem>> -> memref<16x128xf32, #tpu.memory_space<vmem>>
      tpu.wait_dma2 semaphore(%run_scoped3A : memref<!tpu.dma_semaphore, #tpu.memory_space<semaphore_mem>>) src(%dma_wait3A_41 : memref<16x128xf32, #tpu.memory_space<vmem>>) dst(%dma_wait3A_38 : memref<16x128xf32, #tpu.memory_space<vmem_shared>>)
      tpu.yield
    }) : () -> ()
    %barrier3A = arith.constant 0 : index
    tpu.barrier barrier_id(%barrier3A)
    %scan3A = arith.constant 0 : i32
    %scan3A_6 = arith.constant 0 : i32
    %scan3A_7 = arith.constant 157 : i32
    %scan3A_8 = arith.addi %scan3A_6, %scan3A_7 : i32
    %scan3A_9 = arith.constant 1 : i32
    scf.for %scan3A_24 = %scan3A_6 to %scan3A_8 step %scan3A_9  : i32 {
      "tpu.region"() ({
        %run_scoped3A_37 = tpu.sem_alloc : memref<!tpu.dma_semaphore, #tpu.memory_space<semaphore_mem>>
        %dma_start3A_38 = arith.constant 0 : i32
        %dma_start3A_39 = arith.constant 0 : i32
        %dma_start3A_40 = tpu.memref_slice %arg3[%arg0, %arg1, %scan3A_24, %dma_start3A_38, %dma_start3A_39] : memref<2x16x157x2x128xi32, #tpu.memory_space<hbm>> -> memref<1x1x1x2x128xi32, #tpu.memory_space<hbm>>
        %dma_start3A_41 = tpu.memref_squeeze %dma_start3A_40 : memref<1x1x1x2x128xi32, #tpu.memory_space<hbm>> -> memref<2x128xi32, #tpu.memory_space<hbm>>
        %dma_start3A_42 = arith.constant 0 : i32
        %dma_start3A_43 = arith.constant 0 : i32
        %dma_start3A_44 = tpu.memref_slice %arg3[%arg0, %arg1, %scan3A_24, %dma_start3A_42, %dma_start3A_43] : memref<2x16x157x2x128xi32, #tpu.memory_space<hbm>> -> memref<1x1x1x2x128xi32, #tpu.memory_space<hbm>>
        %dma_start3A_45 = tpu.memref_squeeze %dma_start3A_44 : memref<1x1x1x2x128xi32, #tpu.memory_space<hbm>> -> memref<2x128xi32, #tpu.memory_space<hbm>>
        tpu.enqueue_dma source(%dma_start3A_45 : memref<2x128xi32, #tpu.memory_space<hbm>>) target(%arg6 : memref<2x128xi32, #tpu.memory_space<vmem>>) target_semaphore(%run_scoped3A_37 : memref<!tpu.dma_semaphore, #tpu.memory_space<semaphore_mem>>)
        %dma_wait3A_46 = arith.constant 0 : i32
        %dma_wait3A_47 = arith.constant 0 : i32
        %dma_wait3A_48 = tpu.memref_slice %arg3[%arg0, %arg1, %scan3A_24, %dma_wait3A_46, %dma_wait3A_47] : memref<2x16x157x2x128xi32, #tpu.memory_space<hbm>> -> memref<1x1x1x2x128xi32, #tpu.memory_space<hbm>>
        %dma_wait3A_49 = tpu.memref_squeeze %dma_wait3A_48 : memref<1x1x1x2x128xi32, #tpu.memory_space<hbm>> -> memref<2x128xi32, #tpu.memory_space<hbm>>
        %dma_wait3A_50 = arith.constant 0 : i32
        %dma_wait3A_51 = arith.constant 0 : i32
        %dma_wait3A_52 = tpu.memref_slice %arg3[%arg0, %arg1, %scan3A_24, %dma_wait3A_50, %dma_wait3A_51] : memref<2x16x157x2x128xi32, #tpu.memory_space<hbm>> -> memref<1x1x1x2x128xi32, #tpu.memory_space<hbm>>
        %dma_wait3A_53 = tpu.memref_squeeze %dma_wait3A_52 : memref<1x1x1x2x128xi32, #tpu.memory_space<hbm>> -> memref<2x128xi32, #tpu.memory_space<hbm>>
        tpu.wait_dma2 semaphore(%run_scoped3A_37 : memref<!tpu.dma_semaphore, #tpu.memory_space<semaphore_mem>>) src(%dma_wait3A_53 : memref<2x128xi32, #tpu.memory_space<hbm>>) dst(%arg6 : memref<2x128xi32, #tpu.memory_space<vmem>>)
        tpu.yield
      }) : () -> ()
      %dma_start3A = arith.constant 0 : i32
      %dma_start3A_25 = arith.constant 0 : i32
      %dma_start3A_26 = tpu.memref_slice %arg6[%dma_start3A, %dma_start3A_25] : memref<2x128xi32, #tpu.memory_space<vmem>> -> memref<1x128xi32, #tpu.memory_space<vmem>>
      %dma_start3A_27 = tpu.memref_squeeze %dma_start3A_26 : memref<1x128xi32, #tpu.memory_space<vmem>> -> memref<128xi32, #tpu.memory_space<vmem>>
      %dma_start3A_28 = arith.constant 0 : i32
      %dma_start3A_29 = arith.constant 0 : i32
      %dma_start3A_30 = tpu.memref_slice %arg2[%dma_start3A_28, %dma_start3A_29] : memref<10000x128xf32, #tpu.memory_space<hbm>> -> memref<10000x128xf32, #tpu.memory_space<hbm>>
      tpu.enqueue_indirect_dma source(%dma_start3A_30 : memref<10000x128xf32, #tpu.memory_space<hbm>>) target(%arg7 : memref<128x128xf32, #tpu.memory_space<vmem>>) offsets(%dma_start3A_27 : memref<128xi32, #tpu.memory_space<vmem>>) semaphore(%arg10 : memref<!tpu.dma_semaphore, #tpu.memory_space<semaphore_mem>>)
      %dma_wait3A = arith.constant 0 : i32
      %dma_wait3A_31 = arith.constant 0 : i32
      %dma_wait3A_32 = tpu.memref_slice %arg6[%dma_wait3A, %dma_wait3A_31] : memref<2x128xi32, #tpu.memory_space<vmem>> -> memref<1x128xi32, #tpu.memory_space<vmem>>
      %dma_wait3A_33 = tpu.memref_squeeze %dma_wait3A_32 : memref<1x128xi32, #tpu.memory_space<vmem>> -> memref<128xi32, #tpu.memory_space<vmem>>
      %dma_wait3A_34 = arith.constant 0 : i32
      %dma_wait3A_35 = arith.constant 0 : i32
      %dma_wait3A_36 = tpu.memref_slice %arg2[%dma_wait3A_34, %dma_wait3A_35] : memref<10000x128xf32, #tpu.memory_space<hbm>> -> memref<10000x128xf32, #tpu.memory_space<hbm>>
      tpu.wait_indirect_dma semaphore(%arg10 : memref<!tpu.dma_semaphore, #tpu.memory_space<semaphore_mem>>) src(%dma_wait3A_36 : memref<10000x128xf32, #tpu.memory_space<hbm>>) dst(%arg7 : memref<128x128xf32, #tpu.memory_space<vmem>>)
      %run_scoped3A = arith.constant 1 : i32
      "tpu.region"() ({
        %run_scoped3A_37 = tpu.sem_alloc : memref<!tpu.dma_semaphore, #tpu.memory_space<semaphore_mem>>
        %dma_start3A_38 = arith.constant 0 : i32
        %dma_start3A_39 = tpu.memref_slice %arg6[%run_scoped3A, %dma_start3A_38] : memref<2x128xi32, #tpu.memory_space<vmem>> -> memref<1x128xi32, #tpu.memory_space<vmem>>
        %dma_start3A_40 = tpu.memref_squeeze %dma_start3A_39 : memref<1x128xi32, #tpu.memory_space<vmem>> -> memref<128xi32, #tpu.memory_space<vmem>>
        %dma_start3A_41 = arith.constant 0 : i32
        %dma_start3A_42 = arith.constant 0 : i32
        %dma_start3A_43 = tpu.memref_slice %arg9[%dma_start3A_41, %dma_start3A_42] : memref<5376x128xf32, #tpu.memory_space<vmem_shared>> -> memref<5376x128xf32, #tpu.memory_space<vmem_shared>>
        tpu.enqueue_indirect_dma source(%arg7 : memref<128x128xf32, #tpu.memory_space<vmem>>) target(%dma_start3A_43 : memref<5376x128xf32, #tpu.memory_space<vmem_shared>>) offsets(%dma_start3A_40 : memref<128xi32, #tpu.memory_space<vmem>>) semaphore(%run_scoped3A_37 : memref<!tpu.dma_semaphore, #tpu.memory_space<semaphore_mem>>) {add = true}
        %dma_wait3A_44 = arith.constant 0 : i32
        %dma_wait3A_45 = tpu.memref_slice %arg6[%run_scoped3A, %dma_wait3A_44] : memref<2x128xi32, #tpu.memory_space<vmem>> -> memref<1x128xi32, #tpu.memory_space<vmem>>
        %dma_wait3A_46 = tpu.memref_squeeze %dma_wait3A_45 : memref<1x128xi32, #tpu.memory_space<vmem>> -> memref<128xi32, #tpu.memory_space<vmem>>
        %dma_wait3A_47 = arith.constant 0 : i32
        %dma_wait3A_48 = arith.constant 0 : i32
        %dma_wait3A_49 = tpu.memref_slice %arg9[%dma_wait3A_47, %dma_wait3A_48] : memref<5376x128xf32, #tpu.memory_space<vmem_shared>> -> memref<5376x128xf32, #tpu.memory_space<vmem_shared>>
        tpu.wait_indirect_dma semaphore(%run_scoped3A_37 : memref<!tpu.dma_semaphore, #tpu.memory_space<semaphore_mem>>) src(%arg7 : memref<128x128xf32, #tpu.memory_space<vmem>>) dst(%dma_wait3A_49 : memref<5376x128xf32, #tpu.memory_space<vmem_shared>>)
        tpu.yield
      }) : () -> ()
    }
    %scan3A_10 = arith.constant 157 : i32
    %barrier3A_11 = arith.constant 0 : index
    tpu.barrier barrier_id(%barrier3A_11)
    %mul3A_12 = arith.constant 320 : i32
    %mul3A_13 = arith.muli %arg1, %mul3A_12 : i32
    %add3A_14 = arith.constant 0 : i32
    %add3A_15 = arith.addi %mul3A_13, %add3A_14 : i32
    "tpu.region"() ({
      %run_scoped3A = tpu.sem_alloc : memref<!tpu.dma_semaphore, #tpu.memory_space<semaphore_mem>>
      %dma_start3A = arith.constant 0 : i32
      %dma_start3A_24 = tpu.memref_slice %arg9[%add3A_15, %dma_start3A] : memref<5376x128xf32, #tpu.memory_space<vmem_shared>> -> memref<160x128xf32, #tpu.memory_space<vmem_shared>>
      %dma_start3A_25 = arith.constant 0 : i32
      %dma_start3A_26 = tpu.memref_slice %arg9[%add3A_15, %dma_start3A_25] : memref<5376x128xf32, #tpu.memory_space<vmem_shared>> -> memref<160x128xf32, #tpu.memory_space<vmem_shared>>
      tpu.enqueue_dma source(%dma_start3A_26 : memref<160x128xf32, #tpu.memory_space<vmem_shared>>) target(%arg8 : memref<160x128xf32, #tpu.memory_space<vmem>>) target_semaphore(%run_scoped3A : memref<!tpu.dma_semaphore, #tpu.memory_space<semaphore_mem>>)
      %dma_wait3A = arith.constant 0 : i32
      %dma_wait3A_27 = tpu.memref_slice %arg9[%add3A_15, %dma_wait3A] : memref<5376x128xf32, #tpu.memory_space<vmem_shared>> -> memref<160x128xf32, #tpu.memory_space<vmem_shared>>
      %dma_wait3A_28 = arith.constant 0 : i32
      %dma_wait3A_29 = tpu.memref_slice %arg9[%add3A_15, %dma_wait3A_28] : memref<5376x128xf32, #tpu.memory_space<vmem_shared>> -> memref<160x128xf32, #tpu.memory_space<vmem_shared>>
      tpu.wait_dma2 semaphore(%run_scoped3A : memref<!tpu.dma_semaphore, #tpu.memory_space<semaphore_mem>>) src(%dma_wait3A_29 : memref<160x128xf32, #tpu.memory_space<vmem_shared>>) dst(%arg8 : memref<160x128xf32, #tpu.memory_space<vmem>>)
      tpu.yield
    }) : () -> ()
    %mul3A_16 = arith.constant 5120 : i32
    %mul3A_17 = arith.muli %arg0, %mul3A_16 : i32
    %add3A_18 = arith.addi %mul3A_17, %add3A_15 : i32
    "tpu.region"() ({
      %run_scoped3A = tpu.sem_alloc : memref<!tpu.dma_semaphore, #tpu.memory_space<semaphore_mem>>
      %dma_start3A = arith.constant 0 : i32
      %dma_start3A_24 = tpu.memref_slice %arg5[%add3A_18, %dma_start3A] : memref<10240x128xf32, #tpu.memory_space<hbm>> -> memref<160x128xf32, #tpu.memory_space<hbm>>
      %dma_start3A_25 = arith.constant 0 : i32
      %dma_start3A_26 = tpu.memref_slice %arg5[%add3A_18, %dma_start3A_25] : memref<10240x128xf32, #tpu.memory_space<hbm>> -> memref<160x128xf32, #tpu.memory_space<hbm>>
      tpu.enqueue_dma source(%arg8 : memref<160x128xf32, #tpu.memory_space<vmem>>) target(%dma_start3A_26 : memref<160x128xf32, #tpu.memory_space<hbm>>) target_semaphore(%run_scoped3A : memref<!tpu.dma_semaphore, #tpu.memory_space<semaphore_mem>>)
      %dma_wait3A = arith.constant 0 : i32
      %dma_wait3A_27 = tpu.memref_slice %arg5[%add3A_18, %dma_wait3A] : memref<10240x128xf32, #tpu.memory_space<hbm>> -> memref<160x128xf32, #tpu.memory_space<hbm>>
      %dma_wait3A_28 = arith.constant 0 : i32
      %dma_wait3A_29 = tpu.memref_slice %arg5[%add3A_18, %dma_wait3A_28] : memref<10240x128xf32, #tpu.memory_space<hbm>> -> memref<160x128xf32, #tpu.memory_space<hbm>>
      tpu.wait_dma2 semaphore(%run_scoped3A : memref<!tpu.dma_semaphore, #tpu.memory_space<semaphore_mem>>) src(%arg8 : memref<160x128xf32, #tpu.memory_space<vmem>>) dst(%dma_wait3A_29 : memref<160x128xf32, #tpu.memory_space<hbm>>)
      tpu.yield
    }) : () -> ()
    %add3A_19 = arith.constant 160 : i32
    %add3A_20 = arith.addi %mul3A_13, %add3A_19 : i32
    "tpu.region"() ({
      %run_scoped3A = tpu.sem_alloc : memref<!tpu.dma_semaphore, #tpu.memory_space<semaphore_mem>>
      %dma_start3A = arith.constant 0 : i32
      %dma_start3A_24 = tpu.memref_slice %arg9[%add3A_20, %dma_start3A] : memref<5376x128xf32, #tpu.memory_space<vmem_shared>> -> memref<160x128xf32, #tpu.memory_space<vmem_shared>>
      %dma_start3A_25 = arith.constant 0 : i32
      %dma_start3A_26 = tpu.memref_slice %arg9[%add3A_20, %dma_start3A_25] : memref<5376x128xf32, #tpu.memory_space<vmem_shared>> -> memref<160x128xf32, #tpu.memory_space<vmem_shared>>
      tpu.enqueue_dma source(%dma_start3A_26 : memref<160x128xf32, #tpu.memory_space<vmem_shared>>) target(%arg8 : memref<160x128xf32, #tpu.memory_space<vmem>>) target_semaphore(%run_scoped3A : memref<!tpu.dma_semaphore, #tpu.memory_space<semaphore_mem>>)
      %dma_wait3A = arith.constant 0 : i32
      %dma_wait3A_27 = tpu.memref_slice %arg9[%add3A_20, %dma_wait3A] : memref<5376x128xf32, #tpu.memory_space<vmem_shared>> -> memref<160x128xf32, #tpu.memory_space<vmem_shared>>
      %dma_wait3A_28 = arith.constant 0 : i32
      %dma_wait3A_29 = tpu.memref_slice %arg9[%add3A_20, %dma_wait3A_28] : memref<5376x128xf32, #tpu.memory_space<vmem_shared>> -> memref<160x128xf32, #tpu.memory_space<vmem_shared>>
      tpu.wait_dma2 semaphore(%run_scoped3A : memref<!tpu.dma_semaphore, #tpu.memory_space<semaphore_mem>>) src(%dma_wait3A_29 : memref<160x128xf32, #tpu.memory_space<vmem_shared>>) dst(%arg8 : memref<160x128xf32, #tpu.memory_space<vmem>>)
      tpu.yield
    }) : () -> ()
    %mul3A_21 = arith.constant 5120 : i32
    %mul3A_22 = arith.muli %arg0, %mul3A_21 : i32
    %add3A_23 = arith.addi %mul3A_22, %add3A_20 : i32
    "tpu.region"() ({
      %run_scoped3A = tpu.sem_alloc : memref<!tpu.dma_semaphore, #tpu.memory_space<semaphore_mem>>
      %dma_start3A = arith.constant 0 : i32
      %dma_start3A_24 = tpu.memref_slice %arg5[%add3A_23, %dma_start3A] : memref<10240x128xf32, #tpu.memory_space<hbm>> -> memref<160x128xf32, #tpu.memory_space<hbm>>
      %dma_start3A_25 = arith.constant 0 : i32
      %dma_start3A_26 = tpu.memref_slice %arg5[%add3A_23, %dma_start3A_25] : memref<10240x128xf32, #tpu.memory_space<hbm>> -> memref<160x128xf32, #tpu.memory_space<hbm>>
      tpu.enqueue_dma source(%arg8 : memref<160x128xf32, #tpu.memory_space<vmem>>) target(%dma_start3A_26 : memref<160x128xf32, #tpu.memory_space<hbm>>) target_semaphore(%run_scoped3A : memref<!tpu.dma_semaphore, #tpu.memory_space<semaphore_mem>>)
      %dma_wait3A = arith.constant 0 : i32
      %dma_wait3A_27 = tpu.memref_slice %arg5[%add3A_23, %dma_wait3A] : memref<10240x128xf32, #tpu.memory_space<hbm>> -> memref<160x128xf32, #tpu.memory_space<hbm>>
      %dma_wait3A_28 = arith.constant 0 : i32
      %dma_wait3A_29 = tpu.memref_slice %arg5[%add3A_23, %dma_wait3A_28] : memref<10240x128xf32, #tpu.memory_space<hbm>> -> memref<160x128xf32, #tpu.memory_space<hbm>>
      tpu.wait_dma2 semaphore(%run_scoped3A : memref<!tpu.dma_semaphore, #tpu.memory_space<semaphore_mem>>) src(%arg8 : memref<160x128xf32, #tpu.memory_space<vmem>>) dst(%dma_wait3A_29 : memref<160x128xf32, #tpu.memory_space<hbm>>)
      tpu.yield
    }) : () -> ()
    return
  }
}

#map = affine_map<(d0, d1) -> (0, 0)>
#map1 = affine_map<(d0, d1) -> (0, 0, 0, 0, 0)>
module attributes {stable_mosaic.version = 14 : i64} {
  func.func @prop(%arg0: i32, %arg1: i32, %arg2: memref<10000x128xf32, #tpu.memory_space<hbm>>, %arg3: memref<2x16x157x2x128xi32, #tpu.memory_space<hbm>>, %arg4: memref<160x128xf32, #tpu.memory_space<hbm>>, %arg5: memref<10240x128xf32, #tpu.memory_space<hbm>>, %arg6: memref<2x128xi32, #tpu.memory_space<vmem>>, %arg7: memref<128x128xf32, #tpu.memory_space<vmem>>, %arg8: memref<160x128xf32, #tpu.memory_space<vmem>>, %arg9: memref<5376x128xf32, #tpu.memory_space<vmem_shared>>, %arg10: memref<!tpu.dma_semaphore, #tpu.memory_space<semaphore_mem>>) attributes {dimension_semantics = [#tpu.dimension_semantics<core_parallel>, #tpu.dimension_semantics<subcore_parallel>], iteration_bounds = array<i64: 2, 16>, scalar_prefetch = 0 : i64, scratch_operands = 5 : i64, tpu.core_type = #tpu.core_type<sc_vector_subcore>, window_params = [{transform_indices = #map}, {transform_indices = #map1}, {transform_indices = #map}, {transform_indices = #map}]} {
    "tpu.region"() ({
      %run_scoped3A = tpu.sem_alloc : memref<!tpu.dma_semaphore, #tpu.memory_space<semaphore_mem>>
      tpu.enqueue_dma source(%arg4 : memref<160x128xf32, #tpu.memory_space<hbm>>) target(%arg8 : memref<160x128xf32, #tpu.memory_space<vmem>>) target_semaphore(%run_scoped3A : memref<!tpu.dma_semaphore, #tpu.memory_space<semaphore_mem>>)
      tpu.wait_dma2 semaphore(%run_scoped3A : memref<!tpu.dma_semaphore, #tpu.memory_space<semaphore_mem>>) src(%arg4 : memref<160x128xf32, #tpu.memory_space<hbm>>) dst(%arg8 : memref<160x128xf32, #tpu.memory_space<vmem>>)
      tpu.yield
    }) : () -> ()
    %mul3A = arith.constant 336 : i32
    %mul3A_0 = arith.muli %arg1, %mul3A : i32
    %add3A = arith.constant 0 : i32
    %add3A_1 = arith.addi %mul3A_0, %add3A : i32
    "tpu.region"() ({
      %run_scoped3A = tpu.sem_alloc : memref<!tpu.dma_semaphore, #tpu.memory_space<semaphore_mem>>
      %dma_start3A = arith.constant 0 : i32
      %dma_start3A_24 = arith.constant 0 : i32
      %dma_start3A_25 = tpu.memref_slice %arg8[%dma_start3A, %dma_start3A_24] : memref<160x128xf32, #tpu.memory_space<vmem>> -> memref<160x128xf32, #tpu.memory_space<vmem>>
      %dma_start3A_26 = arith.constant 0 : i32
      %dma_start3A_27 = tpu.memref_slice %arg9[%add3A_1, %dma_start3A_26] : memref<5376x128xf32, #tpu.memory_space<vmem_shared>> -> memref<160x128xf32, #tpu.memory_space<vmem_shared>>
      %dma_start3A_28 = arith.constant 0 : i32
      %dma_start3A_29 = tpu.memref_slice %arg9[%add3A_1, %dma_start3A_28] : memref<5376x128xf32, #tpu.memory_space<vmem_shared>> -> memref<160x128xf32, #tpu.memory_space<vmem_shared>>
      %dma_start3A_30 = arith.constant 0 : i32
      %dma_start3A_31 = arith.constant 0 : i32
      %dma_start3A_32 = tpu.memref_slice %arg8[%dma_start3A_30, %dma_start3A_31] : memref<160x128xf32, #tpu.memory_space<vmem>> -> memref<160x128xf32, #tpu.memory_space<vmem>>
      tpu.enqueue_dma source(%dma_start3A_32 : memref<160x128xf32, #tpu.memory_space<vmem>>) target(%dma_start3A_29 : memref<160x128xf32, #tpu.memory_space<vmem_shared>>) target_semaphore(%run_scoped3A : memref<!tpu.dma_semaphore, #tpu.memory_space<semaphore_mem>>)
      %dma_wait3A = arith.constant 0 : i32
      %dma_wait3A_33 = arith.constant 0 : i32
      %dma_wait3A_34 = tpu.memref_slice %arg8[%dma_wait3A, %dma_wait3A_33] : memref<160x128xf32, #tpu.memory_space<vmem>> -> memref<160x128xf32, #tpu.memory_space<vmem>>
      %dma_wait3A_35 = arith.constant 0 : i32
      %dma_wait3A_36 = tpu.memref_slice %arg9[%add3A_1, %dma_wait3A_35] : memref<5376x128xf32, #tpu.memory_space<vmem_shared>> -> memref<160x128xf32, #tpu.memory_space<vmem_shared>>
      %dma_wait3A_37 = arith.constant 0 : i32
      %dma_wait3A_38 = tpu.memref_slice %arg9[%add3A_1, %dma_wait3A_37] : memref<5376x128xf32, #tpu.memory_space<vmem_shared>> -> memref<160x128xf32, #tpu.memory_space<vmem_shared>>
      %dma_wait3A_39 = arith.constant 0 : i32
      %dma_wait3A_40 = arith.constant 0 : i32
      %dma_wait3A_41 = tpu.memref_slice %arg8[%dma_wait3A_39, %dma_wait3A_40] : memref<160x128xf32, #tpu.memory_space<vmem>> -> memref<160x128xf32, #tpu.memory_space<vmem>>
      tpu.wait_dma2 semaphore(%run_scoped3A : memref<!tpu.dma_semaphore, #tpu.memory_space<semaphore_mem>>) src(%dma_wait3A_41 : memref<160x128xf32, #tpu.memory_space<vmem>>) dst(%dma_wait3A_38 : memref<160x128xf32, #tpu.memory_space<vmem_shared>>)
      tpu.yield
    }) : () -> ()
    %add3A_2 = arith.constant 160 : i32
    %add3A_3 = arith.addi %mul3A_0, %add3A_2 : i32
    "tpu.region"() ({
      %run_scoped3A = tpu.sem_alloc : memref<!tpu.dma_semaphore, #tpu.memory_space<semaphore_mem>>
      %dma_start3A = arith.constant 0 : i32
      %dma_start3A_24 = arith.constant 0 : i32
      %dma_start3A_25 = tpu.memref_slice %arg8[%dma_start3A, %dma_start3A_24] : memref<160x128xf32, #tpu.memory_space<vmem>> -> memref<160x128xf32, #tpu.memory_space<vmem>>
      %dma_start3A_26 = arith.constant 0 : i32
      %dma_start3A_27 = tpu.memref_slice %arg9[%add3A_3, %dma_start3A_26] : memref<5376x128xf32, #tpu.memory_space<vmem_shared>> -> memref<160x128xf32, #tpu.memory_space<vmem_shared>>
      %dma_start3A_28 = arith.constant 0 : i32
      %dma_start3A_29 = tpu.memref_slice %arg9[%add3A_3, %dma_start3A_28] : memref<5376x128xf32, #tpu.memory_space<vmem_shared>> -> memref<160x128xf32, #tpu.memory_space<vmem_shared>>
      %dma_start3A_30 = arith.constant 0 : i32
      %dma_start3A_31 = arith.constant 0 : i32
      %dma_start3A_32 = tpu.memref_slice %arg8[%dma_start3A_30, %dma_start3A_31] : memref<160x128xf32, #tpu.memory_space<vmem>> -> memref<160x128xf32, #tpu.memory_space<vmem>>
      tpu.enqueue_dma source(%dma_start3A_32 : memref<160x128xf32, #tpu.memory_space<vmem>>) target(%dma_start3A_29 : memref<160x128xf32, #tpu.memory_space<vmem_shared>>) target_semaphore(%run_scoped3A : memref<!tpu.dma_semaphore, #tpu.memory_space<semaphore_mem>>)
      %dma_wait3A = arith.constant 0 : i32
      %dma_wait3A_33 = arith.constant 0 : i32
      %dma_wait3A_34 = tpu.memref_slice %arg8[%dma_wait3A, %dma_wait3A_33] : memref<160x128xf32, #tpu.memory_space<vmem>> -> memref<160x128xf32, #tpu.memory_space<vmem>>
      %dma_wait3A_35 = arith.constant 0 : i32
      %dma_wait3A_36 = tpu.memref_slice %arg9[%add3A_3, %dma_wait3A_35] : memref<5376x128xf32, #tpu.memory_space<vmem_shared>> -> memref<160x128xf32, #tpu.memory_space<vmem_shared>>
      %dma_wait3A_37 = arith.constant 0 : i32
      %dma_wait3A_38 = tpu.memref_slice %arg9[%add3A_3, %dma_wait3A_37] : memref<5376x128xf32, #tpu.memory_space<vmem_shared>> -> memref<160x128xf32, #tpu.memory_space<vmem_shared>>
      %dma_wait3A_39 = arith.constant 0 : i32
      %dma_wait3A_40 = arith.constant 0 : i32
      %dma_wait3A_41 = tpu.memref_slice %arg8[%dma_wait3A_39, %dma_wait3A_40] : memref<160x128xf32, #tpu.memory_space<vmem>> -> memref<160x128xf32, #tpu.memory_space<vmem>>
      tpu.wait_dma2 semaphore(%run_scoped3A : memref<!tpu.dma_semaphore, #tpu.memory_space<semaphore_mem>>) src(%dma_wait3A_41 : memref<160x128xf32, #tpu.memory_space<vmem>>) dst(%dma_wait3A_38 : memref<160x128xf32, #tpu.memory_space<vmem_shared>>)
      tpu.yield
    }) : () -> ()
    %add3A_4 = arith.constant 320 : i32
    %add3A_5 = arith.addi %mul3A_0, %add3A_4 : i32
    "tpu.region"() ({
      %run_scoped3A = tpu.sem_alloc : memref<!tpu.dma_semaphore, #tpu.memory_space<semaphore_mem>>
      %dma_start3A = arith.constant 0 : i32
      %dma_start3A_24 = arith.constant 0 : i32
      %dma_start3A_25 = tpu.memref_slice %arg8[%dma_start3A, %dma_start3A_24] : memref<160x128xf32, #tpu.memory_space<vmem>> -> memref<16x128xf32, #tpu.memory_space<vmem>>
      %dma_start3A_26 = arith.constant 0 : i32
      %dma_start3A_27 = tpu.memref_slice %arg9[%add3A_5, %dma_start3A_26] : memref<5376x128xf32, #tpu.memory_space<vmem_shared>> -> memref<16x128xf32, #tpu.memory_space<vmem_shared>>
      %dma_start3A_28 = arith.constant 0 : i32
      %dma_start3A_29 = tpu.memref_slice %arg9[%add3A_5, %dma_start3A_28] : memref<5376x128xf32, #tpu.memory_space<vmem_shared>> -> memref<16x128xf32, #tpu.memory_space<vmem_shared>>
      %dma_start3A_30 = arith.constant 0 : i32
      %dma_start3A_31 = arith.constant 0 : i32
      %dma_start3A_32 = tpu.memref_slice %arg8[%dma_start3A_30, %dma_start3A_31] : memref<160x128xf32, #tpu.memory_space<vmem>> -> memref<16x128xf32, #tpu.memory_space<vmem>>
      tpu.enqueue_dma source(%dma_start3A_32 : memref<16x128xf32, #tpu.memory_space<vmem>>) target(%dma_start3A_29 : memref<16x128xf32, #tpu.memory_space<vmem_shared>>) target_semaphore(%run_scoped3A : memref<!tpu.dma_semaphore, #tpu.memory_space<semaphore_mem>>)
      %dma_wait3A = arith.constant 0 : i32
      %dma_wait3A_33 = arith.constant 0 : i32
      %dma_wait3A_34 = tpu.memref_slice %arg8[%dma_wait3A, %dma_wait3A_33] : memref<160x128xf32, #tpu.memory_space<vmem>> -> memref<16x128xf32, #tpu.memory_space<vmem>>
      %dma_wait3A_35 = arith.constant 0 : i32
      %dma_wait3A_36 = tpu.memref_slice %arg9[%add3A_5, %dma_wait3A_35] : memref<5376x128xf32, #tpu.memory_space<vmem_shared>> -> memref<16x128xf32, #tpu.memory_space<vmem_shared>>
      %dma_wait3A_37 = arith.constant 0 : i32
      %dma_wait3A_38 = tpu.memref_slice %arg9[%add3A_5, %dma_wait3A_37] : memref<5376x128xf32, #tpu.memory_space<vmem_shared>> -> memref<16x128xf32, #tpu.memory_space<vmem_shared>>
      %dma_wait3A_39 = arith.constant 0 : i32
      %dma_wait3A_40 = arith.constant 0 : i32
      %dma_wait3A_41 = tpu.memref_slice %arg8[%dma_wait3A_39, %dma_wait3A_40] : memref<160x128xf32, #tpu.memory_space<vmem>> -> memref<16x128xf32, #tpu.memory_space<vmem>>
      tpu.wait_dma2 semaphore(%run_scoped3A : memref<!tpu.dma_semaphore, #tpu.memory_space<semaphore_mem>>) src(%dma_wait3A_41 : memref<16x128xf32, #tpu.memory_space<vmem>>) dst(%dma_wait3A_38 : memref<16x128xf32, #tpu.memory_space<vmem_shared>>)
      tpu.yield
    }) : () -> ()
    %barrier3A = arith.constant 0 : index
    tpu.barrier barrier_id(%barrier3A)
    %scan3A = arith.constant 0 : i32
    %scan3A_6 = arith.constant 0 : i32
    %scan3A_7 = arith.constant 157 : i32
    %scan3A_8 = arith.addi %scan3A_6, %scan3A_7 : i32
    %scan3A_9 = arith.constant 1 : i32
    scf.for %scan3A_24 = %scan3A_6 to %scan3A_8 step %scan3A_9  : i32 {
      "tpu.region"() ({
        %run_scoped3A_37 = tpu.sem_alloc : memref<!tpu.dma_semaphore, #tpu.memory_space<semaphore_mem>>
        %dma_start3A_38 = arith.constant 0 : i32
        %dma_start3A_39 = arith.constant 0 : i32
        %dma_start3A_40 = tpu.memref_slice %arg3[%arg0, %arg1, %scan3A_24, %dma_start3A_38, %dma_start3A_39] : memref<2x16x157x2x128xi32, #tpu.memory_space<hbm>> -> memref<1x1x1x2x128xi32, #tpu.memory_space<hbm>>
        %dma_start3A_41 = tpu.memref_squeeze %dma_start3A_40 : memref<1x1x1x2x128xi32, #tpu.memory_space<hbm>> -> memref<2x128xi32, #tpu.memory_space<hbm>>
        %dma_start3A_42 = arith.constant 0 : i32
        %dma_start3A_43 = arith.constant 0 : i32
        %dma_start3A_44 = tpu.memref_slice %arg3[%arg0, %arg1, %scan3A_24, %dma_start3A_42, %dma_start3A_43] : memref<2x16x157x2x128xi32, #tpu.memory_space<hbm>> -> memref<1x1x1x2x128xi32, #tpu.memory_space<hbm>>
        %dma_start3A_45 = tpu.memref_squeeze %dma_start3A_44 : memref<1x1x1x2x128xi32, #tpu.memory_space<hbm>> -> memref<2x128xi32, #tpu.memory_space<hbm>>
        tpu.enqueue_dma source(%dma_start3A_45 : memref<2x128xi32, #tpu.memory_space<hbm>>) target(%arg6 : memref<2x128xi32, #tpu.memory_space<vmem>>) target_semaphore(%run_scoped3A_37 : memref<!tpu.dma_semaphore, #tpu.memory_space<semaphore_mem>>)
        %dma_wait3A_46 = arith.constant 0 : i32
        %dma_wait3A_47 = arith.constant 0 : i32
        %dma_wait3A_48 = tpu.memref_slice %arg3[%arg0, %arg1, %scan3A_24, %dma_wait3A_46, %dma_wait3A_47] : memref<2x16x157x2x128xi32, #tpu.memory_space<hbm>> -> memref<1x1x1x2x128xi32, #tpu.memory_space<hbm>>
        %dma_wait3A_49 = tpu.memref_squeeze %dma_wait3A_48 : memref<1x1x1x2x128xi32, #tpu.memory_space<hbm>> -> memref<2x128xi32, #tpu.memory_space<hbm>>
        %dma_wait3A_50 = arith.constant 0 : i32
        %dma_wait3A_51 = arith.constant 0 : i32
        %dma_wait3A_52 = tpu.memref_slice %arg3[%arg0, %arg1, %scan3A_24, %dma_wait3A_50, %dma_wait3A_51] : memref<2x16x157x2x128xi32, #tpu.memory_space<hbm>> -> memref<1x1x1x2x128xi32, #tpu.memory_space<hbm>>
        %dma_wait3A_53 = tpu.memref_squeeze %dma_wait3A_52 : memref<1x1x1x2x128xi32, #tpu.memory_space<hbm>> -> memref<2x128xi32, #tpu.memory_space<hbm>>
        tpu.wait_dma2 semaphore(%run_scoped3A_37 : memref<!tpu.dma_semaphore, #tpu.memory_space<semaphore_mem>>) src(%dma_wait3A_53 : memref<2x128xi32, #tpu.memory_space<hbm>>) dst(%arg6 : memref<2x128xi32, #tpu.memory_space<vmem>>)
        tpu.yield
      }) : () -> ()
      %dma_start3A = arith.constant 0 : i32
      %dma_start3A_25 = arith.constant 0 : i32
      %dma_start3A_26 = tpu.memref_slice %arg6[%dma_start3A, %dma_start3A_25] : memref<2x128xi32, #tpu.memory_space<vmem>> -> memref<1x128xi32, #tpu.memory_space<vmem>>
      %dma_start3A_27 = tpu.memref_squeeze %dma_start3A_26 : memref<1x128xi32, #tpu.memory_space<vmem>> -> memref<128xi32, #tpu.memory_space<vmem>>
      %dma_start3A_28 = arith.constant 0 : i32
      %dma_start3A_29 = arith.constant 0 : i32
      %dma_start3A_30 = tpu.memref_slice %arg2[%dma_start3A_28, %dma_start3A_29] : memref<10000x128xf32, #tpu.memory_space<hbm>> -> memref<10000x128xf32, #tpu.memory_space<hbm>>
      tpu.enqueue_indirect_dma source(%dma_start3A_30 : memref<10000x128xf32, #tpu.memory_space<hbm>>) target(%arg7 : memref<128x128xf32, #tpu.memory_space<vmem>>) offsets(%dma_start3A_27 : memref<128xi32, #tpu.memory_space<vmem>>) semaphore(%arg10 : memref<!tpu.dma_semaphore, #tpu.memory_space<semaphore_mem>>)
      %dma_wait3A = arith.constant 0 : i32
      %dma_wait3A_31 = arith.constant 0 : i32
      %dma_wait3A_32 = tpu.memref_slice %arg6[%dma_wait3A, %dma_wait3A_31] : memref<2x128xi32, #tpu.memory_space<vmem>> -> memref<1x128xi32, #tpu.memory_space<vmem>>
      %dma_wait3A_33 = tpu.memref_squeeze %dma_wait3A_32 : memref<1x128xi32, #tpu.memory_space<vmem>> -> memref<128xi32, #tpu.memory_space<vmem>>
      %dma_wait3A_34 = arith.constant 0 : i32
      %dma_wait3A_35 = arith.constant 0 : i32
      %dma_wait3A_36 = tpu.memref_slice %arg2[%dma_wait3A_34, %dma_wait3A_35] : memref<10000x128xf32, #tpu.memory_space<hbm>> -> memref<10000x128xf32, #tpu.memory_space<hbm>>
      tpu.wait_indirect_dma semaphore(%arg10 : memref<!tpu.dma_semaphore, #tpu.memory_space<semaphore_mem>>) src(%dma_wait3A_36 : memref<10000x128xf32, #tpu.memory_space<hbm>>) dst(%arg7 : memref<128x128xf32, #tpu.memory_space<vmem>>)
      %run_scoped3A = arith.constant 1 : i32
      "tpu.region"() ({
        %run_scoped3A_37 = tpu.sem_alloc : memref<!tpu.dma_semaphore, #tpu.memory_space<semaphore_mem>>
        %dma_start3A_38 = arith.constant 0 : i32
        %dma_start3A_39 = tpu.memref_slice %arg6[%run_scoped3A, %dma_start3A_38] : memref<2x128xi32, #tpu.memory_space<vmem>> -> memref<1x128xi32, #tpu.memory_space<vmem>>
        %dma_start3A_40 = tpu.memref_squeeze %dma_start3A_39 : memref<1x128xi32, #tpu.memory_space<vmem>> -> memref<128xi32, #tpu.memory_space<vmem>>
        %dma_start3A_41 = arith.constant 0 : i32
        %dma_start3A_42 = arith.constant 0 : i32
        %dma_start3A_43 = tpu.memref_slice %arg9[%dma_start3A_41, %dma_start3A_42] : memref<5376x128xf32, #tpu.memory_space<vmem_shared>> -> memref<5376x128xf32, #tpu.memory_space<vmem_shared>>
        tpu.enqueue_indirect_dma source(%arg7 : memref<128x128xf32, #tpu.memory_space<vmem>>) target(%dma_start3A_43 : memref<5376x128xf32, #tpu.memory_space<vmem_shared>>) offsets(%dma_start3A_40 : memref<128xi32, #tpu.memory_space<vmem>>) semaphore(%run_scoped3A_37 : memref<!tpu.dma_semaphore, #tpu.memory_space<semaphore_mem>>) {add = true}
        %dma_wait3A_44 = arith.constant 0 : i32
        %dma_wait3A_45 = tpu.memref_slice %arg6[%run_scoped3A, %dma_wait3A_44] : memref<2x128xi32, #tpu.memory_space<vmem>> -> memref<1x128xi32, #tpu.memory_space<vmem>>
        %dma_wait3A_46 = tpu.memref_squeeze %dma_wait3A_45 : memref<1x128xi32, #tpu.memory_space<vmem>> -> memref<128xi32, #tpu.memory_space<vmem>>
        %dma_wait3A_47 = arith.constant 0 : i32
        %dma_wait3A_48 = arith.constant 0 : i32
        %dma_wait3A_49 = tpu.memref_slice %arg9[%dma_wait3A_47, %dma_wait3A_48] : memref<5376x128xf32, #tpu.memory_space<vmem_shared>> -> memref<5376x128xf32, #tpu.memory_space<vmem_shared>>
        tpu.wait_indirect_dma semaphore(%run_scoped3A_37 : memref<!tpu.dma_semaphore, #tpu.memory_space<semaphore_mem>>) src(%arg7 : memref<128x128xf32, #tpu.memory_space<vmem>>) dst(%dma_wait3A_49 : memref<5376x128xf32, #tpu.memory_space<vmem_shared>>)
        tpu.yield
      }) : () -> ()
    }
    %scan3A_10 = arith.constant 157 : i32
    %barrier3A_11 = arith.constant 0 : index
    tpu.barrier barrier_id(%barrier3A_11)
    %mul3A_12 = arith.constant 320 : i32
    %mul3A_13 = arith.muli %arg1, %mul3A_12 : i32
    %add3A_14 = arith.constant 0 : i32
    %add3A_15 = arith.addi %mul3A_13, %add3A_14 : i32
    "tpu.region"() ({
      %run_scoped3A = tpu.sem_alloc : memref<!tpu.dma_semaphore, #tpu.memory_space<semaphore_mem>>
      %dma_start3A = arith.constant 0 : i32
      %dma_start3A_24 = tpu.memref_slice %arg9[%add3A_15, %dma_start3A] : memref<5376x128xf32, #tpu.memory_space<vmem_shared>> -> memref<160x128xf32, #tpu.memory_space<vmem_shared>>
      %dma_start3A_25 = arith.constant 0 : i32
      %dma_start3A_26 = tpu.memref_slice %arg9[%add3A_15, %dma_start3A_25] : memref<5376x128xf32, #tpu.memory_space<vmem_shared>> -> memref<160x128xf32, #tpu.memory_space<vmem_shared>>
      tpu.enqueue_dma source(%dma_start3A_26 : memref<160x128xf32, #tpu.memory_space<vmem_shared>>) target(%arg8 : memref<160x128xf32, #tpu.memory_space<vmem>>) target_semaphore(%run_scoped3A : memref<!tpu.dma_semaphore, #tpu.memory_space<semaphore_mem>>)
      %dma_wait3A = arith.constant 0 : i32
      %dma_wait3A_27 = tpu.memref_slice %arg9[%add3A_15, %dma_wait3A] : memref<5376x128xf32, #tpu.memory_space<vmem_shared>> -> memref<160x128xf32, #tpu.memory_space<vmem_shared>>
      %dma_wait3A_28 = arith.constant 0 : i32
      %dma_wait3A_29 = tpu.memref_slice %arg9[%add3A_15, %dma_wait3A_28] : memref<5376x128xf32, #tpu.memory_space<vmem_shared>> -> memref<160x128xf32, #tpu.memory_space<vmem_shared>>
      tpu.wait_dma2 semaphore(%run_scoped3A : memref<!tpu.dma_semaphore, #tpu.memory_space<semaphore_mem>>) src(%dma_wait3A_29 : memref<160x128xf32, #tpu.memory_space<vmem_shared>>) dst(%arg8 : memref<160x128xf32, #tpu.memory_space<vmem>>)
      tpu.yield
    }) : () -> ()
    %mul3A_16 = arith.constant 5120 : i32
    %mul3A_17 = arith.muli %arg0, %mul3A_16 : i32
    %add3A_18 = arith.addi %mul3A_17, %add3A_15 : i32
    "tpu.region"() ({
      %run_scoped3A = tpu.sem_alloc : memref<!tpu.dma_semaphore, #tpu.memory_space<semaphore_mem>>
      %dma_start3A = arith.constant 0 : i32
      %dma_start3A_24 = tpu.memref_slice %arg5[%add3A_18, %dma_start3A] : memref<10240x128xf32, #tpu.memory_space<hbm>> -> memref<160x128xf32, #tpu.memory_space<hbm>>
      %dma_start3A_25 = arith.constant 0 : i32
      %dma_start3A_26 = tpu.memref_slice %arg5[%add3A_18, %dma_start3A_25] : memref<10240x128xf32, #tpu.memory_space<hbm>> -> memref<160x128xf32, #tpu.memory_space<hbm>>
      tpu.enqueue_dma source(%arg8 : memref<160x128xf32, #tpu.memory_space<vmem>>) target(%dma_start3A_26 : memref<160x128xf32, #tpu.memory_space<hbm>>) target_semaphore(%run_scoped3A : memref<!tpu.dma_semaphore, #tpu.memory_space<semaphore_mem>>)
      %dma_wait3A = arith.constant 0 : i32
      %dma_wait3A_27 = tpu.memref_slice %arg5[%add3A_18, %dma_wait3A] : memref<10240x128xf32, #tpu.memory_space<hbm>> -> memref<160x128xf32, #tpu.memory_space<hbm>>
      %dma_wait3A_28 = arith.constant 0 : i32
      %dma_wait3A_29 = tpu.memref_slice %arg5[%add3A_18, %dma_wait3A_28] : memref<10240x128xf32, #tpu.memory_space<hbm>> -> memref<160x128xf32, #tpu.memory_space<hbm>>
      tpu.wait_dma2 semaphore(%run_scoped3A : memref<!tpu.dma_semaphore, #tpu.memory_space<semaphore_mem>>) src(%arg8 : memref<160x128xf32, #tpu.memory_space<vmem>>) dst(%dma_wait3A_29 : memref<160x128xf32, #tpu.memory_space<hbm>>)
      tpu.yield
    }) : () -> ()
    %add3A_19 = arith.constant 160 : i32
    %add3A_20 = arith.addi %mul3A_13, %add3A_19 : i32
    "tpu.region"() ({
      %run_scoped3A = tpu.sem_alloc : memref<!tpu.dma_semaphore, #tpu.memory_space<semaphore_mem>>
      %dma_start3A = arith.constant 0 : i32
      %dma_start3A_24 = tpu.memref_slice %arg9[%add3A_20, %dma_start3A] : memref<5376x128xf32, #tpu.memory_space<vmem_shared>> -> memref<160x128xf32, #tpu.memory_space<vmem_shared>>
      %dma_start3A_25 = arith.constant 0 : i32
      %dma_start3A_26 = tpu.memref_slice %arg9[%add3A_20, %dma_start3A_25] : memref<5376x128xf32, #tpu.memory_space<vmem_shared>> -> memref<160x128xf32, #tpu.memory_space<vmem_shared>>
      tpu.enqueue_dma source(%dma_start3A_26 : memref<160x128xf32, #tpu.memory_space<vmem_shared>>) target(%arg8 : memref<160x128xf32, #tpu.memory_space<vmem>>) target_semaphore(%run_scoped3A : memref<!tpu.dma_semaphore, #tpu.memory_space<semaphore_mem>>)
      %dma_wait3A = arith.constant 0 : i32
      %dma_wait3A_27 = tpu.memref_slice %arg9[%add3A_20, %dma_wait3A] : memref<5376x128xf32, #tpu.memory_space<vmem_shared>> -> memref<160x128xf32, #tpu.memory_space<vmem_shared>>
      %dma_wait3A_28 = arith.constant 0 : i32
      %dma_wait3A_29 = tpu.memref_slice %arg9[%add3A_20, %dma_wait3A_28] : memref<5376x128xf32, #tpu.memory_space<vmem_shared>> -> memref<160x128xf32, #tpu.memory_space<vmem_shared>>
      tpu.wait_dma2 semaphore(%run_scoped3A : memref<!tpu.dma_semaphore, #tpu.memory_space<semaphore_mem>>) src(%dma_wait3A_29 : memref<160x128xf32, #tpu.memory_space<vmem_shared>>) dst(%arg8 : memref<160x128xf32, #tpu.memory_space<vmem>>)
      tpu.yield
    }) : () -> ()
    %mul3A_21 = arith.constant 5120 : i32
    %mul3A_22 = arith.muli %arg0, %mul3A_21 : i32
    %add3A_23 = arith.addi %mul3A_22, %add3A_20 : i32
    "tpu.region"() ({
      %run_scoped3A = tpu.sem_alloc : memref<!tpu.dma_semaphore, #tpu.memory_space<semaphore_mem>>
      %dma_start3A = arith.constant 0 : i32
      %dma_start3A_24 = tpu.memref_slice %arg5[%add3A_23, %dma_start3A] : memref<10240x128xf32, #tpu.memory_space<hbm>> -> memref<160x128xf32, #tpu.memory_space<hbm>>
      %dma_start3A_25 = arith.constant 0 : i32
      %dma_start3A_26 = tpu.memref_slice %arg5[%add3A_23, %dma_start3A_25] : memref<10240x128xf32, #tpu.memory_space<hbm>> -> memref<160x128xf32, #tpu.memory_space<hbm>>
      tpu.enqueue_dma source(%arg8 : memref<160x128xf32, #tpu.memory_space<vmem>>) target(%dma_start3A_26 : memref<160x128xf32, #tpu.memory_space<hbm>>) target_semaphore(%run_scoped3A : memref<!tpu.dma_semaphore, #tpu.memory_space<semaphore_mem>>)
      %dma_wait3A = arith.constant 0 : i32
      %dma_wait3A_27 = tpu.memref_slice %arg5[%add3A_23, %dma_wait3A] : memref<10240x128xf32, #tpu.memory_space<hbm>> -> memref<160x128xf32, #tpu.memory_space<hbm>>
      %dma_wait3A_28 = arith.constant 0 : i32
      %dma_wait3A_29 = tpu.memref_slice %arg5[%add3A_23, %dma_wait3A_28] : memref<10240x128xf32, #tpu.memory_space<hbm>> -> memref<160x128xf32, #tpu.memory_space<hbm>>
      tpu.wait_dma2 semaphore(%run_scoped3A : memref<!tpu.dma_semaphore, #tpu.memory_space<semaphore_mem>>) src(%arg8 : memref<160x128xf32, #tpu.memory_space<vmem>>) dst(%dma_wait3A_29 : memref<160x128xf32, #tpu.memory_space<hbm>>)
      tpu.yield
    }) : () -> ()
    return
  }
}

#map = affine_map<(d0, d1) -> (0, 0)>
#map1 = affine_map<(d0, d1) -> (0, 0, 0, 0, 0)>
module attributes {stable_mosaic.version = 14 : i64} {
  func.func @prop(%arg0: i32, %arg1: i32, %arg2: memref<10000x128xf32, #tpu.memory_space<hbm>>, %arg3: memref<2x16x157x2x128xi32, #tpu.memory_space<hbm>>, %arg4: memref<160x128xf32, #tpu.memory_space<hbm>>, %arg5: memref<10240x128xf32, #tpu.memory_space<hbm>>, %arg6: memref<2x128xi32, #tpu.memory_space<vmem>>, %arg7: memref<128x128xf32, #tpu.memory_space<vmem>>, %arg8: memref<160x128xf32, #tpu.memory_space<vmem>>, %arg9: memref<5376x128xf32, #tpu.memory_space<vmem_shared>>, %arg10: memref<!tpu.dma_semaphore, #tpu.memory_space<semaphore_mem>>) attributes {dimension_semantics = [#tpu.dimension_semantics<core_parallel>, #tpu.dimension_semantics<subcore_parallel>], iteration_bounds = array<i64: 2, 16>, scalar_prefetch = 0 : i64, scratch_operands = 5 : i64, tpu.core_type = #tpu.core_type<sc_vector_subcore>, window_params = [{transform_indices = #map}, {transform_indices = #map1}, {transform_indices = #map}, {transform_indices = #map}]} {
    "tpu.region"() ({
      %run_scoped3A = tpu.sem_alloc : memref<!tpu.dma_semaphore, #tpu.memory_space<semaphore_mem>>
      tpu.enqueue_dma source(%arg4 : memref<160x128xf32, #tpu.memory_space<hbm>>) target(%arg8 : memref<160x128xf32, #tpu.memory_space<vmem>>) target_semaphore(%run_scoped3A : memref<!tpu.dma_semaphore, #tpu.memory_space<semaphore_mem>>)
      tpu.wait_dma2 semaphore(%run_scoped3A : memref<!tpu.dma_semaphore, #tpu.memory_space<semaphore_mem>>) src(%arg4 : memref<160x128xf32, #tpu.memory_space<hbm>>) dst(%arg8 : memref<160x128xf32, #tpu.memory_space<vmem>>)
      tpu.yield
    }) : () -> ()
    %mul3A = arith.constant 336 : i32
    %mul3A_0 = arith.muli %arg1, %mul3A : i32
    %add3A = arith.constant 0 : i32
    %add3A_1 = arith.addi %mul3A_0, %add3A : i32
    "tpu.region"() ({
      %run_scoped3A = tpu.sem_alloc : memref<!tpu.dma_semaphore, #tpu.memory_space<semaphore_mem>>
      %dma_start3A = arith.constant 0 : i32
      %dma_start3A_24 = arith.constant 0 : i32
      %dma_start3A_25 = tpu.memref_slice %arg8[%dma_start3A, %dma_start3A_24] : memref<160x128xf32, #tpu.memory_space<vmem>> -> memref<160x128xf32, #tpu.memory_space<vmem>>
      %dma_start3A_26 = arith.constant 0 : i32
      %dma_start3A_27 = tpu.memref_slice %arg9[%add3A_1, %dma_start3A_26] : memref<5376x128xf32, #tpu.memory_space<vmem_shared>> -> memref<160x128xf32, #tpu.memory_space<vmem_shared>>
      %dma_start3A_28 = arith.constant 0 : i32
      %dma_start3A_29 = tpu.memref_slice %arg9[%add3A_1, %dma_start3A_28] : memref<5376x128xf32, #tpu.memory_space<vmem_shared>> -> memref<160x128xf32, #tpu.memory_space<vmem_shared>>
      %dma_start3A_30 = arith.constant 0 : i32
      %dma_start3A_31 = arith.constant 0 : i32
      %dma_start3A_32 = tpu.memref_slice %arg8[%dma_start3A_30, %dma_start3A_31] : memref<160x128xf32, #tpu.memory_space<vmem>> -> memref<160x128xf32, #tpu.memory_space<vmem>>
      tpu.enqueue_dma source(%dma_start3A_32 : memref<160x128xf32, #tpu.memory_space<vmem>>) target(%dma_start3A_29 : memref<160x128xf32, #tpu.memory_space<vmem_shared>>) target_semaphore(%run_scoped3A : memref<!tpu.dma_semaphore, #tpu.memory_space<semaphore_mem>>)
      %dma_wait3A = arith.constant 0 : i32
      %dma_wait3A_33 = arith.constant 0 : i32
      %dma_wait3A_34 = tpu.memref_slice %arg8[%dma_wait3A, %dma_wait3A_33] : memref<160x128xf32, #tpu.memory_space<vmem>> -> memref<160x128xf32, #tpu.memory_space<vmem>>
      %dma_wait3A_35 = arith.constant 0 : i32
      %dma_wait3A_36 = tpu.memref_slice %arg9[%add3A_1, %dma_wait3A_35] : memref<5376x128xf32, #tpu.memory_space<vmem_shared>> -> memref<160x128xf32, #tpu.memory_space<vmem_shared>>
      %dma_wait3A_37 = arith.constant 0 : i32
      %dma_wait3A_38 = tpu.memref_slice %arg9[%add3A_1, %dma_wait3A_37] : memref<5376x128xf32, #tpu.memory_space<vmem_shared>> -> memref<160x128xf32, #tpu.memory_space<vmem_shared>>
      %dma_wait3A_39 = arith.constant 0 : i32
      %dma_wait3A_40 = arith.constant 0 : i32
      %dma_wait3A_41 = tpu.memref_slice %arg8[%dma_wait3A_39, %dma_wait3A_40] : memref<160x128xf32, #tpu.memory_space<vmem>> -> memref<160x128xf32, #tpu.memory_space<vmem>>
      tpu.wait_dma2 semaphore(%run_scoped3A : memref<!tpu.dma_semaphore, #tpu.memory_space<semaphore_mem>>) src(%dma_wait3A_41 : memref<160x128xf32, #tpu.memory_space<vmem>>) dst(%dma_wait3A_38 : memref<160x128xf32, #tpu.memory_space<vmem_shared>>)
      tpu.yield
    }) : () -> ()
    %add3A_2 = arith.constant 160 : i32
    %add3A_3 = arith.addi %mul3A_0, %add3A_2 : i32
    "tpu.region"() ({
      %run_scoped3A = tpu.sem_alloc : memref<!tpu.dma_semaphore, #tpu.memory_space<semaphore_mem>>
      %dma_start3A = arith.constant 0 : i32
      %dma_start3A_24 = arith.constant 0 : i32
      %dma_start3A_25 = tpu.memref_slice %arg8[%dma_start3A, %dma_start3A_24] : memref<160x128xf32, #tpu.memory_space<vmem>> -> memref<160x128xf32, #tpu.memory_space<vmem>>
      %dma_start3A_26 = arith.constant 0 : i32
      %dma_start3A_27 = tpu.memref_slice %arg9[%add3A_3, %dma_start3A_26] : memref<5376x128xf32, #tpu.memory_space<vmem_shared>> -> memref<160x128xf32, #tpu.memory_space<vmem_shared>>
      %dma_start3A_28 = arith.constant 0 : i32
      %dma_start3A_29 = tpu.memref_slice %arg9[%add3A_3, %dma_start3A_28] : memref<5376x128xf32, #tpu.memory_space<vmem_shared>> -> memref<160x128xf32, #tpu.memory_space<vmem_shared>>
      %dma_start3A_30 = arith.constant 0 : i32
      %dma_start3A_31 = arith.constant 0 : i32
      %dma_start3A_32 = tpu.memref_slice %arg8[%dma_start3A_30, %dma_start3A_31] : memref<160x128xf32, #tpu.memory_space<vmem>> -> memref<160x128xf32, #tpu.memory_space<vmem>>
      tpu.enqueue_dma source(%dma_start3A_32 : memref<160x128xf32, #tpu.memory_space<vmem>>) target(%dma_start3A_29 : memref<160x128xf32, #tpu.memory_space<vmem_shared>>) target_semaphore(%run_scoped3A : memref<!tpu.dma_semaphore, #tpu.memory_space<semaphore_mem>>)
      %dma_wait3A = arith.constant 0 : i32
      %dma_wait3A_33 = arith.constant 0 : i32
      %dma_wait3A_34 = tpu.memref_slice %arg8[%dma_wait3A, %dma_wait3A_33] : memref<160x128xf32, #tpu.memory_space<vmem>> -> memref<160x128xf32, #tpu.memory_space<vmem>>
      %dma_wait3A_35 = arith.constant 0 : i32
      %dma_wait3A_36 = tpu.memref_slice %arg9[%add3A_3, %dma_wait3A_35] : memref<5376x128xf32, #tpu.memory_space<vmem_shared>> -> memref<160x128xf32, #tpu.memory_space<vmem_shared>>
      %dma_wait3A_37 = arith.constant 0 : i32
      %dma_wait3A_38 = tpu.memref_slice %arg9[%add3A_3, %dma_wait3A_37] : memref<5376x128xf32, #tpu.memory_space<vmem_shared>> -> memref<160x128xf32, #tpu.memory_space<vmem_shared>>
      %dma_wait3A_39 = arith.constant 0 : i32
      %dma_wait3A_40 = arith.constant 0 : i32
      %dma_wait3A_41 = tpu.memref_slice %arg8[%dma_wait3A_39, %dma_wait3A_40] : memref<160x128xf32, #tpu.memory_space<vmem>> -> memref<160x128xf32, #tpu.memory_space<vmem>>
      tpu.wait_dma2 semaphore(%run_scoped3A : memref<!tpu.dma_semaphore, #tpu.memory_space<semaphore_mem>>) src(%dma_wait3A_41 : memref<160x128xf32, #tpu.memory_space<vmem>>) dst(%dma_wait3A_38 : memref<160x128xf32, #tpu.memory_space<vmem_shared>>)
      tpu.yield
    }) : () -> ()
    %add3A_4 = arith.constant 320 : i32
    %add3A_5 = arith.addi %mul3A_0, %add3A_4 : i32
    "tpu.region"() ({
      %run_scoped3A = tpu.sem_alloc : memref<!tpu.dma_semaphore, #tpu.memory_space<semaphore_mem>>
      %dma_start3A = arith.constant 0 : i32
      %dma_start3A_24 = arith.constant 0 : i32
      %dma_start3A_25 = tpu.memref_slice %arg8[%dma_start3A, %dma_start3A_24] : memref<160x128xf32, #tpu.memory_space<vmem>> -> memref<16x128xf32, #tpu.memory_space<vmem>>
      %dma_start3A_26 = arith.constant 0 : i32
      %dma_start3A_27 = tpu.memref_slice %arg9[%add3A_5, %dma_start3A_26] : memref<5376x128xf32, #tpu.memory_space<vmem_shared>> -> memref<16x128xf32, #tpu.memory_space<vmem_shared>>
      %dma_start3A_28 = arith.constant 0 : i32
      %dma_start3A_29 = tpu.memref_slice %arg9[%add3A_5, %dma_start3A_28] : memref<5376x128xf32, #tpu.memory_space<vmem_shared>> -> memref<16x128xf32, #tpu.memory_space<vmem_shared>>
      %dma_start3A_30 = arith.constant 0 : i32
      %dma_start3A_31 = arith.constant 0 : i32
      %dma_start3A_32 = tpu.memref_slice %arg8[%dma_start3A_30, %dma_start3A_31] : memref<160x128xf32, #tpu.memory_space<vmem>> -> memref<16x128xf32, #tpu.memory_space<vmem>>
      tpu.enqueue_dma source(%dma_start3A_32 : memref<16x128xf32, #tpu.memory_space<vmem>>) target(%dma_start3A_29 : memref<16x128xf32, #tpu.memory_space<vmem_shared>>) target_semaphore(%run_scoped3A : memref<!tpu.dma_semaphore, #tpu.memory_space<semaphore_mem>>)
      %dma_wait3A = arith.constant 0 : i32
      %dma_wait3A_33 = arith.constant 0 : i32
      %dma_wait3A_34 = tpu.memref_slice %arg8[%dma_wait3A, %dma_wait3A_33] : memref<160x128xf32, #tpu.memory_space<vmem>> -> memref<16x128xf32, #tpu.memory_space<vmem>>
      %dma_wait3A_35 = arith.constant 0 : i32
      %dma_wait3A_36 = tpu.memref_slice %arg9[%add3A_5, %dma_wait3A_35] : memref<5376x128xf32, #tpu.memory_space<vmem_shared>> -> memref<16x128xf32, #tpu.memory_space<vmem_shared>>
      %dma_wait3A_37 = arith.constant 0 : i32
      %dma_wait3A_38 = tpu.memref_slice %arg9[%add3A_5, %dma_wait3A_37] : memref<5376x128xf32, #tpu.memory_space<vmem_shared>> -> memref<16x128xf32, #tpu.memory_space<vmem_shared>>
      %dma_wait3A_39 = arith.constant 0 : i32
      %dma_wait3A_40 = arith.constant 0 : i32
      %dma_wait3A_41 = tpu.memref_slice %arg8[%dma_wait3A_39, %dma_wait3A_40] : memref<160x128xf32, #tpu.memory_space<vmem>> -> memref<16x128xf32, #tpu.memory_space<vmem>>
      tpu.wait_dma2 semaphore(%run_scoped3A : memref<!tpu.dma_semaphore, #tpu.memory_space<semaphore_mem>>) src(%dma_wait3A_41 : memref<16x128xf32, #tpu.memory_space<vmem>>) dst(%dma_wait3A_38 : memref<16x128xf32, #tpu.memory_space<vmem_shared>>)
      tpu.yield
    }) : () -> ()
    %barrier3A = arith.constant 0 : index
    tpu.barrier barrier_id(%barrier3A)
    %scan3A = arith.constant 0 : i32
    %scan3A_6 = arith.constant 0 : i32
    %scan3A_7 = arith.constant 157 : i32
    %scan3A_8 = arith.addi %scan3A_6, %scan3A_7 : i32
    %scan3A_9 = arith.constant 1 : i32
    scf.for %scan3A_24 = %scan3A_6 to %scan3A_8 step %scan3A_9  : i32 {
      "tpu.region"() ({
        %run_scoped3A_37 = tpu.sem_alloc : memref<!tpu.dma_semaphore, #tpu.memory_space<semaphore_mem>>
        %dma_start3A_38 = arith.constant 0 : i32
        %dma_start3A_39 = arith.constant 0 : i32
        %dma_start3A_40 = tpu.memref_slice %arg3[%arg0, %arg1, %scan3A_24, %dma_start3A_38, %dma_start3A_39] : memref<2x16x157x2x128xi32, #tpu.memory_space<hbm>> -> memref<1x1x1x2x128xi32, #tpu.memory_space<hbm>>
        %dma_start3A_41 = tpu.memref_squeeze %dma_start3A_40 : memref<1x1x1x2x128xi32, #tpu.memory_space<hbm>> -> memref<2x128xi32, #tpu.memory_space<hbm>>
        %dma_start3A_42 = arith.constant 0 : i32
        %dma_start3A_43 = arith.constant 0 : i32
        %dma_start3A_44 = tpu.memref_slice %arg3[%arg0, %arg1, %scan3A_24, %dma_start3A_42, %dma_start3A_43] : memref<2x16x157x2x128xi32, #tpu.memory_space<hbm>> -> memref<1x1x1x2x128xi32, #tpu.memory_space<hbm>>
        %dma_start3A_45 = tpu.memref_squeeze %dma_start3A_44 : memref<1x1x1x2x128xi32, #tpu.memory_space<hbm>> -> memref<2x128xi32, #tpu.memory_space<hbm>>
        tpu.enqueue_dma source(%dma_start3A_45 : memref<2x128xi32, #tpu.memory_space<hbm>>) target(%arg6 : memref<2x128xi32, #tpu.memory_space<vmem>>) target_semaphore(%run_scoped3A_37 : memref<!tpu.dma_semaphore, #tpu.memory_space<semaphore_mem>>)
        %dma_wait3A_46 = arith.constant 0 : i32
        %dma_wait3A_47 = arith.constant 0 : i32
        %dma_wait3A_48 = tpu.memref_slice %arg3[%arg0, %arg1, %scan3A_24, %dma_wait3A_46, %dma_wait3A_47] : memref<2x16x157x2x128xi32, #tpu.memory_space<hbm>> -> memref<1x1x1x2x128xi32, #tpu.memory_space<hbm>>
        %dma_wait3A_49 = tpu.memref_squeeze %dma_wait3A_48 : memref<1x1x1x2x128xi32, #tpu.memory_space<hbm>> -> memref<2x128xi32, #tpu.memory_space<hbm>>
        %dma_wait3A_50 = arith.constant 0 : i32
        %dma_wait3A_51 = arith.constant 0 : i32
        %dma_wait3A_52 = tpu.memref_slice %arg3[%arg0, %arg1, %scan3A_24, %dma_wait3A_50, %dma_wait3A_51] : memref<2x16x157x2x128xi32, #tpu.memory_space<hbm>> -> memref<1x1x1x2x128xi32, #tpu.memory_space<hbm>>
        %dma_wait3A_53 = tpu.memref_squeeze %dma_wait3A_52 : memref<1x1x1x2x128xi32, #tpu.memory_space<hbm>> -> memref<2x128xi32, #tpu.memory_space<hbm>>
        tpu.wait_dma2 semaphore(%run_scoped3A_37 : memref<!tpu.dma_semaphore, #tpu.memory_space<semaphore_mem>>) src(%dma_wait3A_53 : memref<2x128xi32, #tpu.memory_space<hbm>>) dst(%arg6 : memref<2x128xi32, #tpu.memory_space<vmem>>)
        tpu.yield
      }) : () -> ()
      %dma_start3A = arith.constant 0 : i32
      %dma_start3A_25 = arith.constant 0 : i32
      %dma_start3A_26 = tpu.memref_slice %arg6[%dma_start3A, %dma_start3A_25] : memref<2x128xi32, #tpu.memory_space<vmem>> -> memref<1x128xi32, #tpu.memory_space<vmem>>
      %dma_start3A_27 = tpu.memref_squeeze %dma_start3A_26 : memref<1x128xi32, #tpu.memory_space<vmem>> -> memref<128xi32, #tpu.memory_space<vmem>>
      %dma_start3A_28 = arith.constant 0 : i32
      %dma_start3A_29 = arith.constant 0 : i32
      %dma_start3A_30 = tpu.memref_slice %arg2[%dma_start3A_28, %dma_start3A_29] : memref<10000x128xf32, #tpu.memory_space<hbm>> -> memref<10000x128xf32, #tpu.memory_space<hbm>>
      tpu.enqueue_indirect_dma source(%dma_start3A_30 : memref<10000x128xf32, #tpu.memory_space<hbm>>) target(%arg7 : memref<128x128xf32, #tpu.memory_space<vmem>>) offsets(%dma_start3A_27 : memref<128xi32, #tpu.memory_space<vmem>>) semaphore(%arg10 : memref<!tpu.dma_semaphore, #tpu.memory_space<semaphore_mem>>)
      %dma_wait3A = arith.constant 0 : i32
      %dma_wait3A_31 = arith.constant 0 : i32
      %dma_wait3A_32 = tpu.memref_slice %arg6[%dma_wait3A, %dma_wait3A_31] : memref<2x128xi32, #tpu.memory_space<vmem>> -> memref<1x128xi32, #tpu.memory_space<vmem>>
      %dma_wait3A_33 = tpu.memref_squeeze %dma_wait3A_32 : memref<1x128xi32, #tpu.memory_space<vmem>> -> memref<128xi32, #tpu.memory_space<vmem>>
      %dma_wait3A_34 = arith.constant 0 : i32
      %dma_wait3A_35 = arith.constant 0 : i32
      %dma_wait3A_36 = tpu.memref_slice %arg2[%dma_wait3A_34, %dma_wait3A_35] : memref<10000x128xf32, #tpu.memory_space<hbm>> -> memref<10000x128xf32, #tpu.memory_space<hbm>>
      tpu.wait_indirect_dma semaphore(%arg10 : memref<!tpu.dma_semaphore, #tpu.memory_space<semaphore_mem>>) src(%dma_wait3A_36 : memref<10000x128xf32, #tpu.memory_space<hbm>>) dst(%arg7 : memref<128x128xf32, #tpu.memory_space<vmem>>)
      %run_scoped3A = arith.constant 1 : i32
      "tpu.region"() ({
        %run_scoped3A_37 = tpu.sem_alloc : memref<!tpu.dma_semaphore, #tpu.memory_space<semaphore_mem>>
        %dma_start3A_38 = arith.constant 0 : i32
        %dma_start3A_39 = tpu.memref_slice %arg6[%run_scoped3A, %dma_start3A_38] : memref<2x128xi32, #tpu.memory_space<vmem>> -> memref<1x128xi32, #tpu.memory_space<vmem>>
        %dma_start3A_40 = tpu.memref_squeeze %dma_start3A_39 : memref<1x128xi32, #tpu.memory_space<vmem>> -> memref<128xi32, #tpu.memory_space<vmem>>
        %dma_start3A_41 = arith.constant 0 : i32
        %dma_start3A_42 = arith.constant 0 : i32
        %dma_start3A_43 = tpu.memref_slice %arg9[%dma_start3A_41, %dma_start3A_42] : memref<5376x128xf32, #tpu.memory_space<vmem_shared>> -> memref<5376x128xf32, #tpu.memory_space<vmem_shared>>
        tpu.enqueue_indirect_dma source(%arg7 : memref<128x128xf32, #tpu.memory_space<vmem>>) target(%dma_start3A_43 : memref<5376x128xf32, #tpu.memory_space<vmem_shared>>) offsets(%dma_start3A_40 : memref<128xi32, #tpu.memory_space<vmem>>) semaphore(%run_scoped3A_37 : memref<!tpu.dma_semaphore, #tpu.memory_space<semaphore_mem>>) {add = true}
        %dma_wait3A_44 = arith.constant 0 : i32
        %dma_wait3A_45 = tpu.memref_slice %arg6[%run_scoped3A, %dma_wait3A_44] : memref<2x128xi32, #tpu.memory_space<vmem>> -> memref<1x128xi32, #tpu.memory_space<vmem>>
        %dma_wait3A_46 = tpu.memref_squeeze %dma_wait3A_45 : memref<1x128xi32, #tpu.memory_space<vmem>> -> memref<128xi32, #tpu.memory_space<vmem>>
        %dma_wait3A_47 = arith.constant 0 : i32
        %dma_wait3A_48 = arith.constant 0 : i32
        %dma_wait3A_49 = tpu.memref_slice %arg9[%dma_wait3A_47, %dma_wait3A_48] : memref<5376x128xf32, #tpu.memory_space<vmem_shared>> -> memref<5376x128xf32, #tpu.memory_space<vmem_shared>>
        tpu.wait_indirect_dma semaphore(%run_scoped3A_37 : memref<!tpu.dma_semaphore, #tpu.memory_space<semaphore_mem>>) src(%arg7 : memref<128x128xf32, #tpu.memory_space<vmem>>) dst(%dma_wait3A_49 : memref<5376x128xf32, #tpu.memory_space<vmem_shared>>)
        tpu.yield
      }) : () -> ()
    }
    %scan3A_10 = arith.constant 157 : i32
    %barrier3A_11 = arith.constant 0 : index
    tpu.barrier barrier_id(%barrier3A_11)
    %mul3A_12 = arith.constant 320 : i32
    %mul3A_13 = arith.muli %arg1, %mul3A_12 : i32
    %add3A_14 = arith.constant 0 : i32
    %add3A_15 = arith.addi %mul3A_13, %add3A_14 : i32
    "tpu.region"() ({
      %run_scoped3A = tpu.sem_alloc : memref<!tpu.dma_semaphore, #tpu.memory_space<semaphore_mem>>
      %dma_start3A = arith.constant 0 : i32
      %dma_start3A_24 = tpu.memref_slice %arg9[%add3A_15, %dma_start3A] : memref<5376x128xf32, #tpu.memory_space<vmem_shared>> -> memref<160x128xf32, #tpu.memory_space<vmem_shared>>
      %dma_start3A_25 = arith.constant 0 : i32
      %dma_start3A_26 = tpu.memref_slice %arg9[%add3A_15, %dma_start3A_25] : memref<5376x128xf32, #tpu.memory_space<vmem_shared>> -> memref<160x128xf32, #tpu.memory_space<vmem_shared>>
      tpu.enqueue_dma source(%dma_start3A_26 : memref<160x128xf32, #tpu.memory_space<vmem_shared>>) target(%arg8 : memref<160x128xf32, #tpu.memory_space<vmem>>) target_semaphore(%run_scoped3A : memref<!tpu.dma_semaphore, #tpu.memory_space<semaphore_mem>>)
      %dma_wait3A = arith.constant 0 : i32
      %dma_wait3A_27 = tpu.memref_slice %arg9[%add3A_15, %dma_wait3A] : memref<5376x128xf32, #tpu.memory_space<vmem_shared>> -> memref<160x128xf32, #tpu.memory_space<vmem_shared>>
      %dma_wait3A_28 = arith.constant 0 : i32
      %dma_wait3A_29 = tpu.memref_slice %arg9[%add3A_15, %dma_wait3A_28] : memref<5376x128xf32, #tpu.memory_space<vmem_shared>> -> memref<160x128xf32, #tpu.memory_space<vmem_shared>>
      tpu.wait_dma2 semaphore(%run_scoped3A : memref<!tpu.dma_semaphore, #tpu.memory_space<semaphore_mem>>) src(%dma_wait3A_29 : memref<160x128xf32, #tpu.memory_space<vmem_shared>>) dst(%arg8 : memref<160x128xf32, #tpu.memory_space<vmem>>)
      tpu.yield
    }) : () -> ()
    %mul3A_16 = arith.constant 5120 : i32
    %mul3A_17 = arith.muli %arg0, %mul3A_16 : i32
    %add3A_18 = arith.addi %mul3A_17, %add3A_15 : i32
    "tpu.region"() ({
      %run_scoped3A = tpu.sem_alloc : memref<!tpu.dma_semaphore, #tpu.memory_space<semaphore_mem>>
      %dma_start3A = arith.constant 0 : i32
      %dma_start3A_24 = tpu.memref_slice %arg5[%add3A_18, %dma_start3A] : memref<10240x128xf32, #tpu.memory_space<hbm>> -> memref<160x128xf32, #tpu.memory_space<hbm>>
      %dma_start3A_25 = arith.constant 0 : i32
      %dma_start3A_26 = tpu.memref_slice %arg5[%add3A_18, %dma_start3A_25] : memref<10240x128xf32, #tpu.memory_space<hbm>> -> memref<160x128xf32, #tpu.memory_space<hbm>>
      tpu.enqueue_dma source(%arg8 : memref<160x128xf32, #tpu.memory_space<vmem>>) target(%dma_start3A_26 : memref<160x128xf32, #tpu.memory_space<hbm>>) target_semaphore(%run_scoped3A : memref<!tpu.dma_semaphore, #tpu.memory_space<semaphore_mem>>)
      %dma_wait3A = arith.constant 0 : i32
      %dma_wait3A_27 = tpu.memref_slice %arg5[%add3A_18, %dma_wait3A] : memref<10240x128xf32, #tpu.memory_space<hbm>> -> memref<160x128xf32, #tpu.memory_space<hbm>>
      %dma_wait3A_28 = arith.constant 0 : i32
      %dma_wait3A_29 = tpu.memref_slice %arg5[%add3A_18, %dma_wait3A_28] : memref<10240x128xf32, #tpu.memory_space<hbm>> -> memref<160x128xf32, #tpu.memory_space<hbm>>
      tpu.wait_dma2 semaphore(%run_scoped3A : memref<!tpu.dma_semaphore, #tpu.memory_space<semaphore_mem>>) src(%arg8 : memref<160x128xf32, #tpu.memory_space<vmem>>) dst(%dma_wait3A_29 : memref<160x128xf32, #tpu.memory_space<hbm>>)
      tpu.yield
    }) : () -> ()
    %add3A_19 = arith.constant 160 : i32
    %add3A_20 = arith.addi %mul3A_13, %add3A_19 : i32
    "tpu.region"() ({
      %run_scoped3A = tpu.sem_alloc : memref<!tpu.dma_semaphore, #tpu.memory_space<semaphore_mem>>
      %dma_start3A = arith.constant 0 : i32
      %dma_start3A_24 = tpu.memref_slice %arg9[%add3A_20, %dma_start3A] : memref<5376x128xf32, #tpu.memory_space<vmem_shared>> -> memref<160x128xf32, #tpu.memory_space<vmem_shared>>
      %dma_start3A_25 = arith.constant 0 : i32
      %dma_start3A_26 = tpu.memref_slice %arg9[%add3A_20, %dma_start3A_25] : memref<5376x128xf32, #tpu.memory_space<vmem_shared>> -> memref<160x128xf32, #tpu.memory_space<vmem_shared>>
      tpu.enqueue_dma source(%dma_start3A_26 : memref<160x128xf32, #tpu.memory_space<vmem_shared>>) target(%arg8 : memref<160x128xf32, #tpu.memory_space<vmem>>) target_semaphore(%run_scoped3A : memref<!tpu.dma_semaphore, #tpu.memory_space<semaphore_mem>>)
      %dma_wait3A = arith.constant 0 : i32
      %dma_wait3A_27 = tpu.memref_slice %arg9[%add3A_20, %dma_wait3A] : memref<5376x128xf32, #tpu.memory_space<vmem_shared>> -> memref<160x128xf32, #tpu.memory_space<vmem_shared>>
      %dma_wait3A_28 = arith.constant 0 : i32
      %dma_wait3A_29 = tpu.memref_slice %arg9[%add3A_20, %dma_wait3A_28] : memref<5376x128xf32, #tpu.memory_space<vmem_shared>> -> memref<160x128xf32, #tpu.memory_space<vmem_shared>>
      tpu.wait_dma2 semaphore(%run_scoped3A : memref<!tpu.dma_semaphore, #tpu.memory_space<semaphore_mem>>) src(%dma_wait3A_29 : memref<160x128xf32, #tpu.memory_space<vmem_shared>>) dst(%arg8 : memref<160x128xf32, #tpu.memory_space<vmem>>)
      tpu.yield
    }) : () -> ()
    %mul3A_21 = arith.constant 5120 : i32
    %mul3A_22 = arith.muli %arg0, %mul3A_21 : i32
    %add3A_23 = arith.addi %mul3A_22, %add3A_20 : i32
    "tpu.region"() ({
      %run_scoped3A = tpu.sem_alloc : memref<!tpu.dma_semaphore, #tpu.memory_space<semaphore_mem>>
      %dma_start3A = arith.constant 0 : i32
      %dma_start3A_24 = tpu.memref_slice %arg5[%add3A_23, %dma_start3A] : memref<10240x128xf32, #tpu.memory_space<hbm>> -> memref<160x128xf32, #tpu.memory_space<hbm>>
      %dma_start3A_25 = arith.constant 0 : i32
      %dma_start3A_26 = tpu.memref_slice %arg5[%add3A_23, %dma_start3A_25] : memref<10240x128xf32, #tpu.memory_space<hbm>> -> memref<160x128xf32, #tpu.memory_space<hbm>>
      tpu.enqueue_dma source(%arg8 : memref<160x128xf32, #tpu.memory_space<vmem>>) target(%dma_start3A_26 : memref<160x128xf32, #tpu.memory_space<hbm>>) target_semaphore(%run_scoped3A : memref<!tpu.dma_semaphore, #tpu.memory_space<semaphore_mem>>)
      %dma_wait3A = arith.constant 0 : i32
      %dma_wait3A_27 = tpu.memref_slice %arg5[%add3A_23, %dma_wait3A] : memref<10240x128xf32, #tpu.memory_space<hbm>> -> memref<160x128xf32, #tpu.memory_space<hbm>>
      %dma_wait3A_28 = arith.constant 0 : i32
      %dma_wait3A_29 = tpu.memref_slice %arg5[%add3A_23, %dma_wait3A_28] : memref<10240x128xf32, #tpu.memory_space<hbm>> -> memref<160x128xf32, #tpu.memory_space<hbm>>
      tpu.wait_dma2 semaphore(%run_scoped3A : memref<!tpu.dma_semaphore, #tpu.memory_space<semaphore_mem>>) src(%arg8 : memref<160x128xf32, #tpu.memory_space<vmem>>) dst(%dma_wait3A_29 : memref<160x128xf32, #tpu.memory_space<hbm>>)
      tpu.yield
    }) : () -> ()
    return
  }
}

#map = affine_map<(d0, d1) -> (0, 0)>
#map1 = affine_map<(d0, d1) -> (0, 0, 0, 0, 0)>
module attributes {stable_mosaic.version = 14 : i64} {
  func.func @prop(%arg0: i32, %arg1: i32, %arg2: memref<10000x128xf32, #tpu.memory_space<hbm>>, %arg3: memref<2x16x157x2x128xi32, #tpu.memory_space<hbm>>, %arg4: memref<160x128xf32, #tpu.memory_space<hbm>>, %arg5: memref<10240x128xf32, #tpu.memory_space<hbm>>, %arg6: memref<2x128xi32, #tpu.memory_space<vmem>>, %arg7: memref<128x128xf32, #tpu.memory_space<vmem>>, %arg8: memref<160x128xf32, #tpu.memory_space<vmem>>, %arg9: memref<5376x128xf32, #tpu.memory_space<vmem_shared>>, %arg10: memref<!tpu.dma_semaphore, #tpu.memory_space<semaphore_mem>>) attributes {dimension_semantics = [#tpu.dimension_semantics<core_parallel>, #tpu.dimension_semantics<subcore_parallel>], iteration_bounds = array<i64: 2, 16>, scalar_prefetch = 0 : i64, scratch_operands = 5 : i64, tpu.core_type = #tpu.core_type<sc_vector_subcore>, window_params = [{transform_indices = #map}, {transform_indices = #map1}, {transform_indices = #map}, {transform_indices = #map}]} {
    "tpu.region"() ({
      %run_scoped3A = tpu.sem_alloc : memref<!tpu.dma_semaphore, #tpu.memory_space<semaphore_mem>>
      tpu.enqueue_dma source(%arg4 : memref<160x128xf32, #tpu.memory_space<hbm>>) target(%arg8 : memref<160x128xf32, #tpu.memory_space<vmem>>) target_semaphore(%run_scoped3A : memref<!tpu.dma_semaphore, #tpu.memory_space<semaphore_mem>>)
      tpu.wait_dma2 semaphore(%run_scoped3A : memref<!tpu.dma_semaphore, #tpu.memory_space<semaphore_mem>>) src(%arg4 : memref<160x128xf32, #tpu.memory_space<hbm>>) dst(%arg8 : memref<160x128xf32, #tpu.memory_space<vmem>>)
      tpu.yield
    }) : () -> ()
    %mul3A = arith.constant 336 : i32
    %mul3A_0 = arith.muli %arg1, %mul3A : i32
    %add3A = arith.constant 0 : i32
    %add3A_1 = arith.addi %mul3A_0, %add3A : i32
    "tpu.region"() ({
      %run_scoped3A = tpu.sem_alloc : memref<!tpu.dma_semaphore, #tpu.memory_space<semaphore_mem>>
      %dma_start3A = arith.constant 0 : i32
      %dma_start3A_24 = arith.constant 0 : i32
      %dma_start3A_25 = tpu.memref_slice %arg8[%dma_start3A, %dma_start3A_24] : memref<160x128xf32, #tpu.memory_space<vmem>> -> memref<160x128xf32, #tpu.memory_space<vmem>>
      %dma_start3A_26 = arith.constant 0 : i32
      %dma_start3A_27 = tpu.memref_slice %arg9[%add3A_1, %dma_start3A_26] : memref<5376x128xf32, #tpu.memory_space<vmem_shared>> -> memref<160x128xf32, #tpu.memory_space<vmem_shared>>
      %dma_start3A_28 = arith.constant 0 : i32
      %dma_start3A_29 = tpu.memref_slice %arg9[%add3A_1, %dma_start3A_28] : memref<5376x128xf32, #tpu.memory_space<vmem_shared>> -> memref<160x128xf32, #tpu.memory_space<vmem_shared>>
      %dma_start3A_30 = arith.constant 0 : i32
      %dma_start3A_31 = arith.constant 0 : i32
      %dma_start3A_32 = tpu.memref_slice %arg8[%dma_start3A_30, %dma_start3A_31] : memref<160x128xf32, #tpu.memory_space<vmem>> -> memref<160x128xf32, #tpu.memory_space<vmem>>
      tpu.enqueue_dma source(%dma_start3A_32 : memref<160x128xf32, #tpu.memory_space<vmem>>) target(%dma_start3A_29 : memref<160x128xf32, #tpu.memory_space<vmem_shared>>) target_semaphore(%run_scoped3A : memref<!tpu.dma_semaphore, #tpu.memory_space<semaphore_mem>>)
      %dma_wait3A = arith.constant 0 : i32
      %dma_wait3A_33 = arith.constant 0 : i32
      %dma_wait3A_34 = tpu.memref_slice %arg8[%dma_wait3A, %dma_wait3A_33] : memref<160x128xf32, #tpu.memory_space<vmem>> -> memref<160x128xf32, #tpu.memory_space<vmem>>
      %dma_wait3A_35 = arith.constant 0 : i32
      %dma_wait3A_36 = tpu.memref_slice %arg9[%add3A_1, %dma_wait3A_35] : memref<5376x128xf32, #tpu.memory_space<vmem_shared>> -> memref<160x128xf32, #tpu.memory_space<vmem_shared>>
      %dma_wait3A_37 = arith.constant 0 : i32
      %dma_wait3A_38 = tpu.memref_slice %arg9[%add3A_1, %dma_wait3A_37] : memref<5376x128xf32, #tpu.memory_space<vmem_shared>> -> memref<160x128xf32, #tpu.memory_space<vmem_shared>>
      %dma_wait3A_39 = arith.constant 0 : i32
      %dma_wait3A_40 = arith.constant 0 : i32
      %dma_wait3A_41 = tpu.memref_slice %arg8[%dma_wait3A_39, %dma_wait3A_40] : memref<160x128xf32, #tpu.memory_space<vmem>> -> memref<160x128xf32, #tpu.memory_space<vmem>>
      tpu.wait_dma2 semaphore(%run_scoped3A : memref<!tpu.dma_semaphore, #tpu.memory_space<semaphore_mem>>) src(%dma_wait3A_41 : memref<160x128xf32, #tpu.memory_space<vmem>>) dst(%dma_wait3A_38 : memref<160x128xf32, #tpu.memory_space<vmem_shared>>)
      tpu.yield
    }) : () -> ()
    %add3A_2 = arith.constant 160 : i32
    %add3A_3 = arith.addi %mul3A_0, %add3A_2 : i32
    "tpu.region"() ({
      %run_scoped3A = tpu.sem_alloc : memref<!tpu.dma_semaphore, #tpu.memory_space<semaphore_mem>>
      %dma_start3A = arith.constant 0 : i32
      %dma_start3A_24 = arith.constant 0 : i32
      %dma_start3A_25 = tpu.memref_slice %arg8[%dma_start3A, %dma_start3A_24] : memref<160x128xf32, #tpu.memory_space<vmem>> -> memref<160x128xf32, #tpu.memory_space<vmem>>
      %dma_start3A_26 = arith.constant 0 : i32
      %dma_start3A_27 = tpu.memref_slice %arg9[%add3A_3, %dma_start3A_26] : memref<5376x128xf32, #tpu.memory_space<vmem_shared>> -> memref<160x128xf32, #tpu.memory_space<vmem_shared>>
      %dma_start3A_28 = arith.constant 0 : i32
      %dma_start3A_29 = tpu.memref_slice %arg9[%add3A_3, %dma_start3A_28] : memref<5376x128xf32, #tpu.memory_space<vmem_shared>> -> memref<160x128xf32, #tpu.memory_space<vmem_shared>>
      %dma_start3A_30 = arith.constant 0 : i32
      %dma_start3A_31 = arith.constant 0 : i32
      %dma_start3A_32 = tpu.memref_slice %arg8[%dma_start3A_30, %dma_start3A_31] : memref<160x128xf32, #tpu.memory_space<vmem>> -> memref<160x128xf32, #tpu.memory_space<vmem>>
      tpu.enqueue_dma source(%dma_start3A_32 : memref<160x128xf32, #tpu.memory_space<vmem>>) target(%dma_start3A_29 : memref<160x128xf32, #tpu.memory_space<vmem_shared>>) target_semaphore(%run_scoped3A : memref<!tpu.dma_semaphore, #tpu.memory_space<semaphore_mem>>)
      %dma_wait3A = arith.constant 0 : i32
      %dma_wait3A_33 = arith.constant 0 : i32
      %dma_wait3A_34 = tpu.memref_slice %arg8[%dma_wait3A, %dma_wait3A_33] : memref<160x128xf32, #tpu.memory_space<vmem>> -> memref<160x128xf32, #tpu.memory_space<vmem>>
      %dma_wait3A_35 = arith.constant 0 : i32
      %dma_wait3A_36 = tpu.memref_slice %arg9[%add3A_3, %dma_wait3A_35] : memref<5376x128xf32, #tpu.memory_space<vmem_shared>> -> memref<160x128xf32, #tpu.memory_space<vmem_shared>>
      %dma_wait3A_37 = arith.constant 0 : i32
      %dma_wait3A_38 = tpu.memref_slice %arg9[%add3A_3, %dma_wait3A_37] : memref<5376x128xf32, #tpu.memory_space<vmem_shared>> -> memref<160x128xf32, #tpu.memory_space<vmem_shared>>
      %dma_wait3A_39 = arith.constant 0 : i32
      %dma_wait3A_40 = arith.constant 0 : i32
      %dma_wait3A_41 = tpu.memref_slice %arg8[%dma_wait3A_39, %dma_wait3A_40] : memref<160x128xf32, #tpu.memory_space<vmem>> -> memref<160x128xf32, #tpu.memory_space<vmem>>
      tpu.wait_dma2 semaphore(%run_scoped3A : memref<!tpu.dma_semaphore, #tpu.memory_space<semaphore_mem>>) src(%dma_wait3A_41 : memref<160x128xf32, #tpu.memory_space<vmem>>) dst(%dma_wait3A_38 : memref<160x128xf32, #tpu.memory_space<vmem_shared>>)
      tpu.yield
    }) : () -> ()
    %add3A_4 = arith.constant 320 : i32
    %add3A_5 = arith.addi %mul3A_0, %add3A_4 : i32
    "tpu.region"() ({
      %run_scoped3A = tpu.sem_alloc : memref<!tpu.dma_semaphore, #tpu.memory_space<semaphore_mem>>
      %dma_start3A = arith.constant 0 : i32
      %dma_start3A_24 = arith.constant 0 : i32
      %dma_start3A_25 = tpu.memref_slice %arg8[%dma_start3A, %dma_start3A_24] : memref<160x128xf32, #tpu.memory_space<vmem>> -> memref<16x128xf32, #tpu.memory_space<vmem>>
      %dma_start3A_26 = arith.constant 0 : i32
      %dma_start3A_27 = tpu.memref_slice %arg9[%add3A_5, %dma_start3A_26] : memref<5376x128xf32, #tpu.memory_space<vmem_shared>> -> memref<16x128xf32, #tpu.memory_space<vmem_shared>>
      %dma_start3A_28 = arith.constant 0 : i32
      %dma_start3A_29 = tpu.memref_slice %arg9[%add3A_5, %dma_start3A_28] : memref<5376x128xf32, #tpu.memory_space<vmem_shared>> -> memref<16x128xf32, #tpu.memory_space<vmem_shared>>
      %dma_start3A_30 = arith.constant 0 : i32
      %dma_start3A_31 = arith.constant 0 : i32
      %dma_start3A_32 = tpu.memref_slice %arg8[%dma_start3A_30, %dma_start3A_31] : memref<160x128xf32, #tpu.memory_space<vmem>> -> memref<16x128xf32, #tpu.memory_space<vmem>>
      tpu.enqueue_dma source(%dma_start3A_32 : memref<16x128xf32, #tpu.memory_space<vmem>>) target(%dma_start3A_29 : memref<16x128xf32, #tpu.memory_space<vmem_shared>>) target_semaphore(%run_scoped3A : memref<!tpu.dma_semaphore, #tpu.memory_space<semaphore_mem>>)
      %dma_wait3A = arith.constant 0 : i32
      %dma_wait3A_33 = arith.constant 0 : i32
      %dma_wait3A_34 = tpu.memref_slice %arg8[%dma_wait3A, %dma_wait3A_33] : memref<160x128xf32, #tpu.memory_space<vmem>> -> memref<16x128xf32, #tpu.memory_space<vmem>>
      %dma_wait3A_35 = arith.constant 0 : i32
      %dma_wait3A_36 = tpu.memref_slice %arg9[%add3A_5, %dma_wait3A_35] : memref<5376x128xf32, #tpu.memory_space<vmem_shared>> -> memref<16x128xf32, #tpu.memory_space<vmem_shared>>
      %dma_wait3A_37 = arith.constant 0 : i32
      %dma_wait3A_38 = tpu.memref_slice %arg9[%add3A_5, %dma_wait3A_37] : memref<5376x128xf32, #tpu.memory_space<vmem_shared>> -> memref<16x128xf32, #tpu.memory_space<vmem_shared>>
      %dma_wait3A_39 = arith.constant 0 : i32
      %dma_wait3A_40 = arith.constant 0 : i32
      %dma_wait3A_41 = tpu.memref_slice %arg8[%dma_wait3A_39, %dma_wait3A_40] : memref<160x128xf32, #tpu.memory_space<vmem>> -> memref<16x128xf32, #tpu.memory_space<vmem>>
      tpu.wait_dma2 semaphore(%run_scoped3A : memref<!tpu.dma_semaphore, #tpu.memory_space<semaphore_mem>>) src(%dma_wait3A_41 : memref<16x128xf32, #tpu.memory_space<vmem>>) dst(%dma_wait3A_38 : memref<16x128xf32, #tpu.memory_space<vmem_shared>>)
      tpu.yield
    }) : () -> ()
    %barrier3A = arith.constant 0 : index
    tpu.barrier barrier_id(%barrier3A)
    %scan3A = arith.constant 0 : i32
    %scan3A_6 = arith.constant 0 : i32
    %scan3A_7 = arith.constant 157 : i32
    %scan3A_8 = arith.addi %scan3A_6, %scan3A_7 : i32
    %scan3A_9 = arith.constant 1 : i32
    scf.for %scan3A_24 = %scan3A_6 to %scan3A_8 step %scan3A_9  : i32 {
      "tpu.region"() ({
        %run_scoped3A_37 = tpu.sem_alloc : memref<!tpu.dma_semaphore, #tpu.memory_space<semaphore_mem>>
        %dma_start3A_38 = arith.constant 0 : i32
        %dma_start3A_39 = arith.constant 0 : i32
        %dma_start3A_40 = tpu.memref_slice %arg3[%arg0, %arg1, %scan3A_24, %dma_start3A_38, %dma_start3A_39] : memref<2x16x157x2x128xi32, #tpu.memory_space<hbm>> -> memref<1x1x1x2x128xi32, #tpu.memory_space<hbm>>
        %dma_start3A_41 = tpu.memref_squeeze %dma_start3A_40 : memref<1x1x1x2x128xi32, #tpu.memory_space<hbm>> -> memref<2x128xi32, #tpu.memory_space<hbm>>
        %dma_start3A_42 = arith.constant 0 : i32
        %dma_start3A_43 = arith.constant 0 : i32
        %dma_start3A_44 = tpu.memref_slice %arg3[%arg0, %arg1, %scan3A_24, %dma_start3A_42, %dma_start3A_43] : memref<2x16x157x2x128xi32, #tpu.memory_space<hbm>> -> memref<1x1x1x2x128xi32, #tpu.memory_space<hbm>>
        %dma_start3A_45 = tpu.memref_squeeze %dma_start3A_44 : memref<1x1x1x2x128xi32, #tpu.memory_space<hbm>> -> memref<2x128xi32, #tpu.memory_space<hbm>>
        tpu.enqueue_dma source(%dma_start3A_45 : memref<2x128xi32, #tpu.memory_space<hbm>>) target(%arg6 : memref<2x128xi32, #tpu.memory_space<vmem>>) target_semaphore(%run_scoped3A_37 : memref<!tpu.dma_semaphore, #tpu.memory_space<semaphore_mem>>)
        %dma_wait3A_46 = arith.constant 0 : i32
        %dma_wait3A_47 = arith.constant 0 : i32
        %dma_wait3A_48 = tpu.memref_slice %arg3[%arg0, %arg1, %scan3A_24, %dma_wait3A_46, %dma_wait3A_47] : memref<2x16x157x2x128xi32, #tpu.memory_space<hbm>> -> memref<1x1x1x2x128xi32, #tpu.memory_space<hbm>>
        %dma_wait3A_49 = tpu.memref_squeeze %dma_wait3A_48 : memref<1x1x1x2x128xi32, #tpu.memory_space<hbm>> -> memref<2x128xi32, #tpu.memory_space<hbm>>
        %dma_wait3A_50 = arith.constant 0 : i32
        %dma_wait3A_51 = arith.constant 0 : i32
        %dma_wait3A_52 = tpu.memref_slice %arg3[%arg0, %arg1, %scan3A_24, %dma_wait3A_50, %dma_wait3A_51] : memref<2x16x157x2x128xi32, #tpu.memory_space<hbm>> -> memref<1x1x1x2x128xi32, #tpu.memory_space<hbm>>
        %dma_wait3A_53 = tpu.memref_squeeze %dma_wait3A_52 : memref<1x1x1x2x128xi32, #tpu.memory_space<hbm>> -> memref<2x128xi32, #tpu.memory_space<hbm>>
        tpu.wait_dma2 semaphore(%run_scoped3A_37 : memref<!tpu.dma_semaphore, #tpu.memory_space<semaphore_mem>>) src(%dma_wait3A_53 : memref<2x128xi32, #tpu.memory_space<hbm>>) dst(%arg6 : memref<2x128xi32, #tpu.memory_space<vmem>>)
        tpu.yield
      }) : () -> ()
      %dma_start3A = arith.constant 0 : i32
      %dma_start3A_25 = arith.constant 0 : i32
      %dma_start3A_26 = tpu.memref_slice %arg6[%dma_start3A, %dma_start3A_25] : memref<2x128xi32, #tpu.memory_space<vmem>> -> memref<1x128xi32, #tpu.memory_space<vmem>>
      %dma_start3A_27 = tpu.memref_squeeze %dma_start3A_26 : memref<1x128xi32, #tpu.memory_space<vmem>> -> memref<128xi32, #tpu.memory_space<vmem>>
      %dma_start3A_28 = arith.constant 0 : i32
      %dma_start3A_29 = arith.constant 0 : i32
      %dma_start3A_30 = tpu.memref_slice %arg2[%dma_start3A_28, %dma_start3A_29] : memref<10000x128xf32, #tpu.memory_space<hbm>> -> memref<10000x128xf32, #tpu.memory_space<hbm>>
      tpu.enqueue_indirect_dma source(%dma_start3A_30 : memref<10000x128xf32, #tpu.memory_space<hbm>>) target(%arg7 : memref<128x128xf32, #tpu.memory_space<vmem>>) offsets(%dma_start3A_27 : memref<128xi32, #tpu.memory_space<vmem>>) semaphore(%arg10 : memref<!tpu.dma_semaphore, #tpu.memory_space<semaphore_mem>>)
      %dma_wait3A = arith.constant 0 : i32
      %dma_wait3A_31 = arith.constant 0 : i32
      %dma_wait3A_32 = tpu.memref_slice %arg6[%dma_wait3A, %dma_wait3A_31] : memref<2x128xi32, #tpu.memory_space<vmem>> -> memref<1x128xi32, #tpu.memory_space<vmem>>
      %dma_wait3A_33 = tpu.memref_squeeze %dma_wait3A_32 : memref<1x128xi32, #tpu.memory_space<vmem>> -> memref<128xi32, #tpu.memory_space<vmem>>
      %dma_wait3A_34 = arith.constant 0 : i32
      %dma_wait3A_35 = arith.constant 0 : i32
      %dma_wait3A_36 = tpu.memref_slice %arg2[%dma_wait3A_34, %dma_wait3A_35] : memref<10000x128xf32, #tpu.memory_space<hbm>> -> memref<10000x128xf32, #tpu.memory_space<hbm>>
      tpu.wait_indirect_dma semaphore(%arg10 : memref<!tpu.dma_semaphore, #tpu.memory_space<semaphore_mem>>) src(%dma_wait3A_36 : memref<10000x128xf32, #tpu.memory_space<hbm>>) dst(%arg7 : memref<128x128xf32, #tpu.memory_space<vmem>>)
      %run_scoped3A = arith.constant 1 : i32
      "tpu.region"() ({
        %run_scoped3A_37 = tpu.sem_alloc : memref<!tpu.dma_semaphore, #tpu.memory_space<semaphore_mem>>
        %dma_start3A_38 = arith.constant 0 : i32
        %dma_start3A_39 = tpu.memref_slice %arg6[%run_scoped3A, %dma_start3A_38] : memref<2x128xi32, #tpu.memory_space<vmem>> -> memref<1x128xi32, #tpu.memory_space<vmem>>
        %dma_start3A_40 = tpu.memref_squeeze %dma_start3A_39 : memref<1x128xi32, #tpu.memory_space<vmem>> -> memref<128xi32, #tpu.memory_space<vmem>>
        %dma_start3A_41 = arith.constant 0 : i32
        %dma_start3A_42 = arith.constant 0 : i32
        %dma_start3A_43 = tpu.memref_slice %arg9[%dma_start3A_41, %dma_start3A_42] : memref<5376x128xf32, #tpu.memory_space<vmem_shared>> -> memref<5376x128xf32, #tpu.memory_space<vmem_shared>>
        tpu.enqueue_indirect_dma source(%arg7 : memref<128x128xf32, #tpu.memory_space<vmem>>) target(%dma_start3A_43 : memref<5376x128xf32, #tpu.memory_space<vmem_shared>>) offsets(%dma_start3A_40 : memref<128xi32, #tpu.memory_space<vmem>>) semaphore(%run_scoped3A_37 : memref<!tpu.dma_semaphore, #tpu.memory_space<semaphore_mem>>) {add = true}
        %dma_wait3A_44 = arith.constant 0 : i32
        %dma_wait3A_45 = tpu.memref_slice %arg6[%run_scoped3A, %dma_wait3A_44] : memref<2x128xi32, #tpu.memory_space<vmem>> -> memref<1x128xi32, #tpu.memory_space<vmem>>
        %dma_wait3A_46 = tpu.memref_squeeze %dma_wait3A_45 : memref<1x128xi32, #tpu.memory_space<vmem>> -> memref<128xi32, #tpu.memory_space<vmem>>
        %dma_wait3A_47 = arith.constant 0 : i32
        %dma_wait3A_48 = arith.constant 0 : i32
        %dma_wait3A_49 = tpu.memref_slice %arg9[%dma_wait3A_47, %dma_wait3A_48] : memref<5376x128xf32, #tpu.memory_space<vmem_shared>> -> memref<5376x128xf32, #tpu.memory_space<vmem_shared>>
        tpu.wait_indirect_dma semaphore(%run_scoped3A_37 : memref<!tpu.dma_semaphore, #tpu.memory_space<semaphore_mem>>) src(%arg7 : memref<128x128xf32, #tpu.memory_space<vmem>>) dst(%dma_wait3A_49 : memref<5376x128xf32, #tpu.memory_space<vmem_shared>>)
        tpu.yield
      }) : () -> ()
    }
    %scan3A_10 = arith.constant 157 : i32
    %barrier3A_11 = arith.constant 0 : index
    tpu.barrier barrier_id(%barrier3A_11)
    %mul3A_12 = arith.constant 320 : i32
    %mul3A_13 = arith.muli %arg1, %mul3A_12 : i32
    %add3A_14 = arith.constant 0 : i32
    %add3A_15 = arith.addi %mul3A_13, %add3A_14 : i32
    "tpu.region"() ({
      %run_scoped3A = tpu.sem_alloc : memref<!tpu.dma_semaphore, #tpu.memory_space<semaphore_mem>>
      %dma_start3A = arith.constant 0 : i32
      %dma_start3A_24 = tpu.memref_slice %arg9[%add3A_15, %dma_start3A] : memref<5376x128xf32, #tpu.memory_space<vmem_shared>> -> memref<160x128xf32, #tpu.memory_space<vmem_shared>>
      %dma_start3A_25 = arith.constant 0 : i32
      %dma_start3A_26 = tpu.memref_slice %arg9[%add3A_15, %dma_start3A_25] : memref<5376x128xf32, #tpu.memory_space<vmem_shared>> -> memref<160x128xf32, #tpu.memory_space<vmem_shared>>
      tpu.enqueue_dma source(%dma_start3A_26 : memref<160x128xf32, #tpu.memory_space<vmem_shared>>) target(%arg8 : memref<160x128xf32, #tpu.memory_space<vmem>>) target_semaphore(%run_scoped3A : memref<!tpu.dma_semaphore, #tpu.memory_space<semaphore_mem>>)
      %dma_wait3A = arith.constant 0 : i32
      %dma_wait3A_27 = tpu.memref_slice %arg9[%add3A_15, %dma_wait3A] : memref<5376x128xf32, #tpu.memory_space<vmem_shared>> -> memref<160x128xf32, #tpu.memory_space<vmem_shared>>
      %dma_wait3A_28 = arith.constant 0 : i32
      %dma_wait3A_29 = tpu.memref_slice %arg9[%add3A_15, %dma_wait3A_28] : memref<5376x128xf32, #tpu.memory_space<vmem_shared>> -> memref<160x128xf32, #tpu.memory_space<vmem_shared>>
      tpu.wait_dma2 semaphore(%run_scoped3A : memref<!tpu.dma_semaphore, #tpu.memory_space<semaphore_mem>>) src(%dma_wait3A_29 : memref<160x128xf32, #tpu.memory_space<vmem_shared>>) dst(%arg8 : memref<160x128xf32, #tpu.memory_space<vmem>>)
      tpu.yield
    }) : () -> ()
    %mul3A_16 = arith.constant 5120 : i32
    %mul3A_17 = arith.muli %arg0, %mul3A_16 : i32
    %add3A_18 = arith.addi %mul3A_17, %add3A_15 : i32
    "tpu.region"() ({
      %run_scoped3A = tpu.sem_alloc : memref<!tpu.dma_semaphore, #tpu.memory_space<semaphore_mem>>
      %dma_start3A = arith.constant 0 : i32
      %dma_start3A_24 = tpu.memref_slice %arg5[%add3A_18, %dma_start3A] : memref<10240x128xf32, #tpu.memory_space<hbm>> -> memref<160x128xf32, #tpu.memory_space<hbm>>
      %dma_start3A_25 = arith.constant 0 : i32
      %dma_start3A_26 = tpu.memref_slice %arg5[%add3A_18, %dma_start3A_25] : memref<10240x128xf32, #tpu.memory_space<hbm>> -> memref<160x128xf32, #tpu.memory_space<hbm>>
      tpu.enqueue_dma source(%arg8 : memref<160x128xf32, #tpu.memory_space<vmem>>) target(%dma_start3A_26 : memref<160x128xf32, #tpu.memory_space<hbm>>) target_semaphore(%run_scoped3A : memref<!tpu.dma_semaphore, #tpu.memory_space<semaphore_mem>>)
      %dma_wait3A = arith.constant 0 : i32
      %dma_wait3A_27 = tpu.memref_slice %arg5[%add3A_18, %dma_wait3A] : memref<10240x128xf32, #tpu.memory_space<hbm>> -> memref<160x128xf32, #tpu.memory_space<hbm>>
      %dma_wait3A_28 = arith.constant 0 : i32
      %dma_wait3A_29 = tpu.memref_slice %arg5[%add3A_18, %dma_wait3A_28] : memref<10240x128xf32, #tpu.memory_space<hbm>> -> memref<160x128xf32, #tpu.memory_space<hbm>>
      tpu.wait_dma2 semaphore(%run_scoped3A : memref<!tpu.dma_semaphore, #tpu.memory_space<semaphore_mem>>) src(%arg8 : memref<160x128xf32, #tpu.memory_space<vmem>>) dst(%dma_wait3A_29 : memref<160x128xf32, #tpu.memory_space<hbm>>)
      tpu.yield
    }) : () -> ()
    %add3A_19 = arith.constant 160 : i32
    %add3A_20 = arith.addi %mul3A_13, %add3A_19 : i32
    "tpu.region"() ({
      %run_scoped3A = tpu.sem_alloc : memref<!tpu.dma_semaphore, #tpu.memory_space<semaphore_mem>>
      %dma_start3A = arith.constant 0 : i32
      %dma_start3A_24 = tpu.memref_slice %arg9[%add3A_20, %dma_start3A] : memref<5376x128xf32, #tpu.memory_space<vmem_shared>> -> memref<160x128xf32, #tpu.memory_space<vmem_shared>>
      %dma_start3A_25 = arith.constant 0 : i32
      %dma_start3A_26 = tpu.memref_slice %arg9[%add3A_20, %dma_start3A_25] : memref<5376x128xf32, #tpu.memory_space<vmem_shared>> -> memref<160x128xf32, #tpu.memory_space<vmem_shared>>
      tpu.enqueue_dma source(%dma_start3A_26 : memref<160x128xf32, #tpu.memory_space<vmem_shared>>) target(%arg8 : memref<160x128xf32, #tpu.memory_space<vmem>>) target_semaphore(%run_scoped3A : memref<!tpu.dma_semaphore, #tpu.memory_space<semaphore_mem>>)
      %dma_wait3A = arith.constant 0 : i32
      %dma_wait3A_27 = tpu.memref_slice %arg9[%add3A_20, %dma_wait3A] : memref<5376x128xf32, #tpu.memory_space<vmem_shared>> -> memref<160x128xf32, #tpu.memory_space<vmem_shared>>
      %dma_wait3A_28 = arith.constant 0 : i32
      %dma_wait3A_29 = tpu.memref_slice %arg9[%add3A_20, %dma_wait3A_28] : memref<5376x128xf32, #tpu.memory_space<vmem_shared>> -> memref<160x128xf32, #tpu.memory_space<vmem_shared>>
      tpu.wait_dma2 semaphore(%run_scoped3A : memref<!tpu.dma_semaphore, #tpu.memory_space<semaphore_mem>>) src(%dma_wait3A_29 : memref<160x128xf32, #tpu.memory_space<vmem_shared>>) dst(%arg8 : memref<160x128xf32, #tpu.memory_space<vmem>>)
      tpu.yield
    }) : () -> ()
    %mul3A_21 = arith.constant 5120 : i32
    %mul3A_22 = arith.muli %arg0, %mul3A_21 : i32
    %add3A_23 = arith.addi %mul3A_22, %add3A_20 : i32
    "tpu.region"() ({
      %run_scoped3A = tpu.sem_alloc : memref<!tpu.dma_semaphore, #tpu.memory_space<semaphore_mem>>
      %dma_start3A = arith.constant 0 : i32
      %dma_start3A_24 = tpu.memref_slice %arg5[%add3A_23, %dma_start3A] : memref<10240x128xf32, #tpu.memory_space<hbm>> -> memref<160x128xf32, #tpu.memory_space<hbm>>
      %dma_start3A_25 = arith.constant 0 : i32
      %dma_start3A_26 = tpu.memref_slice %arg5[%add3A_23, %dma_start3A_25] : memref<10240x128xf32, #tpu.memory_space<hbm>> -> memref<160x128xf32, #tpu.memory_space<hbm>>
      tpu.enqueue_dma source(%arg8 : memref<160x128xf32, #tpu.memory_space<vmem>>) target(%dma_start3A_26 : memref<160x128xf32, #tpu.memory_space<hbm>>) target_semaphore(%run_scoped3A : memref<!tpu.dma_semaphore, #tpu.memory_space<semaphore_mem>>)
      %dma_wait3A = arith.constant 0 : i32
      %dma_wait3A_27 = tpu.memref_slice %arg5[%add3A_23, %dma_wait3A] : memref<10240x128xf32, #tpu.memory_space<hbm>> -> memref<160x128xf32, #tpu.memory_space<hbm>>
      %dma_wait3A_28 = arith.constant 0 : i32
      %dma_wait3A_29 = tpu.memref_slice %arg5[%add3A_23, %dma_wait3A_28] : memref<10240x128xf32, #tpu.memory_space<hbm>> -> memref<160x128xf32, #tpu.memory_space<hbm>>
      tpu.wait_dma2 semaphore(%run_scoped3A : memref<!tpu.dma_semaphore, #tpu.memory_space<semaphore_mem>>) src(%arg8 : memref<160x128xf32, #tpu.memory_space<vmem>>) dst(%dma_wait3A_29 : memref<160x128xf32, #tpu.memory_space<hbm>>)
      tpu.yield
    }) : () -> ()
    return
  }
}

module attributes {stable_mosaic.version = 14 : i64} {
  func.func @_pre_body(%arg0: i32, %arg1: memref<400x128xf32, #tpu.memory_space<vmem>>, %arg2: memref<128x128xf32, #tpu.memory_space<vmem>>, %arg3: memref<1x128xf32, #tpu.memory_space<vmem>>, %arg4: memref<400x128xf32, #tpu.memory_space<vmem>>, %arg5: memref<400x128xf32, #tpu.memory_space<vmem>>) attributes {dimension_semantics = [#tpu.dimension_semantics<arbitrary>], iteration_bounds = array<i64: 25>, scalar_prefetch = 0 : i64, scratch_operands = 0 : i64, tpu.core_type = #tpu.core_type<tc>, window_params = [{transform_indices = @transform_0, window_bounds = array<i64: 400, 128>}, {pipeline_mode = #tpu.pipeline_mode<synchronous>, transform_indices = @transform_1, window_bounds = array<i64: 128, 128>}, {pipeline_mode = #tpu.pipeline_mode<synchronous>, transform_indices = @transform_2, window_bounds = array<i64: 1, 128>}, {transform_indices = @transform_3, window_bounds = array<i64: 400, 128>}, {transform_indices = @transform_4, window_bounds = array<i64: 400, 128>}]} {
    %get3A = arith.constant 0 : index
    %get3A_0 = arith.constant 0 : index
    %get3A_1 = vector.load %arg4[%get3A, %get3A_0] : memref<400x128xf32, #tpu.memory_space<vmem>>, vector<400x128xf32>
    %slice3A = vector.extract_strided_slice %get3A_1 {offsets = [0, 0], sizes = [400, 1], strides = [1, 1]} : vector<400x128xf32> to vector<400x1xf32>
    %add3A = arith.constant 1.000000e+00 : f32
    %add3A_2 = vector.broadcast %add3A : f32 to vector<400x1xf32>
    %add3A_3 = arith.addf %slice3A, %add3A_2 : vector<400x1xf32>
    %rsqrt3A = math.rsqrt %add3A_3 : vector<400x1xf32>
    %get3A_4 = arith.constant 0 : index
    %get3A_5 = arith.constant 0 : index
    %get3A_6 = vector.load %arg1[%get3A_4, %get3A_5] : memref<400x128xf32, #tpu.memory_space<vmem>>, vector<400x128xf32>
    %get3A_7 = arith.constant 0 : index
    %get3A_8 = arith.constant 0 : index
    %get3A_9 = vector.load %arg2[%get3A_7, %get3A_8] : memref<128x128xf32, #tpu.memory_space<vmem>>, vector<128x128xf32>
    %dot_general3A = arith.constant dense<0.000000e+00> : vector<400x128xf32>
    %dot_general3A_10 = tpu.matmul %get3A_6, %get3A_9, %dot_general3A {dimension_numbers = #tpu.dot_dimension_numbers<[1], [0], [0], [1], [0, 0, 1, 1], [], []>, transpose_lhs_hint = false} : vector<400x128xf32>, vector<128x128xf32>, vector<400x128xf32> -> vector<400x128xf32>
    %get3A_11 = arith.constant 0 : index
    %get3A_12 = arith.constant 0 : index
    %get3A_13 = vector.load %arg3[%get3A_11, %get3A_12] : memref<1x128xf32, #tpu.memory_space<vmem>>, vector<1x128xf32>
    %add3A_14 = vector.broadcast %get3A_13 : vector<1x128xf32> to vector<400x128xf32>
    %add3A_15 = arith.addf %dot_general3A_10, %add3A_14 : vector<400x128xf32>
    %mul3A = vector.broadcast %rsqrt3A : vector<400x1xf32> to vector<400x128xf32>
    %mul3A_16 = arith.mulf %add3A_15, %mul3A : vector<400x128xf32>
    %swap3A = arith.constant 0 : index
    %swap3A_17 = arith.constant 0 : index
    %swap3A_18 = vector.load %arg5[%swap3A, %swap3A_17] : memref<400x128xf32, #tpu.memory_space<vmem>>, vector<400x128xf32>
    tpu.vector_store %arg5[%swap3A, %swap3A_17], %mul3A_16 {strides = array<i32>} : memref<400x128xf32, #tpu.memory_space<vmem>>, vector<400x128xf32>,
    return
  }
  func.func @transform_0(%arg0: i32) -> (i32, i32) {
    %c0_i32 = arith.constant 0 : i32
    %c0_i32_0 = arith.constant 0 : i32
    return %arg0, %c0_i32 : i32, i32
  }
  func.func @transform_1(%arg0: i32) -> (i32, i32) {
    %c0_i32 = arith.constant 0 : i32
    %c0_i32_0 = arith.constant 0 : i32
    %c0_i32_1 = arith.constant 0 : i32
    return %c0_i32, %c0_i32_0 : i32, i32
  }
  func.func @transform_2(%arg0: i32) -> (i32, i32) {
    %c0_i32 = arith.constant 0 : i32
    %c0_i32_0 = arith.constant 0 : i32
    %c0_i32_1 = arith.constant 0 : i32
    return %c0_i32, %c0_i32_0 : i32, i32
  }
  func.func @transform_3(%arg0: i32) -> (i32, i32) {
    %c0_i32 = arith.constant 0 : i32
    %c0_i32_0 = arith.constant 0 : i32
    return %arg0, %c0_i32 : i32, i32
  }
  func.func @transform_4(%arg0: i32) -> (i32, i32) {
    %c0_i32 = arith.constant 0 : i32
    %c0_i32_0 = arith.constant 0 : i32
    return %arg0, %c0_i32 : i32, i32
  }
}

module attributes {stable_mosaic.version = 14 : i64} {
  func.func @_mid_body(%arg0: i32, %arg1: memref<400x128xf32, #tpu.memory_space<vmem>>, %arg2: memref<400x128xf32, #tpu.memory_space<vmem>>, %arg3: memref<400x128xf32, #tpu.memory_space<vmem>>, %arg4: memref<400x128xf32, #tpu.memory_space<vmem>>) attributes {dimension_semantics = [#tpu.dimension_semantics<arbitrary>], iteration_bounds = array<i64: 25>, scalar_prefetch = 0 : i64, scratch_operands = 0 : i64, tpu.core_type = #tpu.core_type<tc>, window_params = [{transform_indices = @transform_0, window_bounds = array<i64: 400, 128>}, {transform_indices = @transform_1, window_bounds = array<i64: 400, 128>}, {transform_indices = @transform_2, window_bounds = array<i64: 400, 128>}, {transform_indices = @transform_3, window_bounds = array<i64: 400, 128>}]} {
    %get3A = arith.constant 0 : index
    %get3A_0 = arith.constant 0 : index
    %get3A_1 = vector.load %arg3[%get3A, %get3A_0] : memref<400x128xf32, #tpu.memory_space<vmem>>, vector<400x128xf32>
    %slice3A = vector.extract_strided_slice %get3A_1 {offsets = [0, 0], sizes = [400, 1], strides = [1, 1]} : vector<400x128xf32> to vector<400x1xf32>
    %add3A = arith.constant 1.000000e+00 : f32
    %add3A_2 = vector.broadcast %add3A : f32 to vector<400x1xf32>
    %add3A_3 = arith.addf %slice3A, %add3A_2 : vector<400x1xf32>
    %rsqrt3A = math.rsqrt %add3A_3 : vector<400x1xf32>
    %mul3A = arith.mulf %rsqrt3A, %rsqrt3A : vector<400x1xf32>
    %get3A_4 = arith.constant 0 : index
    %get3A_5 = arith.constant 0 : index
    %get3A_6 = vector.load %arg1[%get3A_4, %get3A_5] : memref<400x128xf32, #tpu.memory_space<vmem>>, vector<400x128xf32>
    %get3A_7 = arith.constant 0 : index
    %get3A_8 = arith.constant 0 : index
    %get3A_9 = vector.load %arg2[%get3A_7, %get3A_8] : memref<400x128xf32, #tpu.memory_space<vmem>>, vector<400x128xf32>
    %add3A_10 = arith.addf %get3A_6, %get3A_9 : vector<400x128xf32>
    %mul3A_11 = vector.broadcast %mul3A : vector<400x1xf32> to vector<400x128xf32>
    %mul3A_12 = arith.mulf %add3A_10, %mul3A_11 : vector<400x128xf32>
    %swap3A = arith.constant 0 : index
    %swap3A_13 = arith.constant 0 : index
    %swap3A_14 = vector.load %arg4[%swap3A, %swap3A_13] : memref<400x128xf32, #tpu.memory_space<vmem>>, vector<400x128xf32>
    tpu.vector_store %arg4[%swap3A, %swap3A_13], %mul3A_12 {strides = array<i32>} : memref<400x128xf32, #tpu.memory_space<vmem>>, vector<400x128xf32>,
    return
  }
  func.func @transform_0(%arg0: i32) -> (i32, i32) {
    %c0_i32 = arith.constant 0 : i32
    %c0_i32_0 = arith.constant 0 : i32
    return %arg0, %c0_i32 : i32, i32
  }
  func.func @transform_1(%arg0: i32) -> (i32, i32) {
    %c0_i32 = arith.constant 0 : i32
    %c0_i32_0 = arith.constant 0 : i32
    return %arg0, %c0_i32 : i32, i32
  }
  func.func @transform_2(%arg0: i32) -> (i32, i32) {
    %c0_i32 = arith.constant 0 : i32
    %c0_i32_0 = arith.constant 0 : i32
    return %arg0, %c0_i32 : i32, i32
  }
  func.func @transform_3(%arg0: i32) -> (i32, i32) {
    %c0_i32 = arith.constant 0 : i32
    %c0_i32_0 = arith.constant 0 : i32
    return %arg0, %c0_i32 : i32, i32
  }
}

module attributes {stable_mosaic.version = 14 : i64} {
  func.func @_layer_body(%arg0: i32, %arg1: memref<400x128xf32, #tpu.memory_space<vmem>>, %arg2: memref<400x128xf32, #tpu.memory_space<vmem>>, %arg3: memref<400x128xf32, #tpu.memory_space<vmem>>, %arg4: memref<128x128xf32, #tpu.memory_space<vmem>>, %arg5: memref<1x128xf32, #tpu.memory_space<vmem>>, %arg6: memref<400x128xf32, #tpu.memory_space<vmem>>) attributes {dimension_semantics = [#tpu.dimension_semantics<arbitrary>], iteration_bounds = array<i64: 25>, scalar_prefetch = 0 : i64, scratch_operands = 0 : i64, tpu.core_type = #tpu.core_type<tc>, window_params = [{transform_indices = @transform_0, window_bounds = array<i64: 400, 128>}, {transform_indices = @transform_1, window_bounds = array<i64: 400, 128>}, {transform_indices = @transform_2, window_bounds = array<i64: 400, 128>}, {pipeline_mode = #tpu.pipeline_mode<synchronous>, transform_indices = @transform_3, window_bounds = array<i64: 128, 128>}, {pipeline_mode = #tpu.pipeline_mode<synchronous>, transform_indices = @transform_4, window_bounds = array<i64: 1, 128>}, {transform_indices = @transform_5, window_bounds = array<i64: 400, 128>}]} {
    %get3A = arith.constant 0 : index
    %get3A_0 = arith.constant 0 : index
    %get3A_1 = vector.load %arg3[%get3A, %get3A_0] : memref<400x128xf32, #tpu.memory_space<vmem>>, vector<400x128xf32>
    %slice3A = vector.extract_strided_slice %get3A_1 {offsets = [0, 0], sizes = [400, 1], strides = [1, 1]} : vector<400x128xf32> to vector<400x1xf32>
    %add3A = arith.constant 1.000000e+00 : f32
    %add3A_2 = vector.broadcast %add3A : f32 to vector<400x1xf32>
    %add3A_3 = arith.addf %slice3A, %add3A_2 : vector<400x1xf32>
    %rsqrt3A = math.rsqrt %add3A_3 : vector<400x1xf32>
    %get3A_4 = arith.constant 0 : index
    %get3A_5 = arith.constant 0 : index
    %get3A_6 = vector.load %arg1[%get3A_4, %get3A_5] : memref<400x128xf32, #tpu.memory_space<vmem>>, vector<400x128xf32>
    %get3A_7 = arith.constant 0 : index
    %get3A_8 = arith.constant 0 : index
    %get3A_9 = vector.load %arg2[%get3A_7, %get3A_8] : memref<400x128xf32, #tpu.memory_space<vmem>>, vector<400x128xf32>
    %add3A_10 = arith.addf %get3A_6, %get3A_9 : vector<400x128xf32>
    %mul3A = vector.broadcast %rsqrt3A : vector<400x1xf32> to vector<400x128xf32>
    %mul3A_11 = arith.mulf %add3A_10, %mul3A : vector<400x128xf32>
    %max3A = arith.constant 0.000000e+00 : f32
    %max3A_12 = vector.broadcast %max3A : f32 to vector<400x128xf32>
    %max3A_13 = arith.maximumf %mul3A_11, %max3A_12 : vector<400x128xf32>
    %get3A_14 = arith.constant 0 : index
    %get3A_15 = arith.constant 0 : index
    %get3A_16 = vector.load %arg4[%get3A_14, %get3A_15] : memref<128x128xf32, #tpu.memory_space<vmem>>, vector<128x128xf32>
    %dot_general3A = arith.constant dense<0.000000e+00> : vector<400x128xf32>
    %dot_general3A_17 = tpu.matmul %max3A_13, %get3A_16, %dot_general3A {dimension_numbers = #tpu.dot_dimension_numbers<[1], [0], [0], [1], [0, 0, 1, 1], [], []>, transpose_lhs_hint = false} : vector<400x128xf32>, vector<128x128xf32>, vector<400x128xf32> -> vector<400x128xf32>
    %get3A_18 = arith.constant 0 : index
    %get3A_19 = arith.constant 0 : index
    %get3A_20 = vector.load %arg5[%get3A_18, %get3A_19] : memref<1x128xf32, #tpu.memory_space<vmem>>, vector<1x128xf32>
    %add3A_21 = vector.broadcast %get3A_20 : vector<1x128xf32> to vector<400x128xf32>
    %add3A_22 = arith.addf %dot_general3A_17, %add3A_21 : vector<400x128xf32>
    %mul3A_23 = vector.broadcast %rsqrt3A : vector<400x1xf32> to vector<400x128xf32>
    %mul3A_24 = arith.mulf %add3A_22, %mul3A_23 : vector<400x128xf32>
    %swap3A = arith.constant 0 : index
    %swap3A_25 = arith.constant 0 : index
    %swap3A_26 = vector.load %arg6[%swap3A, %swap3A_25] : memref<400x128xf32, #tpu.memory_space<vmem>>, vector<400x128xf32>
    tpu.vector_store %arg6[%swap3A, %swap3A_25], %mul3A_24 {strides = array<i32>} : memref<400x128xf32, #tpu.memory_space<vmem>>, vector<400x128xf32>,
    return
  }
  func.func @transform_0(%arg0: i32) -> (i32, i32) {
    %c0_i32 = arith.constant 0 : i32
    %c0_i32_0 = arith.constant 0 : i32
    return %arg0, %c0_i32 : i32, i32
  }
  func.func @transform_1(%arg0: i32) -> (i32, i32) {
    %c0_i32 = arith.constant 0 : i32
    %c0_i32_0 = arith.constant 0 : i32
    return %arg0, %c0_i32 : i32, i32
  }
  func.func @transform_2(%arg0: i32) -> (i32, i32) {
    %c0_i32 = arith.constant 0 : i32
    %c0_i32_0 = arith.constant 0 : i32
    return %arg0, %c0_i32 : i32, i32
  }
  func.func @transform_3(%arg0: i32) -> (i32, i32) {
    %c0_i32 = arith.constant 0 : i32
    %c0_i32_0 = arith.constant 0 : i32
    %c0_i32_1 = arith.constant 0 : i32
    return %c0_i32, %c0_i32_0 : i32, i32
  }
  func.func @transform_4(%arg0: i32) -> (i32, i32) {
    %c0_i32 = arith.constant 0 : i32
    %c0_i32_0 = arith.constant 0 : i32
    %c0_i32_1 = arith.constant 0 : i32
    return %c0_i32, %c0_i32_0 : i32, i32
  }
  func.func @transform_5(%arg0: i32) -> (i32, i32) {
    %c0_i32 = arith.constant 0 : i32
    %c0_i32_0 = arith.constant 0 : i32
    return %arg0, %c0_i32 : i32, i32
  }
}

module attributes {stable_mosaic.version = 14 : i64} {
  func.func @_mid_body(%arg0: i32, %arg1: memref<400x128xf32, #tpu.memory_space<vmem>>, %arg2: memref<400x128xf32, #tpu.memory_space<vmem>>, %arg3: memref<400x128xf32, #tpu.memory_space<vmem>>, %arg4: memref<400x128xf32, #tpu.memory_space<vmem>>) attributes {dimension_semantics = [#tpu.dimension_semantics<arbitrary>], iteration_bounds = array<i64: 25>, scalar_prefetch = 0 : i64, scratch_operands = 0 : i64, tpu.core_type = #tpu.core_type<tc>, window_params = [{transform_indices = @transform_0, window_bounds = array<i64: 400, 128>}, {transform_indices = @transform_1, window_bounds = array<i64: 400, 128>}, {transform_indices = @transform_2, window_bounds = array<i64: 400, 128>}, {transform_indices = @transform_3, window_bounds = array<i64: 400, 128>}]} {
    %get3A = arith.constant 0 : index
    %get3A_0 = arith.constant 0 : index
    %get3A_1 = vector.load %arg3[%get3A, %get3A_0] : memref<400x128xf32, #tpu.memory_space<vmem>>, vector<400x128xf32>
    %slice3A = vector.extract_strided_slice %get3A_1 {offsets = [0, 0], sizes = [400, 1], strides = [1, 1]} : vector<400x128xf32> to vector<400x1xf32>
    %add3A = arith.constant 1.000000e+00 : f32
    %add3A_2 = vector.broadcast %add3A : f32 to vector<400x1xf32>
    %add3A_3 = arith.addf %slice3A, %add3A_2 : vector<400x1xf32>
    %rsqrt3A = math.rsqrt %add3A_3 : vector<400x1xf32>
    %get3A_4 = arith.constant 0 : index
    %get3A_5 = arith.constant 0 : index
    %get3A_6 = vector.load %arg1[%get3A_4, %get3A_5] : memref<400x128xf32, #tpu.memory_space<vmem>>, vector<400x128xf32>
    %get3A_7 = arith.constant 0 : index
    %get3A_8 = arith.constant 0 : index
    %get3A_9 = vector.load %arg2[%get3A_7, %get3A_8] : memref<400x128xf32, #tpu.memory_space<vmem>>, vector<400x128xf32>
    %add3A_10 = arith.addf %get3A_6, %get3A_9 : vector<400x128xf32>
    %mul3A = vector.broadcast %rsqrt3A : vector<400x1xf32> to vector<400x128xf32>
    %mul3A_11 = arith.mulf %add3A_10, %mul3A : vector<400x128xf32>
    %swap3A = arith.constant 0 : index
    %swap3A_12 = arith.constant 0 : index
    %swap3A_13 = vector.load %arg4[%swap3A, %swap3A_12] : memref<400x128xf32, #tpu.memory_space<vmem>>, vector<400x128xf32>
    tpu.vector_store %arg4[%swap3A, %swap3A_12], %mul3A_11 {strides = array<i32>} : memref<400x128xf32, #tpu.memory_space<vmem>>, vector<400x128xf32>,
    return
  }
  func.func @transform_0(%arg0: i32) -> (i32, i32) {
    %c0_i32 = arith.constant 0 : i32
    %c0_i32_0 = arith.constant 0 : i32
    return %arg0, %c0_i32 : i32, i32
  }
  func.func @transform_1(%arg0: i32) -> (i32, i32) {
    %c0_i32 = arith.constant 0 : i32
    %c0_i32_0 = arith.constant 0 : i32
    return %arg0, %c0_i32 : i32, i32
  }
  func.func @transform_2(%arg0: i32) -> (i32, i32) {
    %c0_i32 = arith.constant 0 : i32
    %c0_i32_0 = arith.constant 0 : i32
    return %arg0, %c0_i32 : i32, i32
  }
  func.func @transform_3(%arg0: i32) -> (i32, i32) {
    %c0_i32 = arith.constant 0 : i32
    %c0_i32_0 = arith.constant 0 : i32
    return %arg0, %c0_i32 : i32, i32
  }
}

</mosaic_0001>

<sc_bundles>
// kernel: kernel.12.cloned.1.call-start
scs
__scs_entry_jumppad:
0x0: {  	(pc) =	sbr.rel $0x88, $3  }
0x1: {  	(tag) =	ssettag $0x0;
	lr =	simm.s32 $0x1  }
0x2: {  	[smem:$0x3F9B] =	sst lr;
	_ =	strace $0xD0000000  }
0x3: {  	_ = 	snop  }
0x4: {  	_ = 	snop  }
0x5: {  	_ = 	snop  }
0x6: {  	_ = 	snop  }
0x7: {  	_ = 	snop  }
__scs_overlays_trampoline_lowered:
0x8: {  	[smem:$0x3FAA] =	sst s0  }
0x9: {  	[smem:$0x3FAB] =	sst s1  }
0xa: {  	[smem:$0x3FAC] =	sst s2  }
0xb: {  	[smem:$0x3FAD] =	sst s3  }
0xc: {  	[smem:$0x3FAE] =	sst s4  }
0xd: {  	[smem:$0x3FAF] =	sst s5  }
0xe: {  	[smem:$0x3FB0] =	sst s6  }
0xf: {  	[smem:$0x3FB1] =	sst s7  }
0x10: {  	[smem:$0x3FB2] =	sst s8  }
0x11: {  	[smem:$0x3FB3] =	sst s9;
	s0 =	simm.s32 @!p0 $0x0  }
0x12: {  	s1 =	sld [smem:$0x3F99];
	s0 =	simm.s32 @p0 $0x1  }
0x13: {  	[smem:$0x3FB4] =	sst s0;
	s0 =	simm.s32 @!p1 $0x0  }
0x14: {  	s2 =	sld [smem:$0x3F98];
	s0 =	simm.s32 @p1 $0x1  }
0x15: {  	[smem:$0x3FB5] =	sst s0;
	s0 =	simm.s32 @!p2 $0x0  }
0x16: {  	s3 =	sld [smem:$0x3FDB];
	s0 =	simm.s32 @p2 $0x1  }
0x17: {  	s4 =	simm.s32 $0x1BF5;
	[smem:$0x3FB7] =	sst s0  }
0x18: {  	s0 =	sld [smem:$0x3F9A];
	_ =	swait.ge [sflag:s4], $0x0  }
0x19: {  	s7 =	sld [smem:$0x3F9B]  }
0x1a: {  	s8 =	sadd.s32 $0xFFFFE003, lr  }
0x1b: {  	s9 =	sadd.s32 $0xFFFFFEF7, lr;
	s5 =	simm.s32 $0xFFFFFFFF;
	p2 =	slt.u32 s8, $0xFFFFF086  }
0x1c: {  	p1 =	slt.u32 s9, $0xF7A;
	s5 =	simm.s32 @!p2 $0x0  }
0x1d: {  	s5 =	simm.s32 @p1 $0x1;
	p0 =	seq.s32 s7, s2  }
0x1e: {  	s7 =	smul.u32 @!p0 $0xF7A, s2;
	p2 =	seq.s32 @!p0 s5, $0x0  }
0x1f: {  	s9 =	smul.u32 $0xF7A, s1;
	s8 =	simm.s32 @!p0 $0x1BF5;
	p2 =	por !p2, p0  }
0x20: {  	[sflag:s8] =	ssyncset.s32 @!p0 $0xFFFFF086;
	s6 =	sadd.s32 @!p0 s3, s7;
	s7 =	simm.s32 @!p0 $0x108  }
0x21: {  	s3 =	sadd.s32 s3, s9;
	s6 =	sadd.s32 @!p0 $0x88, s6;
	s7 =	simm.s32 @p2 $0x1082  }
0x22: {  	[simem:s7], [sflag:s8] =	dma.local @!p0 [hbm:s6], $0xF7A  }
0x23: {  	s9 =	sor.u32 $0xD0000000, s2;
	s6 =	simm.s32 $0x108;
	_ =	swait.ge @!p0 [sflag:s8], $0x0  }
0x24: {  	s3 =	sadd.s32 $0x88, s3;
	s6 =	simm.s32 @!p1 $0x1082;
	[sflag:s4] =	ssyncset.s32 $0xFFFFF086  }
0x25: {  	[simem:s6], [sflag:s4] =	dma.local [hbm:s3], $0xF7A  }
0x26: {  	[smem:$0x3F9B] =	sst s1;
	(tag) =	ssettag s2;
	_ =	strace s9  }
0x27: {  	s1 =	sld [smem:$0x3FAB]  }
0x28: {  	s2 =	sld [smem:$0x3FAC]  }
0x29: {  	s4 =	sld [smem:$0x3FAE]  }
0x2a: {  	p0 =	seq.s32 s5, $0x0;
	s5 =	sld [smem:$0x3FAF]  }
0x2b: {  	s6 =	sld [smem:$0x3FB0]  }
0x2c: {  	s7 =	sld [smem:$0x3FB1]  }
0x2d: {  	s3 =	simm.s32 $0x108;
	s8 =	sld [smem:$0x3FB2]  }
0x2e: {  	s3 =	simm.s32 @!p0 $0x1082;
	s9 =	sld [smem:$0x3FB3]  }
0x2f: {  	lr =	sadd.s32 s0, s3;
	s0 =	sld [smem:$0x3FAA]  }
0x30: {  	s3 =	sld [smem:$0x3FAD]  }
0x31: {  	[smem:$0x3FB6] =	sst s10  }
0x32: {  	s10 =	sld [smem:$0x3FB4];
	_ =	sdelay $0x3  }
0x33: {  	p0 =	seq.s32 s10, $0x1;
	s10 =	sld [smem:$0x3FB6];
	_ =	sdelay $0x3  }
0x34: {  	[smem:$0x3FB6] =	sst s10  }
0x35: {  	s10 =	sld [smem:$0x3FB5];
	_ =	sdelay $0x3  }
0x36: {  	p1 =	seq.s32 s10, $0x1;
	s10 =	sld [smem:$0x3FB6];
	_ =	sdelay $0x3  }
0x37: {  	[smem:$0x3FB6] =	sst s10  }
0x38: {  	s10 =	sld [smem:$0x3FB7]  }
0x39: {  	_ = 	snop;
	(pc) =	sbr.ind lr, $3  }
0x3a: {  	_ = 	snop  }
0x3b: {  	_ = 	snop  }
0x3c: {  	p2 =	seq.s32 s10, $0x1;
	s10 =	sld [smem:$0x3FB6]  }
0x3d: {  	_ =	shalt  }
0x3e: {  	_ =	shalt  }
0x3f: {  	_ =	shalt  }
0x40: {  	_ =	shalt  }
0x41: {  	_ =	shalt  }
0x42: {  	_ =	shalt  }
0x43: {  	_ =	shalt  }
0x44: {  	_ =	shalt  }
0x45: {  	_ =	shalt  }
0x46: {  	_ =	shalt  }
0x47: {  	_ =	shalt  }
0x48: {  	_ =	shalt  }
0x49: {  	_ =	shalt  }
0x4a: {  	_ =	shalt  }
0x4b: {  	_ =	shalt  }
0x4c: {  	_ =	shalt  }
0x4d: {  	_ =	shalt  }
0x4e: {  	_ =	shalt  }
0x4f: {  	_ =	shalt  }
0x50: {  	_ =	shalt  }
0x51: {  	_ =	shalt  }
0x52: {  	_ =	shalt  }
0x53: {  	_ =	shalt  }
0x54: {  	_ =	shalt  }
0x55: {  	_ =	shalt  }
0x56: {  	_ =	shalt  }
0x57: {  	_ =	shalt  }
0x58: {  	_ =	shalt  }
0x59: {  	_ =	shalt  }
0x5a: {  	_ =	shalt  }
0x5b: {  	_ =	shalt  }
0x5c: {  	_ =	shalt  }
0x5d: {  	_ =	shalt  }
0x5e: {  	_ =	shalt  }
0x5f: {  	_ =	shalt  }
0x60: {  	_ =	shalt  }
0x61: {  	_ =	shalt  }
0x62: {  	_ =	shalt  }
0x63: {  	_ =	shalt  }
0x64: {  	_ =	shalt  }
0x65: {  	_ =	shalt  }
0x66: {  	_ =	shalt  }
0x67: {  	_ =	shalt  }
0x68: {  	_ =	shalt  }
0x69: {  	_ =	shalt  }
0x6a: {  	_ =	shalt  }
0x6b: {  	_ =	shalt  }
0x6c: {  	_ =	shalt  }
0x6d: {  	_ =	shalt  }
0x6e: {  	_ =	shalt  }
0x6f: {  	_ =	shalt  }
0x70: {  	_ =	shalt  }
0x71: {  	_ =	shalt  }
0x72: {  	_ =	shalt  }
0x73: {  	_ =	shalt  }
0x74: {  	_ =	shalt  }
0x75: {  	_ =	shalt  }
0x76: {  	_ =	shalt  }
0x77: {  	_ =	shalt  }
0x78: {  	_ =	shalt  }
0x79: {  	_ =	shalt  }
0x7a: {  	_ =	shalt  }
0x7b: {  	_ =	shalt  }
0x7c: {  	_ =	shalt  }
0x7d: {  	_ =	shalt  }
0x7e: {  	_ =	shalt  }
0x7f: {  	_ =	shalt  }
0x80: {  	_ =	shalt  }
0x81: {  	_ =	shalt  }
0x82: {  	_ =	shalt  }
0x83: {  	_ =	shalt  }
0x84: {  	_ =	shalt  }
0x85: {  	_ =	shalt  }
0x86: {  	_ =	shalt  }
0x87: {  	_ =	shalt  }
.Lfunc_end0:
.L_simem_size_0:
called_computation_lowered:
.L_overlay_start_0:
0x88: {  	s2 =	sld [smem:$0x3FD9]  }
0x89: {  	s3 =	sld [smem:$0x3FFE];
	_ =	sdelay $0x1  }
0x8a: {  	s1 =	srdreg.scid  }
0x8b: {  	s0 =	sand.u32 $0x1, s1  }
0x8c: {  	s17 =	sshll.u32 s0, $0xA;
	s2 =	sadd.s32 s3, s2  }
0x8d: {  	s2 =	sadd.s32 s2, s17  }
0x8e: {  	[smem:$0x3FC2] =	sst s2  }
0x8f: {  	_ = 	snop  }
0x90: {  	s2 =	sld [smem:$0x3FD0];
	(tm) =	ssettm $0x1  }
0x91: {  	s18 =	sld [smem:$0x3FFB];
	_ =	sdelay $0x3  }
0x92: {  	_ =	strace s18  }
0x93: {  	s3 =	sld [smem:$0x3FFC];
	_ =	sdelay $0x3  }
0x94: {  	_ =	strace s3  }
0x95: {  	s3 =	sld [smem:$0x3FFD];
	_ =	sdelay $0x3  }
0x96: {  	_ =	strace s3  }
0x97: {  	_ =	strace $0x8FFFFFFF  }
0x98: {  	s19 =	sld [smem:$0x3FDB];
	_ =	sdelay $0x1  }
0x99: {  	s4 =	simm.s32 $_scs_section_size  }
0x9a: {  	s5 =	simm.s32 $_size__tile_overlayer_lowered;
	s6 =	simm.s32 $_tile_overlayer_lowered  }
0x9b: {  	s22 =	simm.s32 $0x1BFF;
	s21 =	sshll.u32 s6, $0x1;
	s3 =	sadd.s32 s4, s19  }
0x9c: {  	s7 =	simm.s32 $0x0;
	s20 =	sshll.u32 s5, $0x1;
	s5 =	sadd.s32 s21, s3  }
0x9d: {  	[timem:s7], [sflag:s22] =	dma.local [hbm:s5], s20  }
0x9e: {  	_ =	swait.ge [sflag:s22], s20  }
0x9f: {  	s4 =	ssub.s32 $0x0, s20;
	[sflag:s22] =	ssyncset.done $0x0  }
0xa0: {  	[sflag:s22] =	ssyncadd.s32 s4;
	_ =	sdelay $0x1  }
0xa1: {  	s23 =	simm.s32 $0x1B8B  }
0xa2: {  	_ =	swait.ge [sflag:s23], $0x1  }
0xa3: {  	[sflag:s23] =	ssyncset.done $0x0  }
0xa4: {  	s25 =	simm.s32 $0x1B8E;
	s24 =	sld [smem:$0x3FFE];
	[sflag:s23] =	ssyncadd.s32 $0xFFFFFFFF  }
0xa5: {  	s26 =	simm.s32 $execute0_lowered;
	[smem:$0x3FD2] =	sst s25  }
0xa6: {  	s5 =	sshll.u32 s26, $0x1;
	_ =	strace $0x80000046;
	[dreg:$0x1] =	wrdreg $0xFFFFFFFF  }
0xa7: {  	s28 =	simm.s32 $_size_execute0_lowered;
	s3 =	sadd.s32 s3, s5;
	[dreg:$0x0] =	wrdreg $0x0  }
0xa8: {  	s5 =	sshll.u32 s28, $0x1;
	[dreg:$0x2] =	wrdreg s3  }
0xa9: {  	[dreg:$0x3] =	wrdreg s5  }
0xaa: {  	[dreg:$0x4] =	wrdreg $0xC0  }
0xab: {  	_ =	task [dreg:s7], $0x5FFFF  }
0xac: {  	[dreg:$0x1] =	wrdreg $0xFFFFFFFF  }
0xad: {  	[dreg:$0x0] =	wrdreg $0x60  }
0xae: {  	[dreg:$0x2] =	wrdreg s2  }
0xaf: {  	[dreg:$0x3] =	wrdreg s24  }
0xb0: {  	[dreg:$0x4] =	wrdreg $0x91000  }
0xb1: {  	[dreg:$0x5] =	wrdreg $0x9  }
0xb2: {  	_ =	task.clear_ibuf [dreg:s7], $0x6FFFF;
	_ =	strace $0x90000046  }
0xb3: {  	s29 =	simm.s32 $0x9;
	_ =	strace $0x80000048  }
0xb4: {  	_ =	swait.ge [sflag:s29], $0x1  }
0xb5: {  	[sflag:s29] =	ssyncadd.s32 $0xFFFFFFFF  }
0xb6: {  	_ =	strace $0x90000048  }
0xb7: {  	_ =	sfence  }
0xb8: {  	s30 =	sld [smem:$0x0];
	_ =	sdelay $0x2  }
0xb9: {  	s31 =	sshll.u32 s1, $0xD;
	s1 =	sshrl.u32 s1, $0x2  }
0xba: {  	s3 =	sand.u32 $0x4000, s31;
	s1 =	sadd.s32 s1, s30  }
0xbb: {  	s0 =	sor.u32 s3, s0;
	s1 =	sshll.u32 s1, $0x11  }
0xbc: {  	s0 =	sor.u32 s1, s0  }
0xbd: {  	s0 =	sadd.s32 $0x8F2B, s0  }
0xbe: {  	[sflag:s0] =	ssyncadd.remote.s32 $0x1  }
0xbf: {  	_ =	sfence.sel $0xFFFF  }
0xc0: {  	[dreg:$0x0] =	wrdreg $0xFFFFFFFF;
	(pc) =	sbr.abs _section_cstart, $3  }
0xc1: {  	[dreg:$0x1] =	wrdreg $0xFFFFFFFF  }
0xc2: {  	_ =	task.clear_ibuf [dreg:s7], $0x2FFFF;
	_ =	strace $0x9FFFFFFF  }
0xc3: {  	(tm) =	ssettm $0x7FFFFFFF  }
tec
execute0_lowered:
.L_overlay_start_1:
0x0: {  	(tag) =	ssettag $0x1  }
0x1: {  	s1 =	rddreg [dreg:$0x0]  }
0x2: {  	s6 =	rddreg [dreg:$0x1]  }
0x3: {  	s0 =	srdreg.scid;
	s3 =	rddreg [dreg:$0x2]  }
0x4: {  	s2 =	rddreg [dreg:$0x3];
	s7 =	sand.u32 $0x1, s0  }
0x5: {  	s0 =	stileid.u32;
	s5 =	smul.u32 $0x9D000, s7  }
0x6: {  	s4 =	simm.s32 $0x0;
	s18 =	simm.s32 $0x100;
	s8 =	smul.u32 $0x9D00, s0  }
0x7: {  	s19 =	simm.s32 $0x1;
	s20 =	simm.s32 $0x0;
	s28 =	smul.u32 $0x2A000, s0  }
0x8: {  	[smem:$0x7FF] =	sst s4;
	s12 =	sadd.s32 $0x2B600, s6;
	s9 =	smul.u32 $0x28000, s0  }
0x9: {  	_ =	strace $0x80000047;
	s29 =	ssub.s32 $0x2, s7;
	s11 =	smul.u32 $0x1400, s7  }
0xa: {  	s30 =	smul.u32 $0x140, s0;
	s10 =	sshrl.u32 s29, $0x1;
	s5 =	sadd.s32 s8, s5  }
0xb: {  	s8 =	sshrl.u32 s28, $0x2;
	s13 =	ssub.s32 s29, s10;
	s9 =	sshrl.u32 s9, $0x2  }
0xc: {  	s15 =	sadd.s32 s30, s11;
	s10 =	sadd.s32 $0xA0, s30;
	s5 =	sshrl.u32 s5, $0x3  }
0xd: {  	s9 =	sadd.s32 s9, s3;
	s15 =	sshll.u32 s15, $0x4;
	s16 =	sshll.u32 s10, $0x7  }
0xe: {  	s17 =	sadd.s32 s11, s10;
	s13 =	smax.u32 s13, $0x1;
	s14 =	sadd.s32 s5, s6  }
0xf: {  	s5 =	sadd.s32 $0x2AC00, s6;
	s6 =	sadd.s32 s8, s3;
	s10 =	sadd.s32 s12, s15  }
0x10: {  	s11 =	sadd.s32 s16, s3;
	s31 =	sshll.u32 s17, $0x4;
	s15 =	simm.s32 $0x4100  }
0x11: {  	s16 =	simm.s32 $0x2;
	s17 =	simm.s32 $0x80;
	s7 =	sadd.s32 $0x5000, s6  }
0x12: {  	s8 =	sadd.s32 $0xA000, s6;
	s12 =	sadd.s32 s12, s31;
	s14 =	sadd.s32 $0x3800, s14  }
.LBB2_1:
0x13: {  	[tilespmem:s15], [sflag:$0x2] =	stream.linear.gather [hbm4b:s5+s4], $0x5000, $0x38;
	[tilespmem:$0x13900] =	vst v63  }
0x14: {  	_ =	swait.ge [sflag:s16], $0x5000  }
0x15: {  	[sflag:s16] =	ssyncset.done $0x0  }
0x16: {  	[sflag:s16] =	ssyncadd.s32 $0xFFFFB000  }
0x17: {  	[spmem:s6] =	stream.linear.scatter [tilespmem:s15], [sflag:$0x2], $0x5000, $0x38;
	[tilespmem:$0x13900] =	vst v63  }
0x18: {  	_ =	swait.ge [sflag:s16], $0x5000  }
0x19: {  	[sflag:s16] =	ssyncset.done $0x0  }
0x1a: {  	[sflag:s16] =	ssyncadd.s32 $0xFFFFB000  }
0x1b: {  	[spmem:s7] =	stream.linear.scatter [tilespmem:s15], [sflag:$0x2], $0x5000, $0x38;
	[tilespmem:$0x13900] =	vst v63  }
0x1c: {  	_ =	swait.ge [sflag:s16], $0x5000  }
0x1d: {  	[sflag:s16] =	ssyncset.done $0x0  }
0x1e: {  	[sflag:s16] =	ssyncadd.s32 $0xFFFFB000  }
0x1f: {  	[spmem:s8] =	stream.linear.scatter [tilespmem:s15], [sflag:$0x2], $0x800, $0x38;
	[tilespmem:$0x13900] =	vst v63  }
0x20: {  	_ =	swait.ge [sflag:s16], $0x800  }
0x21: {  	[sflag:s16] =	ssyncset.done $0x0  }
0x22: {  	[sflag:s16] =	ssyncadd.s32 $0xFFFFF800  }
0x23: {  	s21 =	sadd.s32 $0x0, s14;
	[bflag:$0x0] =	sbarrier.arrive $0xFFFF  }
0x24: {  	[tilespmem:s4], [sflag:$0x2] =	stream.linear.gather [hbm4b:s21+s4], $0x100, $0x38;
	[tilespmem:$0x13900] =	vst v63  }
0x25: {  	_ =	swait.ge [sflag:s16], $0x100  }
0x26: {  	[sflag:s16] =	ssyncset.done $0x0  }
0x27: {  	[sflag:s16] =	ssyncadd.s32 $0xFFFFFF00  }
0x28: {  	[tilespmem:s18], [sflag:$0x1] =	stream.indirect.gather [hbm4b:s1+s17], $0x80, s4, s17, $0xb8;
	[tilespmem:$0x13900] =	vst v63  }
0x29: {  	_ =	swait.ge [sflag:s19], $0x4000  }
0x2a: {  	[sflag:s19] =	ssyncset.done $0x0  }
0x2b: {  	[sflag:s19] =	ssyncadd.s32 $0xFFFFC000  }
0x2c: {  	[spmem:s3] =	stream.indirect.scatter.add.f32 [tilespmem:s18], [sflag:$0x2], $0x80, s17, s17, $0xb8;
	[tilespmem:$0x13900] =	vst v63  }
0x2d: {  	_ =	swait.ge [sflag:s16], $0x4000  }
0x2e: {  	s22 =	simm.s32 $0x40;
	s21 =	simm.s32 $0x20;
	[sflag:s16] =	ssyncset.done $0x0  }
.LBB2_2:
0x2f: {  	s23 =	sadd.s32 s21, s14  }
0x30: {  	[sflag:s16] =	ssyncadd.s32 $0xFFFFC000;
	s21 =	smov.u32 s22;
	s24 =	sadd.s32 $0x20, s22  }
0x31: {  	[tilespmem:s4], [sflag:$0x2] =	stream.linear.gather [hbm4b:s23+s4], $0x100, $0x38;
	[tilespmem:$0x13900] =	vst v63  }
0x32: {  	p0 =	sne.s32 s22, $0x1380;
	_ =	swait.ge [sflag:s16], $0x100  }
0x33: {  	[sflag:s16] =	ssyncset.done $0x0  }
0x34: {  	[sflag:s16] =	ssyncadd.s32 $0xFFFFFF00  }
0x35: {  	[tilespmem:s18], [sflag:$0x1] =	stream.indirect.gather [hbm4b:s1+s17], $0x80, s4, s17, $0xb8;
	[tilespmem:$0x13900] =	vst v63  }
0x36: {  	_ =	swait.ge [sflag:s19], $0x4000  }
.Ltmp0:
0x37: {  	[sflag:s19] =	ssyncset.done $0x0;
	(pc) =	sbr.rel @p0 .LBB2_2-.Ltmp0, $4  }
0x38: {  	[sflag:s19] =	ssyncadd.s32 $0xFFFFC000  }
0x39: {  	[spmem:s3] =	stream.indirect.scatter.add.f32 [tilespmem:s18], [sflag:$0x2], $0x80, s17, s17, $0xb8;
	[tilespmem:$0x13900] =	vst v63  }
0x3a: {  	_ =	swait.ge [sflag:s16], $0x4000  }
0x3b: {  	s22 =	smov.u32 s24;
	[sflag:s16] =	ssyncset.done $0x0  }
0x3c: {  	s21 =	sadd.s32 s21, s14;
	[sflag:s16] =	ssyncadd.s32 $0xFFFFC000  }
0x3d: {  	[tilespmem:s4], [sflag:$0x2] =	stream.linear.gather [hbm4b:s21+s4], $0x100, $0x38;
	[tilespmem:$0x13900] =	vst v63  }
0x3e: {  	_ =	swait.ge [sflag:s16], $0x100  }
0x3f: {  	[sflag:s16] =	ssyncset.done $0x0  }
0x40: {  	[sflag:s16] =	ssyncadd.s32 $0xFFFFFF00  }
0x41: {  	[tilespmem:s18], [sflag:$0x1] =	stream.indirect.gather [hbm4b:s1+s17], $0x80, s4, s17, $0xb8;
	[tilespmem:$0x13900] =	vst v63  }
0x42: {  	_ =	swait.ge [sflag:s19], $0x4000  }
0x43: {  	[sflag:s19] =	ssyncset.done $0x0  }
0x44: {  	[sflag:s19] =	ssyncadd.s32 $0xFFFFC000  }
0x45: {  	[spmem:s3] =	stream.indirect.scatter.add.f32 [tilespmem:s18], [sflag:$0x2], $0x80, s17, s17, $0xb8;
	[tilespmem:$0x13900] =	vst v63  }
0x46: {  	_ =	swait.ge [sflag:s16], $0x4000  }
0x47: {  	[sflag:s16] =	ssyncset.done $0x0  }
0x48: {  	[sflag:s16] =	ssyncadd.s32 $0xFFFFC000  }
0x49: {  	[bflag:$0x0] =	sbarrier.arrive $0xFFFF  }
0x4a: {  	[tilespmem:s15], [sflag:$0x2] =	stream.linear.gather [spmem:s9], $0x5000, $0x38;
	[tilespmem:$0x13900] =	vst v63  }
0x4b: {  	_ =	swait.ge [sflag:s16], $0x5000  }
0x4c: {  	[sflag:s16] =	ssyncset.done $0x0  }
0x4d: {  	[sflag:s16] =	ssyncadd.s32 $0xFFFFB000  }
0x4e: {  	[hbm4b:s10+s4] =	stream.linear.scatter [tilespmem:s15], [sflag:$0x2], $0x5000, $0x38;
	[tilespmem:$0x13900] =	vst v63  }
0x4f: {  	_ =	swait.ge [sflag:s16], $0x5000  }
0x50: {  	[sflag:s16] =	ssyncset.done $0x0  }
0x51: {  	[sflag:s16] =	ssyncadd.s32 $0xFFFFB000  }
0x52: {  	[tilespmem:s15], [sflag:$0x2] =	stream.linear.gather [spmem:s11], $0x5000, $0x38;
	[tilespmem:$0x13900] =	vst v63  }
0x53: {  	s20 =	sadd.s32 $0x1, s20;
	_ =	swait.ge [sflag:s16], $0x5000  }
0x54: {  	p0 =	sne.s32 s20, s13;
	[sflag:s16] =	ssyncset.done $0x0  }
.Ltmp1:
0x55: {  	[sflag:s16] =	ssyncadd.s32 $0xFFFFB000;
	(pc) =	sbr.rel @p0 .LBB2_1-.Ltmp1, $4  }
0x56: {  	[hbm4b:s12+s4] =	stream.linear.scatter [tilespmem:s15], [sflag:$0x2], $0x5000, $0x38;
	[tilespmem:$0x13900] =	vst v63  }
0x57: {  	_ =	swait.ge [sflag:s16], $0x5000  }
0x58: {  	[sflag:s16] =	ssyncset.done $0x0  }
0x59: {  	[sflag:s16] =	ssyncadd.s32 $0xFFFFB000  }
0x5a: {  	_ =	sfence.sel $0x180000  }
0x5b: {  	[bflag:$0x0] =	sbarrier.arrive $0xFFFF  }
0x5c: {  	p0 =	sne.s32 s0, $0x0;
	_ =	strace $0x90000047  }
0x5d: {  	s0 =	sadd.s32 @!p0 $0x100000, s2;
	[bflag:$0x2] =	sbarrier.arrive $0xFFFF  }
0x5e: {  	[sflag:s0] =	ssyncadd.tile.s32 @!p0 $0x1;
	_ =	shalt  }
.Lfunc_end2:
_tile_overlayer_lowered:
.L_overlay_start_2:
0x5f: {  	(tag) =	ssettag $0x2  }
0x60: {  	s0 =	rddreg [dreg:$0x0];
	s2 =	stileid.u32  }
0x61: {  	s1 =	rddreg [dreg:$0x1];
	p0 =	sne.s32 s2, $0x0  }
0x62: {  	s3 =	rddreg [dreg:$0x2];
	[bflag:$0x3] =	sbarrier.arrive $0xFFFF;
	s2 =	simm.s32 @!p0 $0x1C02  }
0x63: {  	[timem:s3], [sflag:s2] =	dma.local @!p0 [hbm:s0], s1  }
0x64: {  	s0 =	simm.s32 @!p0 $0x2  }
0x65: {  	_ =	swait.ge @!p0 [sflag:s0], s1  }
0x66: {  	s1 =	ssub.s32 @!p0 $0x0, s1;
	[sflag:s0] =	ssyncset.done @!p0 $0x0  }
0x67: {  	[sflag:s0] =	ssyncadd.s32 @!p0 s1  }
0x68: {  	[bflag:$0x3] =	sbarrier.arrive $0xFFFF  }
0x69: {  	_ =	shalt  }

// kernel: kernel.15.cloned.1.call-start
scs
__scs_entry_jumppad:
0x0: {  	(pc) =	sbr.rel $0x88, $3  }
0x1: {  	(tag) =	ssettag $0x0;
	lr =	simm.s32 $0x1  }
0x2: {  	[smem:$0x3F9B] =	sst lr;
	_ =	strace $0xD0000000  }
0x3: {  	_ = 	snop  }
0x4: {  	_ = 	snop  }
0x5: {  	_ = 	snop  }
0x6: {  	_ = 	snop  }
0x7: {  	_ = 	snop  }
__scs_overlays_trampoline_lowered:
0x8: {  	[smem:$0x3FAA] =	sst s0  }
0x9: {  	[smem:$0x3FAB] =	sst s1  }
0xa: {  	[smem:$0x3FAC] =	sst s2  }
0xb: {  	[smem:$0x3FAD] =	sst s3  }
0xc: {  	[smem:$0x3FAE] =	sst s4  }
0xd: {  	[smem:$0x3FAF] =	sst s5  }
0xe: {  	[smem:$0x3FB0] =	sst s6  }
0xf: {  	[smem:$0x3FB1] =	sst s7  }
0x10: {  	[smem:$0x3FB2] =	sst s8  }
0x11: {  	[smem:$0x3FB3] =	sst s9;
	s0 =	simm.s32 @!p0 $0x0  }
0x12: {  	s1 =	sld [smem:$0x3F99];
	s0 =	simm.s32 @p0 $0x1  }
0x13: {  	[smem:$0x3FB4] =	sst s0;
	s0 =	simm.s32 @!p1 $0x0  }
0x14: {  	s2 =	sld [smem:$0x3F98];
	s0 =	simm.s32 @p1 $0x1  }
0x15: {  	[smem:$0x3FB5] =	sst s0;
	s0 =	simm.s32 @!p2 $0x0  }
0x16: {  	s3 =	sld [smem:$0x3FDB];
	s0 =	simm.s32 @p2 $0x1  }
0x17: {  	s4 =	simm.s32 $0x1BF5;
	[smem:$0x3FB7] =	sst s0  }
0x18: {  	s0 =	sld [smem:$0x3F9A];
	_ =	swait.ge [sflag:s4], $0x0  }
0x19: {  	s7 =	sld [smem:$0x3F9B]  }
0x1a: {  	s8 =	sadd.s32 $0xFFFFE003, lr  }
0x1b: {  	s9 =	sadd.s32 $0xFFFFFEF7, lr;
	s5 =	simm.s32 $0xFFFFFFFF;
	p2 =	slt.u32 s8, $0xFFFFF086  }
0x1c: {  	p1 =	slt.u32 s9, $0xF7A;
	s5 =	simm.s32 @!p2 $0x0  }
0x1d: {  	s5 =	simm.s32 @p1 $0x1;
	p0 =	seq.s32 s7, s2  }
0x1e: {  	s7 =	smul.u32 @!p0 $0xF7A, s2;
	p2 =	seq.s32 @!p0 s5, $0x0  }
0x1f: {  	s9 =	smul.u32 $0xF7A, s1;
	s8 =	simm.s32 @!p0 $0x1BF5;
	p2 =	por !p2, p0  }
0x20: {  	[sflag:s8] =	ssyncset.s32 @!p0 $0xFFFFF086;
	s6 =	sadd.s32 @!p0 s3, s7;
	s7 =	simm.s32 @!p0 $0x108  }
0x21: {  	s3 =	sadd.s32 s3, s9;
	s6 =	sadd.s32 @!p0 $0x88, s6;
	s7 =	simm.s32 @p2 $0x1082  }
0x22: {  	[simem:s7], [sflag:s8] =	dma.local @!p0 [hbm:s6], $0xF7A  }
0x23: {  	s9 =	sor.u32 $0xD0000000, s2;
	s6 =	simm.s32 $0x108;
	_ =	swait.ge @!p0 [sflag:s8], $0x0  }
0x24: {  	s3 =	sadd.s32 $0x88, s3;
	s6 =	simm.s32 @!p1 $0x1082;
	[sflag:s4] =	ssyncset.s32 $0xFFFFF086  }
0x25: {  	[simem:s6], [sflag:s4] =	dma.local [hbm:s3], $0xF7A  }
0x26: {  	[smem:$0x3F9B] =	sst s1;
	(tag) =	ssettag s2;
	_ =	strace s9  }
0x27: {  	s1 =	sld [smem:$0x3FAB]  }
0x28: {  	s2 =	sld [smem:$0x3FAC]  }
0x29: {  	s4 =	sld [smem:$0x3FAE]  }
0x2a: {  	p0 =	seq.s32 s5, $0x0;
	s5 =	sld [smem:$0x3FAF]  }
0x2b: {  	s6 =	sld [smem:$0x3FB0]  }
0x2c: {  	s7 =	sld [smem:$0x3FB1]  }
0x2d: {  	s3 =	simm.s32 $0x108;
	s8 =	sld [smem:$0x3FB2]  }
0x2e: {  	s3 =	simm.s32 @!p0 $0x1082;
	s9 =	sld [smem:$0x3FB3]  }
0x2f: {  	lr =	sadd.s32 s0, s3;
	s0 =	sld [smem:$0x3FAA]  }
0x30: {  	s3 =	sld [smem:$0x3FAD]  }
0x31: {  	[smem:$0x3FB6] =	sst s10  }
0x32: {  	s10 =	sld [smem:$0x3FB4];
	_ =	sdelay $0x3  }
0x33: {  	p0 =	seq.s32 s10, $0x1;
	s10 =	sld [smem:$0x3FB6];
	_ =	sdelay $0x3  }
0x34: {  	[smem:$0x3FB6] =	sst s10  }
0x35: {  	s10 =	sld [smem:$0x3FB5];
	_ =	sdelay $0x3  }
0x36: {  	p1 =	seq.s32 s10, $0x1;
	s10 =	sld [smem:$0x3FB6];
	_ =	sdelay $0x3  }
0x37: {  	[smem:$0x3FB6] =	sst s10  }
0x38: {  	s10 =	sld [smem:$0x3FB7]  }
0x39: {  	_ = 	snop;
	(pc) =	sbr.ind lr, $3  }
0x3a: {  	_ = 	snop  }
0x3b: {  	_ = 	snop  }
0x3c: {  	p2 =	seq.s32 s10, $0x1;
	s10 =	sld [smem:$0x3FB6]  }
0x3d: {  	_ =	shalt  }
0x3e: {  	_ =	shalt  }
0x3f: {  	_ =	shalt  }
0x40: {  	_ =	shalt  }
0x41: {  	_ =	shalt  }
0x42: {  	_ =	shalt  }
0x43: {  	_ =	shalt  }
0x44: {  	_ =	shalt  }
0x45: {  	_ =	shalt  }
0x46: {  	_ =	shalt  }
0x47: {  	_ =	shalt  }
0x48: {  	_ =	shalt  }
0x49: {  	_ =	shalt  }
0x4a: {  	_ =	shalt  }
0x4b: {  	_ =	shalt  }
0x4c: {  	_ =	shalt  }
0x4d: {  	_ =	shalt  }
0x4e: {  	_ =	shalt  }
0x4f: {  	_ =	shalt  }
0x50: {  	_ =	shalt  }
0x51: {  	_ =	shalt  }
0x52: {  	_ =	shalt  }
0x53: {  	_ =	shalt  }
0x54: {  	_ =	shalt  }
0x55: {  	_ =	shalt  }
0x56: {  	_ =	shalt  }
0x57: {  	_ =	shalt  }
0x58: {  	_ =	shalt  }
0x59: {  	_ =	shalt  }
0x5a: {  	_ =	shalt  }
0x5b: {  	_ =	shalt  }
0x5c: {  	_ =	shalt  }
0x5d: {  	_ =	shalt  }
0x5e: {  	_ =	shalt  }
0x5f: {  	_ =	shalt  }
0x60: {  	_ =	shalt  }
0x61: {  	_ =	shalt  }
0x62: {  	_ =	shalt  }
0x63: {  	_ =	shalt  }
0x64: {  	_ =	shalt  }
0x65: {  	_ =	shalt  }
0x66: {  	_ =	shalt  }
0x67: {  	_ =	shalt  }
0x68: {  	_ =	shalt  }
0x69: {  	_ =	shalt  }
0x6a: {  	_ =	shalt  }
0x6b: {  	_ =	shalt  }
0x6c: {  	_ =	shalt  }
0x6d: {  	_ =	shalt  }
0x6e: {  	_ =	shalt  }
0x6f: {  	_ =	shalt  }
0x70: {  	_ =	shalt  }
0x71: {  	_ =	shalt  }
0x72: {  	_ =	shalt  }
0x73: {  	_ =	shalt  }
0x74: {  	_ =	shalt  }
0x75: {  	_ =	shalt  }
0x76: {  	_ =	shalt  }
0x77: {  	_ =	shalt  }
0x78: {  	_ =	shalt  }
0x79: {  	_ =	shalt  }
0x7a: {  	_ =	shalt  }
0x7b: {  	_ =	shalt  }
0x7c: {  	_ =	shalt  }
0x7d: {  	_ =	shalt  }
0x7e: {  	_ =	shalt  }
0x7f: {  	_ =	shalt  }
0x80: {  	_ =	shalt  }
0x81: {  	_ =	shalt  }
0x82: {  	_ =	shalt  }
0x83: {  	_ =	shalt  }
0x84: {  	_ =	shalt  }
0x85: {  	_ =	shalt  }
0x86: {  	_ =	shalt  }
0x87: {  	_ =	shalt  }
.Lfunc_end0:
.L_simem_size_0:
called_computation.1_lowered:
.L_overlay_start_0:
0x88: {  	s2 =	sld [smem:$0x3FD9]  }
0x89: {  	s3 =	sld [smem:$0x3FFE];
	_ =	sdelay $0x1  }
0x8a: {  	s1 =	srdreg.scid  }
0x8b: {  	s0 =	sand.u32 $0x1, s1  }
0x8c: {  	s17 =	sshll.u32 s0, $0xA;
	s2 =	sadd.s32 s3, s2  }
0x8d: {  	s2 =	sadd.s32 s2, s17  }
0x8e: {  	[smem:$0x3FC2] =	sst s2  }
0x8f: {  	_ = 	snop  }
0x90: {  	s2 =	sld [smem:$0x3FD0];
	(tm) =	ssettm $0x1  }
0x91: {  	s18 =	sld [smem:$0x3FFB];
	_ =	sdelay $0x3  }
0x92: {  	_ =	strace s18  }
0x93: {  	s3 =	sld [smem:$0x3FFC];
	_ =	sdelay $0x3  }
0x94: {  	_ =	strace s3  }
0x95: {  	s3 =	sld [smem:$0x3FFD];
	_ =	sdelay $0x3  }
0x96: {  	_ =	strace s3  }
0x97: {  	_ =	strace $0x8FFFFFFF  }
0x98: {  	s19 =	sld [smem:$0x3FDB];
	_ =	sdelay $0x1  }
0x99: {  	s4 =	simm.s32 $_scs_section_size  }
0x9a: {  	s5 =	simm.s32 $_size__tile_overlayer_lowered;
	s6 =	simm.s32 $_tile_overlayer_lowered  }
0x9b: {  	s22 =	simm.s32 $0x1BFF;
	s21 =	sshll.u32 s6, $0x1;
	s3 =	sadd.s32 s4, s19  }
0x9c: {  	s7 =	simm.s32 $0x0;
	s20 =	sshll.u32 s5, $0x1;
	s5 =	sadd.s32 s21, s3  }
0x9d: {  	[timem:s7], [sflag:s22] =	dma.local [hbm:s5], s20  }
0x9e: {  	_ =	swait.ge [sflag:s22], s20  }
0x9f: {  	s4 =	ssub.s32 $0x0, s20;
	[sflag:s22] =	ssyncset.done $0x0  }
0xa0: {  	[sflag:s22] =	ssyncadd.s32 s4;
	_ =	sdelay $0x1  }
0xa1: {  	s23 =	simm.s32 $0x1B8B  }
0xa2: {  	_ =	swait.ge [sflag:s23], $0x1  }
0xa3: {  	[sflag:s23] =	ssyncset.done $0x0  }
0xa4: {  	s25 =	simm.s32 $0x1B8E;
	s24 =	sld [smem:$0x3FFE];
	[sflag:s23] =	ssyncadd.s32 $0xFFFFFFFF  }
0xa5: {  	s26 =	simm.s32 $execute0_lowered;
	[smem:$0x3FD2] =	sst s25  }
0xa6: {  	s5 =	sshll.u32 s26, $0x1;
	_ =	strace $0x80000049;
	[dreg:$0x1] =	wrdreg $0xFFFFFFFF  }
0xa7: {  	s28 =	simm.s32 $_size_execute0_lowered;
	s3 =	sadd.s32 s3, s5;
	[dreg:$0x0] =	wrdreg $0x0  }
0xa8: {  	s5 =	sshll.u32 s28, $0x1;
	[dreg:$0x2] =	wrdreg s3  }
0xa9: {  	[dreg:$0x3] =	wrdreg s5  }
0xaa: {  	[dreg:$0x4] =	wrdreg $0xC0  }
0xab: {  	_ =	task [dreg:s7], $0x5FFFF  }
0xac: {  	[dreg:$0x1] =	wrdreg $0xFFFFFFFF  }
0xad: {  	[dreg:$0x0] =	wrdreg $0x60  }
0xae: {  	[dreg:$0x2] =	wrdreg s2  }
0xaf: {  	[dreg:$0x3] =	wrdreg s24  }
0xb0: {  	[dreg:$0x4] =	wrdreg $0x91000  }
0xb1: {  	[dreg:$0x5] =	wrdreg $0x9  }
0xb2: {  	_ =	task.clear_ibuf [dreg:s7], $0x6FFFF;
	_ =	strace $0x90000049  }
0xb3: {  	s29 =	simm.s32 $0x9;
	_ =	strace $0x8000004B  }
0xb4: {  	_ =	swait.ge [sflag:s29], $0x1  }
0xb5: {  	[sflag:s29] =	ssyncadd.s32 $0xFFFFFFFF  }
0xb6: {  	_ =	strace $0x9000004B  }
0xb7: {  	_ =	sfence  }
0xb8: {  	s30 =	sld [smem:$0x0];
	_ =	sdelay $0x2  }
0xb9: {  	s31 =	sshll.u32 s1, $0xD;
	s1 =	sshrl.u32 s1, $0x2  }
0xba: {  	s3 =	sand.u32 $0x4000, s31;
	s1 =	sadd.s32 s1, s30  }
0xbb: {  	s0 =	sor.u32 s3, s0;
	s1 =	sshll.u32 s1, $0x11  }
0xbc: {  	s0 =	sor.u32 s1, s0  }
0xbd: {  	s0 =	sadd.s32 $0x8F2B, s0  }
0xbe: {  	[sflag:s0] =	ssyncadd.remote.s32 $0x1  }
0xbf: {  	_ =	sfence.sel $0xFFFF  }
0xc0: {  	[dreg:$0x0] =	wrdreg $0xFFFFFFFF;
	(pc) =	sbr.abs _section_cstart, $3  }
0xc1: {  	[dreg:$0x1] =	wrdreg $0xFFFFFFFF  }
0xc2: {  	_ =	task.clear_ibuf [dreg:s7], $0x2FFFF;
	_ =	strace $0x9FFFFFFF  }
0xc3: {  	(tm) =	ssettm $0x7FFFFFFF  }
tec
execute0_lowered:
.L_overlay_start_1:
0x0: {  	(tag) =	ssettag $0x1  }
0x1: {  	s1 =	rddreg [dreg:$0x0]  }
0x2: {  	s6 =	rddreg [dreg:$0x1]  }
0x3: {  	s0 =	srdreg.scid;
	s3 =	rddreg [dreg:$0x2]  }
0x4: {  	s2 =	rddreg [dreg:$0x3];
	s7 =	sand.u32 $0x1, s0  }
0x5: {  	s0 =	stileid.u32;
	s5 =	smul.u32 $0x9D000, s7  }
0x6: {  	s4 =	simm.s32 $0x0;
	s18 =	simm.s32 $0x100;
	s8 =	smul.u32 $0x9D00, s0  }
0x7: {  	s19 =	simm.s32 $0x1;
	s20 =	simm.s32 $0x0;
	s28 =	smul.u32 $0x2A000, s0  }
0x8: {  	[smem:$0x7FF] =	sst s4;
	s12 =	sadd.s32 $0x2B600, s6;
	s9 =	smul.u32 $0x28000, s0  }
0x9: {  	_ =	strace $0x8000004A;
	s29 =	ssub.s32 $0x2, s7;
	s11 =	smul.u32 $0x1400, s7  }
0xa: {  	s30 =	smul.u32 $0x140, s0;
	s10 =	sshrl.u32 s29, $0x1;
	s5 =	sadd.s32 s8, s5  }
0xb: {  	s8 =	sshrl.u32 s28, $0x2;
	s13 =	ssub.s32 s29, s10;
	s9 =	sshrl.u32 s9, $0x2  }
0xc: {  	s15 =	sadd.s32 s30, s11;
	s10 =	sadd.s32 $0xA0, s30;
	s5 =	sshrl.u32 s5, $0x3  }
0xd: {  	s9 =	sadd.s32 s9, s3;
	s15 =	sshll.u32 s15, $0x4;
	s16 =	sshll.u32 s10, $0x7  }
0xe: {  	s17 =	sadd.s32 s11, s10;
	s13 =	smax.u32 s13, $0x1;
	s14 =	sadd.s32 s5, s6  }
0xf: {  	s5 =	sadd.s32 $0x2AC00, s6;
	s6 =	sadd.s32 s8, s3;
	s10 =	sadd.s32 s12, s15  }
0x10: {  	s11 =	sadd.s32 s16, s3;
	s31 =	sshll.u32 s17, $0x4;
	s15 =	simm.s32 $0x4100  }
0x11: {  	s16 =	simm.s32 $0x2;
	s17 =	simm.s32 $0x80;
	s7 =	sadd.s32 $0x5000, s6  }
0x12: {  	s8 =	sadd.s32 $0xA000, s6;
	s12 =	sadd.s32 s12, s31;
	s14 =	sadd.s32 $0x3800, s14  }
.LBB2_1:
0x13: {  	[tilespmem:s15], [sflag:$0x2] =	stream.linear.gather [hbm4b:s5+s4], $0x5000, $0x38;
	[tilespmem:$0x13900] =	vst v63  }
0x14: {  	_ =	swait.ge [sflag:s16], $0x5000  }
0x15: {  	[sflag:s16] =	ssyncset.done $0x0  }
0x16: {  	[sflag:s16] =	ssyncadd.s32 $0xFFFFB000  }
0x17: {  	[spmem:s6] =	stream.linear.scatter [tilespmem:s15], [sflag:$0x2], $0x5000, $0x38;
	[tilespmem:$0x13900] =	vst v63  }
0x18: {  	_ =	swait.ge [sflag:s16], $0x5000  }
0x19: {  	[sflag:s16] =	ssyncset.done $0x0  }
0x1a: {  	[sflag:s16] =	ssyncadd.s32 $0xFFFFB000  }
0x1b: {  	[spmem:s7] =	stream.linear.scatter [tilespmem:s15], [sflag:$0x2], $0x5000, $0x38;
	[tilespmem:$0x13900] =	vst v63  }
0x1c: {  	_ =	swait.ge [sflag:s16], $0x5000  }
0x1d: {  	[sflag:s16] =	ssyncset.done $0x0  }
0x1e: {  	[sflag:s16] =	ssyncadd.s32 $0xFFFFB000  }
0x1f: {  	[spmem:s8] =	stream.linear.scatter [tilespmem:s15], [sflag:$0x2], $0x800, $0x38;
	[tilespmem:$0x13900] =	vst v63  }
0x20: {  	_ =	swait.ge [sflag:s16], $0x800  }
0x21: {  	[sflag:s16] =	ssyncset.done $0x0  }
0x22: {  	[sflag:s16] =	ssyncadd.s32 $0xFFFFF800  }
0x23: {  	s21 =	sadd.s32 $0x0, s14;
	[bflag:$0x0] =	sbarrier.arrive $0xFFFF  }
0x24: {  	[tilespmem:s4], [sflag:$0x2] =	stream.linear.gather [hbm4b:s21+s4], $0x100, $0x38;
	[tilespmem:$0x13900] =	vst v63  }
0x25: {  	_ =	swait.ge [sflag:s16], $0x100  }
0x26: {  	[sflag:s16] =	ssyncset.done $0x0  }
0x27: {  	[sflag:s16] =	ssyncadd.s32 $0xFFFFFF00  }
0x28: {  	[tilespmem:s18], [sflag:$0x1] =	stream.indirect.gather [hbm4b:s1+s17], $0x80, s4, s17, $0xb8;
	[tilespmem:$0x13900] =	vst v63  }
0x29: {  	_ =	swait.ge [sflag:s19], $0x4000  }
0x2a: {  	[sflag:s19] =	ssyncset.done $0x0  }
0x2b: {  	[sflag:s19] =	ssyncadd.s32 $0xFFFFC000  }
0x2c: {  	[spmem:s3] =	stream.indirect.scatter.add.f32 [tilespmem:s18], [sflag:$0x2], $0x80, s17, s17, $0xb8;
	[tilespmem:$0x13900] =	vst v63  }
0x2d: {  	_ =	swait.ge [sflag:s16], $0x4000  }
0x2e: {  	s22 =	simm.s32 $0x40;
	s21 =	simm.s32 $0x20;
	[sflag:s16] =	ssyncset.done $0x0  }
.LBB2_2:
0x2f: {  	s23 =	sadd.s32 s21, s14  }
0x30: {  	[sflag:s16] =	ssyncadd.s32 $0xFFFFC000;
	s21 =	smov.u32 s22;
	s24 =	sadd.s32 $0x20, s22  }
0x31: {  	[tilespmem:s4], [sflag:$0x2] =	stream.linear.gather [hbm4b:s23+s4], $0x100, $0x38;
	[tilespmem:$0x13900] =	vst v63  }
0x32: {  	p0 =	sne.s32 s22, $0x1380;
	_ =	swait.ge [sflag:s16], $0x100  }
0x33: {  	[sflag:s16] =	ssyncset.done $0x0  }
0x34: {  	[sflag:s16] =	ssyncadd.s32 $0xFFFFFF00  }
0x35: {  	[tilespmem:s18], [sflag:$0x1] =	stream.indirect.gather [hbm4b:s1+s17], $0x80, s4, s17, $0xb8;
	[tilespmem:$0x13900] =	vst v63  }
0x36: {  	_ =	swait.ge [sflag:s19], $0x4000  }
.Ltmp0:
0x37: {  	[sflag:s19] =	ssyncset.done $0x0;
	(pc) =	sbr.rel @p0 .LBB2_2-.Ltmp0, $4  }
0x38: {  	[sflag:s19] =	ssyncadd.s32 $0xFFFFC000  }
0x39: {  	[spmem:s3] =	stream.indirect.scatter.add.f32 [tilespmem:s18], [sflag:$0x2], $0x80, s17, s17, $0xb8;
	[tilespmem:$0x13900] =	vst v63  }
0x3a: {  	_ =	swait.ge [sflag:s16], $0x4000  }
0x3b: {  	s22 =	smov.u32 s24;
	[sflag:s16] =	ssyncset.done $0x0  }
0x3c: {  	s21 =	sadd.s32 s21, s14;
	[sflag:s16] =	ssyncadd.s32 $0xFFFFC000  }
0x3d: {  	[tilespmem:s4], [sflag:$0x2] =	stream.linear.gather [hbm4b:s21+s4], $0x100, $0x38;
	[tilespmem:$0x13900] =	vst v63  }
0x3e: {  	_ =	swait.ge [sflag:s16], $0x100  }
0x3f: {  	[sflag:s16] =	ssyncset.done $0x0  }
0x40: {  	[sflag:s16] =	ssyncadd.s32 $0xFFFFFF00  }
0x41: {  	[tilespmem:s18], [sflag:$0x1] =	stream.indirect.gather [hbm4b:s1+s17], $0x80, s4, s17, $0xb8;
	[tilespmem:$0x13900] =	vst v63  }
0x42: {  	_ =	swait.ge [sflag:s19], $0x4000  }
0x43: {  	[sflag:s19] =	ssyncset.done $0x0  }
0x44: {  	[sflag:s19] =	ssyncadd.s32 $0xFFFFC000  }
0x45: {  	[spmem:s3] =	stream.indirect.scatter.add.f32 [tilespmem:s18], [sflag:$0x2], $0x80, s17, s17, $0xb8;
	[tilespmem:$0x13900] =	vst v63  }
0x46: {  	_ =	swait.ge [sflag:s16], $0x4000  }
0x47: {  	[sflag:s16] =	ssyncset.done $0x0  }
0x48: {  	[sflag:s16] =	ssyncadd.s32 $0xFFFFC000  }
0x49: {  	[bflag:$0x0] =	sbarrier.arrive $0xFFFF  }
0x4a: {  	[tilespmem:s15], [sflag:$0x2] =	stream.linear.gather [spmem:s9], $0x5000, $0x38;
	[tilespmem:$0x13900] =	vst v63  }
0x4b: {  	_ =	swait.ge [sflag:s16], $0x5000  }
0x4c: {  	[sflag:s16] =	ssyncset.done $0x0  }
0x4d: {  	[sflag:s16] =	ssyncadd.s32 $0xFFFFB000  }
0x4e: {  	[hbm4b:s10+s4] =	stream.linear.scatter [tilespmem:s15], [sflag:$0x2], $0x5000, $0x38;
	[tilespmem:$0x13900] =	vst v63  }
0x4f: {  	_ =	swait.ge [sflag:s16], $0x5000  }
0x50: {  	[sflag:s16] =	ssyncset.done $0x0  }
0x51: {  	[sflag:s16] =	ssyncadd.s32 $0xFFFFB000  }
0x52: {  	[tilespmem:s15], [sflag:$0x2] =	stream.linear.gather [spmem:s11], $0x5000, $0x38;
	[tilespmem:$0x13900] =	vst v63  }
0x53: {  	s20 =	sadd.s32 $0x1, s20;
	_ =	swait.ge [sflag:s16], $0x5000  }
0x54: {  	p0 =	sne.s32 s20, s13;
	[sflag:s16] =	ssyncset.done $0x0  }
.Ltmp1:
0x55: {  	[sflag:s16] =	ssyncadd.s32 $0xFFFFB000;
	(pc) =	sbr.rel @p0 .LBB2_1-.Ltmp1, $4  }
0x56: {  	[hbm4b:s12+s4] =	stream.linear.scatter [tilespmem:s15], [sflag:$0x2], $0x5000, $0x38;
	[tilespmem:$0x13900] =	vst v63  }
0x57: {  	_ =	swait.ge [sflag:s16], $0x5000  }
0x58: {  	[sflag:s16] =	ssyncset.done $0x0  }
0x59: {  	[sflag:s16] =	ssyncadd.s32 $0xFFFFB000  }
0x5a: {  	_ =	sfence.sel $0x180000  }
0x5b: {  	[bflag:$0x0] =	sbarrier.arrive $0xFFFF  }
0x5c: {  	p0 =	sne.s32 s0, $0x0;
	_ =	strace $0x9000004A  }
0x5d: {  	s0 =	sadd.s32 @!p0 $0x100000, s2;
	[bflag:$0x2] =	sbarrier.arrive $0xFFFF  }
0x5e: {  	[sflag:s0] =	ssyncadd.tile.s32 @!p0 $0x1;
	_ =	shalt  }
.Lfunc_end2:
_tile_overlayer_lowered:
.L_overlay_start_2:
0x5f: {  	(tag) =	ssettag $0x2  }
0x60: {  	s0 =	rddreg [dreg:$0x0];
	s2 =	stileid.u32  }
0x61: {  	s1 =	rddreg [dreg:$0x1];
	p0 =	sne.s32 s2, $0x0  }
0x62: {  	s3 =	rddreg [dreg:$0x2];
	[bflag:$0x3] =	sbarrier.arrive $0xFFFF;
	s2 =	simm.s32 @!p0 $0x1C02  }
0x63: {  	[timem:s3], [sflag:s2] =	dma.local @!p0 [hbm:s0], s1  }
0x64: {  	s0 =	simm.s32 @!p0 $0x2  }
0x65: {  	_ =	swait.ge @!p0 [sflag:s0], s1  }
0x66: {  	s1 =	ssub.s32 @!p0 $0x0, s1;
	[sflag:s0] =	ssyncset.done @!p0 $0x0  }
0x67: {  	[sflag:s0] =	ssyncadd.s32 @!p0 s1  }
0x68: {  	[bflag:$0x3] =	sbarrier.arrive $0xFFFF  }
0x69: {  	_ =	shalt  }

// kernel: kernel.18.cloned.1.call-start
scs
__scs_entry_jumppad:
0x0: {  	(pc) =	sbr.rel $0x88, $3  }
0x1: {  	(tag) =	ssettag $0x0;
	lr =	simm.s32 $0x1  }
0x2: {  	[smem:$0x3F9B] =	sst lr;
	_ =	strace $0xD0000000  }
0x3: {  	_ = 	snop  }
0x4: {  	_ = 	snop  }
0x5: {  	_ = 	snop  }
0x6: {  	_ = 	snop  }
0x7: {  	_ = 	snop  }
__scs_overlays_trampoline_lowered:
0x8: {  	[smem:$0x3FAA] =	sst s0  }
0x9: {  	[smem:$0x3FAB] =	sst s1  }
0xa: {  	[smem:$0x3FAC] =	sst s2  }
0xb: {  	[smem:$0x3FAD] =	sst s3  }
0xc: {  	[smem:$0x3FAE] =	sst s4  }
0xd: {  	[smem:$0x3FAF] =	sst s5  }
0xe: {  	[smem:$0x3FB0] =	sst s6  }
0xf: {  	[smem:$0x3FB1] =	sst s7  }
0x10: {  	[smem:$0x3FB2] =	sst s8  }
0x11: {  	[smem:$0x3FB3] =	sst s9;
	s0 =	simm.s32 @!p0 $0x0  }
0x12: {  	s1 =	sld [smem:$0x3F99];
	s0 =	simm.s32 @p0 $0x1  }
0x13: {  	[smem:$0x3FB4] =	sst s0;
	s0 =	simm.s32 @!p1 $0x0  }
0x14: {  	s2 =	sld [smem:$0x3F98];
	s0 =	simm.s32 @p1 $0x1  }
0x15: {  	[smem:$0x3FB5] =	sst s0;
	s0 =	simm.s32 @!p2 $0x0  }
0x16: {  	s3 =	sld [smem:$0x3FDB];
	s0 =	simm.s32 @p2 $0x1  }
0x17: {  	s4 =	simm.s32 $0x1BF5;
	[smem:$0x3FB7] =	sst s0  }
0x18: {  	s0 =	sld [smem:$0x3F9A];
	_ =	swait.ge [sflag:s4], $0x0  }
0x19: {  	s7 =	sld [smem:$0x3F9B]  }
0x1a: {  	s8 =	sadd.s32 $0xFFFFE003, lr  }
0x1b: {  	s9 =	sadd.s32 $0xFFFFFEF7, lr;
	s5 =	simm.s32 $0xFFFFFFFF;
	p2 =	slt.u32 s8, $0xFFFFF086  }
0x1c: {  	p1 =	slt.u32 s9, $0xF7A;
	s5 =	simm.s32 @!p2 $0x0  }
0x1d: {  	s5 =	simm.s32 @p1 $0x1;
	p0 =	seq.s32 s7, s2  }
0x1e: {  	s7 =	smul.u32 @!p0 $0xF7A, s2;
	p2 =	seq.s32 @!p0 s5, $0x0  }
0x1f: {  	s9 =	smul.u32 $0xF7A, s1;
	s8 =	simm.s32 @!p0 $0x1BF5;
	p2 =	por !p2, p0  }
0x20: {  	[sflag:s8] =	ssyncset.s32 @!p0 $0xFFFFF086;
	s6 =	sadd.s32 @!p0 s3, s7;
	s7 =	simm.s32 @!p0 $0x108  }
0x21: {  	s3 =	sadd.s32 s3, s9;
	s6 =	sadd.s32 @!p0 $0x88, s6;
	s7 =	simm.s32 @p2 $0x1082  }
0x22: {  	[simem:s7], [sflag:s8] =	dma.local @!p0 [hbm:s6], $0xF7A  }
0x23: {  	s9 =	sor.u32 $0xD0000000, s2;
	s6 =	simm.s32 $0x108;
	_ =	swait.ge @!p0 [sflag:s8], $0x0  }
0x24: {  	s3 =	sadd.s32 $0x88, s3;
	s6 =	simm.s32 @!p1 $0x1082;
	[sflag:s4] =	ssyncset.s32 $0xFFFFF086  }
0x25: {  	[simem:s6], [sflag:s4] =	dma.local [hbm:s3], $0xF7A  }
0x26: {  	[smem:$0x3F9B] =	sst s1;
	(tag) =	ssettag s2;
	_ =	strace s9  }
0x27: {  	s1 =	sld [smem:$0x3FAB]  }
0x28: {  	s2 =	sld [smem:$0x3FAC]  }
0x29: {  	s4 =	sld [smem:$0x3FAE]  }
0x2a: {  	p0 =	seq.s32 s5, $0x0;
	s5 =	sld [smem:$0x3FAF]  }
0x2b: {  	s6 =	sld [smem:$0x3FB0]  }
0x2c: {  	s7 =	sld [smem:$0x3FB1]  }
0x2d: {  	s3 =	simm.s32 $0x108;
	s8 =	sld [smem:$0x3FB2]  }
0x2e: {  	s3 =	simm.s32 @!p0 $0x1082;
	s9 =	sld [smem:$0x3FB3]  }
0x2f: {  	lr =	sadd.s32 s0, s3;
	s0 =	sld [smem:$0x3FAA]  }
0x30: {  	s3 =	sld [smem:$0x3FAD]  }
0x31: {  	[smem:$0x3FB6] =	sst s10  }
0x32: {  	s10 =	sld [smem:$0x3FB4];
	_ =	sdelay $0x3  }
0x33: {  	p0 =	seq.s32 s10, $0x1;
	s10 =	sld [smem:$0x3FB6];
	_ =	sdelay $0x3  }
0x34: {  	[smem:$0x3FB6] =	sst s10  }
0x35: {  	s10 =	sld [smem:$0x3FB5];
	_ =	sdelay $0x3  }
0x36: {  	p1 =	seq.s32 s10, $0x1;
	s10 =	sld [smem:$0x3FB6];
	_ =	sdelay $0x3  }
0x37: {  	[smem:$0x3FB6] =	sst s10  }
0x38: {  	s10 =	sld [smem:$0x3FB7]  }
0x39: {  	_ = 	snop;
	(pc) =	sbr.ind lr, $3  }
0x3a: {  	_ = 	snop  }
0x3b: {  	_ = 	snop  }
0x3c: {  	p2 =	seq.s32 s10, $0x1;
	s10 =	sld [smem:$0x3FB6]  }
0x3d: {  	_ =	shalt  }
0x3e: {  	_ =	shalt  }
0x3f: {  	_ =	shalt  }
0x40: {  	_ =	shalt  }
0x41: {  	_ =	shalt  }
0x42: {  	_ =	shalt  }
0x43: {  	_ =	shalt  }
0x44: {  	_ =	shalt  }
0x45: {  	_ =	shalt  }
0x46: {  	_ =	shalt  }
0x47: {  	_ =	shalt  }
0x48: {  	_ =	shalt  }
0x49: {  	_ =	shalt  }
0x4a: {  	_ =	shalt  }
0x4b: {  	_ =	shalt  }
0x4c: {  	_ =	shalt  }
0x4d: {  	_ =	shalt  }
0x4e: {  	_ =	shalt  }
0x4f: {  	_ =	shalt  }
0x50: {  	_ =	shalt  }
0x51: {  	_ =	shalt  }
0x52: {  	_ =	shalt  }
0x53: {  	_ =	shalt  }
0x54: {  	_ =	shalt  }
0x55: {  	_ =	shalt  }
0x56: {  	_ =	shalt  }
0x57: {  	_ =	shalt  }
0x58: {  	_ =	shalt  }
0x59: {  	_ =	shalt  }
0x5a: {  	_ =	shalt  }
0x5b: {  	_ =	shalt  }
0x5c: {  	_ =	shalt  }
0x5d: {  	_ =	shalt  }
0x5e: {  	_ =	shalt  }
0x5f: {  	_ =	shalt  }
0x60: {  	_ =	shalt  }
0x61: {  	_ =	shalt  }
0x62: {  	_ =	shalt  }
0x63: {  	_ =	shalt  }
0x64: {  	_ =	shalt  }
0x65: {  	_ =	shalt  }
0x66: {  	_ =	shalt  }
0x67: {  	_ =	shalt  }
0x68: {  	_ =	shalt  }
0x69: {  	_ =	shalt  }
0x6a: {  	_ =	shalt  }
0x6b: {  	_ =	shalt  }
0x6c: {  	_ =	shalt  }
0x6d: {  	_ =	shalt  }
0x6e: {  	_ =	shalt  }
0x6f: {  	_ =	shalt  }
0x70: {  	_ =	shalt  }
0x71: {  	_ =	shalt  }
0x72: {  	_ =	shalt  }
0x73: {  	_ =	shalt  }
0x74: {  	_ =	shalt  }
0x75: {  	_ =	shalt  }
0x76: {  	_ =	shalt  }
0x77: {  	_ =	shalt  }
0x78: {  	_ =	shalt  }
0x79: {  	_ =	shalt  }
0x7a: {  	_ =	shalt  }
0x7b: {  	_ =	shalt  }
0x7c: {  	_ =	shalt  }
0x7d: {  	_ =	shalt  }
0x7e: {  	_ =	shalt  }
0x7f: {  	_ =	shalt  }
0x80: {  	_ =	shalt  }
0x81: {  	_ =	shalt  }
0x82: {  	_ =	shalt  }
0x83: {  	_ =	shalt  }
0x84: {  	_ =	shalt  }
0x85: {  	_ =	shalt  }
0x86: {  	_ =	shalt  }
0x87: {  	_ =	shalt  }
.Lfunc_end0:
.L_simem_size_0:
called_computation.2_lowered:
.L_overlay_start_0:
0x88: {  	s2 =	sld [smem:$0x3FD9]  }
0x89: {  	s3 =	sld [smem:$0x3FFE];
	_ =	sdelay $0x1  }
0x8a: {  	s1 =	srdreg.scid  }
0x8b: {  	s0 =	sand.u32 $0x1, s1  }
0x8c: {  	s17 =	sshll.u32 s0, $0xA;
	s2 =	sadd.s32 s3, s2  }
0x8d: {  	s2 =	sadd.s32 s2, s17  }
0x8e: {  	[smem:$0x3FC2] =	sst s2  }
0x8f: {  	_ = 	snop  }
0x90: {  	s2 =	sld [smem:$0x3FD0];
	(tm) =	ssettm $0x1  }
0x91: {  	s18 =	sld [smem:$0x3FFB];
	_ =	sdelay $0x3  }
0x92: {  	_ =	strace s18  }
0x93: {  	s3 =	sld [smem:$0x3FFC];
	_ =	sdelay $0x3  }
0x94: {  	_ =	strace s3  }
0x95: {  	s3 =	sld [smem:$0x3FFD];
	_ =	sdelay $0x3  }
0x96: {  	_ =	strace s3  }
0x97: {  	_ =	strace $0x8FFFFFFF  }
0x98: {  	s19 =	sld [smem:$0x3FDB];
	_ =	sdelay $0x1  }
0x99: {  	s4 =	simm.s32 $_scs_section_size  }
0x9a: {  	s5 =	simm.s32 $_size__tile_overlayer_lowered;
	s6 =	simm.s32 $_tile_overlayer_lowered  }
0x9b: {  	s22 =	simm.s32 $0x1BFF;
	s21 =	sshll.u32 s6, $0x1;
	s3 =	sadd.s32 s4, s19  }
0x9c: {  	s7 =	simm.s32 $0x0;
	s20 =	sshll.u32 s5, $0x1;
	s5 =	sadd.s32 s21, s3  }
0x9d: {  	[timem:s7], [sflag:s22] =	dma.local [hbm:s5], s20  }
0x9e: {  	_ =	swait.ge [sflag:s22], s20  }
0x9f: {  	s4 =	ssub.s32 $0x0, s20;
	[sflag:s22] =	ssyncset.done $0x0  }
0xa0: {  	[sflag:s22] =	ssyncadd.s32 s4;
	_ =	sdelay $0x1  }
0xa1: {  	s23 =	simm.s32 $0x1B8B  }
0xa2: {  	_ =	swait.ge [sflag:s23], $0x1  }
0xa3: {  	[sflag:s23] =	ssyncset.done $0x0  }
0xa4: {  	s25 =	simm.s32 $0x1B8E;
	s24 =	sld [smem:$0x3FFE];
	[sflag:s23] =	ssyncadd.s32 $0xFFFFFFFF  }
0xa5: {  	s26 =	simm.s32 $execute0_lowered;
	[smem:$0x3FD2] =	sst s25  }
0xa6: {  	s5 =	sshll.u32 s26, $0x1;
	_ =	strace $0x8000004C;
	[dreg:$0x1] =	wrdreg $0xFFFFFFFF  }
0xa7: {  	s28 =	simm.s32 $_size_execute0_lowered;
	s3 =	sadd.s32 s3, s5;
	[dreg:$0x0] =	wrdreg $0x0  }
0xa8: {  	s5 =	sshll.u32 s28, $0x1;
	[dreg:$0x2] =	wrdreg s3  }
0xa9: {  	[dreg:$0x3] =	wrdreg s5  }
0xaa: {  	[dreg:$0x4] =	wrdreg $0xC0  }
0xab: {  	_ =	task [dreg:s7], $0x5FFFF  }
0xac: {  	[dreg:$0x1] =	wrdreg $0xFFFFFFFF  }
0xad: {  	[dreg:$0x0] =	wrdreg $0x60  }
0xae: {  	[dreg:$0x2] =	wrdreg s2  }
0xaf: {  	[dreg:$0x3] =	wrdreg s24  }
0xb0: {  	[dreg:$0x4] =	wrdreg $0x91000  }
0xb1: {  	[dreg:$0x5] =	wrdreg $0x9  }
0xb2: {  	_ =	task.clear_ibuf [dreg:s7], $0x6FFFF;
	_ =	strace $0x9000004C  }
0xb3: {  	s29 =	simm.s32 $0x9;
	_ =	strace $0x8000004E  }
0xb4: {  	_ =	swait.ge [sflag:s29], $0x1  }
0xb5: {  	[sflag:s29] =	ssyncadd.s32 $0xFFFFFFFF  }
0xb6: {  	_ =	strace $0x9000004E  }
0xb7: {  	_ =	sfence  }
0xb8: {  	s30 =	sld [smem:$0x0];
	_ =	sdelay $0x2  }
0xb9: {  	s31 =	sshll.u32 s1, $0xD;
	s1 =	sshrl.u32 s1, $0x2  }
0xba: {  	s3 =	sand.u32 $0x4000, s31;
	s1 =	sadd.s32 s1, s30  }
0xbb: {  	s0 =	sor.u32 s3, s0;
	s1 =	sshll.u32 s1, $0x11  }
0xbc: {  	s0 =	sor.u32 s1, s0  }
0xbd: {  	s0 =	sadd.s32 $0x8F2B, s0  }
0xbe: {  	[sflag:s0] =	ssyncadd.remote.s32 $0x1  }
0xbf: {  	_ =	sfence.sel $0xFFFF  }
0xc0: {  	[dreg:$0x0] =	wrdreg $0xFFFFFFFF;
	(pc) =	sbr.abs _section_cstart, $3  }
0xc1: {  	[dreg:$0x1] =	wrdreg $0xFFFFFFFF  }
0xc2: {  	_ =	task.clear_ibuf [dreg:s7], $0x2FFFF;
	_ =	strace $0x9FFFFFFF  }
0xc3: {  	(tm) =	ssettm $0x7FFFFFFF  }
tec
execute0_lowered:
.L_overlay_start_1:
0x0: {  	(tag) =	ssettag $0x1  }
0x1: {  	s1 =	rddreg [dreg:$0x0]  }
0x2: {  	s6 =	rddreg [dreg:$0x1]  }
0x3: {  	s0 =	srdreg.scid;
	s3 =	rddreg [dreg:$0x2]  }
0x4: {  	s2 =	rddreg [dreg:$0x3];
	s7 =	sand.u32 $0x1, s0  }
0x5: {  	s0 =	stileid.u32;
	s5 =	smul.u32 $0x9D000, s7  }
0x6: {  	s4 =	simm.s32 $0x0;
	s18 =	simm.s32 $0x100;
	s8 =	smul.u32 $0x9D00, s0  }
0x7: {  	s19 =	simm.s32 $0x1;
	s20 =	simm.s32 $0x0;
	s28 =	smul.u32 $0x2A000, s0  }
0x8: {  	[smem:$0x7FF] =	sst s4;
	s12 =	sadd.s32 $0x2B600, s6;
	s9 =	smul.u32 $0x28000, s0  }
0x9: {  	_ =	strace $0x8000004D;
	s29 =	ssub.s32 $0x2, s7;
	s11 =	smul.u32 $0x1400, s7  }
0xa: {  	s30 =	smul.u32 $0x140, s0;
	s10 =	sshrl.u32 s29, $0x1;
	s5 =	sadd.s32 s8, s5  }
0xb: {  	s8 =	sshrl.u32 s28, $0x2;
	s13 =	ssub.s32 s29, s10;
	s9 =	sshrl.u32 s9, $0x2  }
0xc: {  	s15 =	sadd.s32 s30, s11;
	s10 =	sadd.s32 $0xA0, s30;
	s5 =	sshrl.u32 s5, $0x3  }
0xd: {  	s9 =	sadd.s32 s9, s3;
	s15 =	sshll.u32 s15, $0x4;
	s16 =	sshll.u32 s10, $0x7  }
0xe: {  	s17 =	sadd.s32 s11, s10;
	s13 =	smax.u32 s13, $0x1;
	s14 =	sadd.s32 s5, s6  }
0xf: {  	s5 =	sadd.s32 $0x2AC00, s6;
	s6 =	sadd.s32 s8, s3;
	s10 =	sadd.s32 s12, s15  }
0x10: {  	s11 =	sadd.s32 s16, s3;
	s31 =	sshll.u32 s17, $0x4;
	s15 =	simm.s32 $0x4100  }
0x11: {  	s16 =	simm.s32 $0x2;
	s17 =	simm.s32 $0x80;
	s7 =	sadd.s32 $0x5000, s6  }
0x12: {  	s8 =	sadd.s32 $0xA000, s6;
	s12 =	sadd.s32 s12, s31;
	s14 =	sadd.s32 $0x3800, s14  }
.LBB2_1:
0x13: {  	[tilespmem:s15], [sflag:$0x2] =	stream.linear.gather [hbm4b:s5+s4], $0x5000, $0x38;
	[tilespmem:$0x13900] =	vst v63  }
0x14: {  	_ =	swait.ge [sflag:s16], $0x5000  }
0x15: {  	[sflag:s16] =	ssyncset.done $0x0  }
0x16: {  	[sflag:s16] =	ssyncadd.s32 $0xFFFFB000  }
0x17: {  	[spmem:s6] =	stream.linear.scatter [tilespmem:s15], [sflag:$0x2], $0x5000, $0x38;
	[tilespmem:$0x13900] =	vst v63  }
0x18: {  	_ =	swait.ge [sflag:s16], $0x5000  }
0x19: {  	[sflag:s16] =	ssyncset.done $0x0  }
0x1a: {  	[sflag:s16] =	ssyncadd.s32 $0xFFFFB000  }
0x1b: {  	[spmem:s7] =	stream.linear.scatter [tilespmem:s15], [sflag:$0x2], $0x5000, $0x38;
	[tilespmem:$0x13900] =	vst v63  }
0x1c: {  	_ =	swait.ge [sflag:s16], $0x5000  }
0x1d: {  	[sflag:s16] =	ssyncset.done $0x0  }
0x1e: {  	[sflag:s16] =	ssyncadd.s32 $0xFFFFB000  }
0x1f: {  	[spmem:s8] =	stream.linear.scatter [tilespmem:s15], [sflag:$0x2], $0x800, $0x38;
	[tilespmem:$0x13900] =	vst v63  }
0x20: {  	_ =	swait.ge [sflag:s16], $0x800  }
0x21: {  	[sflag:s16] =	ssyncset.done $0x0  }
0x22: {  	[sflag:s16] =	ssyncadd.s32 $0xFFFFF800  }
0x23: {  	s21 =	sadd.s32 $0x0, s14;
	[bflag:$0x0] =	sbarrier.arrive $0xFFFF  }
0x24: {  	[tilespmem:s4], [sflag:$0x2] =	stream.linear.gather [hbm4b:s21+s4], $0x100, $0x38;
	[tilespmem:$0x13900] =	vst v63  }
0x25: {  	_ =	swait.ge [sflag:s16], $0x100  }
0x26: {  	[sflag:s16] =	ssyncset.done $0x0  }
0x27: {  	[sflag:s16] =	ssyncadd.s32 $0xFFFFFF00  }
0x28: {  	[tilespmem:s18], [sflag:$0x1] =	stream.indirect.gather [hbm4b:s1+s17], $0x80, s4, s17, $0xb8;
	[tilespmem:$0x13900] =	vst v63  }
0x29: {  	_ =	swait.ge [sflag:s19], $0x4000  }
0x2a: {  	[sflag:s19] =	ssyncset.done $0x0  }
0x2b: {  	[sflag:s19] =	ssyncadd.s32 $0xFFFFC000  }
0x2c: {  	[spmem:s3] =	stream.indirect.scatter.add.f32 [tilespmem:s18], [sflag:$0x2], $0x80, s17, s17, $0xb8;
	[tilespmem:$0x13900] =	vst v63  }
0x2d: {  	_ =	swait.ge [sflag:s16], $0x4000  }
0x2e: {  	s22 =	simm.s32 $0x40;
	s21 =	simm.s32 $0x20;
	[sflag:s16] =	ssyncset.done $0x0  }
.LBB2_2:
0x2f: {  	s23 =	sadd.s32 s21, s14  }
0x30: {  	[sflag:s16] =	ssyncadd.s32 $0xFFFFC000;
	s21 =	smov.u32 s22;
	s24 =	sadd.s32 $0x20, s22  }
0x31: {  	[tilespmem:s4], [sflag:$0x2] =	stream.linear.gather [hbm4b:s23+s4], $0x100, $0x38;
	[tilespmem:$0x13900] =	vst v63  }
0x32: {  	p0 =	sne.s32 s22, $0x1380;
	_ =	swait.ge [sflag:s16], $0x100  }
0x33: {  	[sflag:s16] =	ssyncset.done $0x0  }
0x34: {  	[sflag:s16] =	ssyncadd.s32 $0xFFFFFF00  }
0x35: {  	[tilespmem:s18], [sflag:$0x1] =	stream.indirect.gather [hbm4b:s1+s17], $0x80, s4, s17, $0xb8;
	[tilespmem:$0x13900] =	vst v63  }
0x36: {  	_ =	swait.ge [sflag:s19], $0x4000  }
.Ltmp0:
0x37: {  	[sflag:s19] =	ssyncset.done $0x0;
	(pc) =	sbr.rel @p0 .LBB2_2-.Ltmp0, $4  }
0x38: {  	[sflag:s19] =	ssyncadd.s32 $0xFFFFC000  }
0x39: {  	[spmem:s3] =	stream.indirect.scatter.add.f32 [tilespmem:s18], [sflag:$0x2], $0x80, s17, s17, $0xb8;
	[tilespmem:$0x13900] =	vst v63  }
0x3a: {  	_ =	swait.ge [sflag:s16], $0x4000  }
0x3b: {  	s22 =	smov.u32 s24;
	[sflag:s16] =	ssyncset.done $0x0  }
0x3c: {  	s21 =	sadd.s32 s21, s14;
	[sflag:s16] =	ssyncadd.s32 $0xFFFFC000  }
0x3d: {  	[tilespmem:s4], [sflag:$0x2] =	stream.linear.gather [hbm4b:s21+s4], $0x100, $0x38;
	[tilespmem:$0x13900] =	vst v63  }
0x3e: {  	_ =	swait.ge [sflag:s16], $0x100  }
0x3f: {  	[sflag:s16] =	ssyncset.done $0x0  }
0x40: {  	[sflag:s16] =	ssyncadd.s32 $0xFFFFFF00  }
0x41: {  	[tilespmem:s18], [sflag:$0x1] =	stream.indirect.gather [hbm4b:s1+s17], $0x80, s4, s17, $0xb8;
	[tilespmem:$0x13900] =	vst v63  }
0x42: {  	_ =	swait.ge [sflag:s19], $0x4000  }
0x43: {  	[sflag:s19] =	ssyncset.done $0x0  }
0x44: {  	[sflag:s19] =	ssyncadd.s32 $0xFFFFC000  }
0x45: {  	[spmem:s3] =	stream.indirect.scatter.add.f32 [tilespmem:s18], [sflag:$0x2], $0x80, s17, s17, $0xb8;
	[tilespmem:$0x13900] =	vst v63  }
0x46: {  	_ =	swait.ge [sflag:s16], $0x4000  }
0x47: {  	[sflag:s16] =	ssyncset.done $0x0  }
0x48: {  	[sflag:s16] =	ssyncadd.s32 $0xFFFFC000  }
0x49: {  	[bflag:$0x0] =	sbarrier.arrive $0xFFFF  }
0x4a: {  	[tilespmem:s15], [sflag:$0x2] =	stream.linear.gather [spmem:s9], $0x5000, $0x38;
	[tilespmem:$0x13900] =	vst v63  }
0x4b: {  	_ =	swait.ge [sflag:s16], $0x5000  }
0x4c: {  	[sflag:s16] =	ssyncset.done $0x0  }
0x4d: {  	[sflag:s16] =	ssyncadd.s32 $0xFFFFB000  }
0x4e: {  	[hbm4b:s10+s4] =	stream.linear.scatter [tilespmem:s15], [sflag:$0x2], $0x5000, $0x38;
	[tilespmem:$0x13900] =	vst v63  }
0x4f: {  	_ =	swait.ge [sflag:s16], $0x5000  }
0x50: {  	[sflag:s16] =	ssyncset.done $0x0  }
0x51: {  	[sflag:s16] =	ssyncadd.s32 $0xFFFFB000  }
0x52: {  	[tilespmem:s15], [sflag:$0x2] =	stream.linear.gather [spmem:s11], $0x5000, $0x38;
	[tilespmem:$0x13900] =	vst v63  }
0x53: {  	s20 =	sadd.s32 $0x1, s20;
	_ =	swait.ge [sflag:s16], $0x5000  }
0x54: {  	p0 =	sne.s32 s20, s13;
	[sflag:s16] =	ssyncset.done $0x0  }
.Ltmp1:
0x55: {  	[sflag:s16] =	ssyncadd.s32 $0xFFFFB000;
	(pc) =	sbr.rel @p0 .LBB2_1-.Ltmp1, $4  }
0x56: {  	[hbm4b:s12+s4] =	stream.linear.scatter [tilespmem:s15], [sflag:$0x2], $0x5000, $0x38;
	[tilespmem:$0x13900] =	vst v63  }
0x57: {  	_ =	swait.ge [sflag:s16], $0x5000  }
0x58: {  	[sflag:s16] =	ssyncset.done $0x0  }
0x59: {  	[sflag:s16] =	ssyncadd.s32 $0xFFFFB000  }
0x5a: {  	_ =	sfence.sel $0x180000  }
0x5b: {  	[bflag:$0x0] =	sbarrier.arrive $0xFFFF  }
0x5c: {  	p0 =	sne.s32 s0, $0x0;
	_ =	strace $0x9000004D  }
0x5d: {  	s0 =	sadd.s32 @!p0 $0x100000, s2;
	[bflag:$0x2] =	sbarrier.arrive $0xFFFF  }
0x5e: {  	[sflag:s0] =	ssyncadd.tile.s32 @!p0 $0x1;
	_ =	shalt  }
.Lfunc_end2:
_tile_overlayer_lowered:
.L_overlay_start_2:
0x5f: {  	(tag) =	ssettag $0x2  }
0x60: {  	s0 =	rddreg [dreg:$0x0];
	s2 =	stileid.u32  }
0x61: {  	s1 =	rddreg [dreg:$0x1];
	p0 =	sne.s32 s2, $0x0  }
0x62: {  	s3 =	rddreg [dreg:$0x2];
	[bflag:$0x3] =	sbarrier.arrive $0xFFFF;
	s2 =	simm.s32 @!p0 $0x1C02  }
0x63: {  	[timem:s3], [sflag:s2] =	dma.local @!p0 [hbm:s0], s1  }
0x64: {  	s0 =	simm.s32 @!p0 $0x2  }
0x65: {  	_ =	swait.ge @!p0 [sflag:s0], s1  }
0x66: {  	s1 =	ssub.s32 @!p0 $0x0, s1;
	[sflag:s0] =	ssyncset.done @!p0 $0x0  }
0x67: {  	[sflag:s0] =	ssyncadd.s32 @!p0 s1  }
0x68: {  	[bflag:$0x3] =	sbarrier.arrive $0xFFFF  }
0x69: {  	_ =	shalt  }

// kernel: kernel.21.cloned.1.call-start
scs
__scs_entry_jumppad:
0x0: {  	(pc) =	sbr.rel $0x88, $3  }
0x1: {  	(tag) =	ssettag $0x0;
	lr =	simm.s32 $0x1  }
0x2: {  	[smem:$0x3F9B] =	sst lr;
	_ =	strace $0xD0000000  }
0x3: {  	_ = 	snop  }
0x4: {  	_ = 	snop  }
0x5: {  	_ = 	snop  }
0x6: {  	_ = 	snop  }
0x7: {  	_ = 	snop  }
__scs_overlays_trampoline_lowered:
0x8: {  	[smem:$0x3FAA] =	sst s0  }
0x9: {  	[smem:$0x3FAB] =	sst s1  }
0xa: {  	[smem:$0x3FAC] =	sst s2  }
0xb: {  	[smem:$0x3FAD] =	sst s3  }
0xc: {  	[smem:$0x3FAE] =	sst s4  }
0xd: {  	[smem:$0x3FAF] =	sst s5  }
0xe: {  	[smem:$0x3FB0] =	sst s6  }
0xf: {  	[smem:$0x3FB1] =	sst s7  }
0x10: {  	[smem:$0x3FB2] =	sst s8  }
0x11: {  	[smem:$0x3FB3] =	sst s9;
	s0 =	simm.s32 @!p0 $0x0  }
0x12: {  	s1 =	sld [smem:$0x3F99];
	s0 =	simm.s32 @p0 $0x1  }
0x13: {  	[smem:$0x3FB4] =	sst s0;
	s0 =	simm.s32 @!p1 $0x0  }
0x14: {  	s2 =	sld [smem:$0x3F98];
	s0 =	simm.s32 @p1 $0x1  }
0x15: {  	[smem:$0x3FB5] =	sst s0;
	s0 =	simm.s32 @!p2 $0x0  }
0x16: {  	s3 =	sld [smem:$0x3FDB];
	s0 =	simm.s32 @p2 $0x1  }
0x17: {  	s4 =	simm.s32 $0x1BF5;
	[smem:$0x3FB7] =	sst s0  }
0x18: {  	s0 =	sld [smem:$0x3F9A];
	_ =	swait.ge [sflag:s4], $0x0  }
0x19: {  	s7 =	sld [smem:$0x3F9B]  }
0x1a: {  	s8 =	sadd.s32 $0xFFFFE003, lr  }
0x1b: {  	s9 =	sadd.s32 $0xFFFFFEF7, lr;
	s5 =	simm.s32 $0xFFFFFFFF;
	p2 =	slt.u32 s8, $0xFFFFF086  }
0x1c: {  	p1 =	slt.u32 s9, $0xF7A;
	s5 =	simm.s32 @!p2 $0x0  }
0x1d: {  	s5 =	simm.s32 @p1 $0x1;
	p0 =	seq.s32 s7, s2  }
0x1e: {  	s7 =	smul.u32 @!p0 $0xF7A, s2;
	p2 =	seq.s32 @!p0 s5, $0x0  }
0x1f: {  	s9 =	smul.u32 $0xF7A, s1;
	s8 =	simm.s32 @!p0 $0x1BF5;
	p2 =	por !p2, p0  }
0x20: {  	[sflag:s8] =	ssyncset.s32 @!p0 $0xFFFFF086;
	s6 =	sadd.s32 @!p0 s3, s7;
	s7 =	simm.s32 @!p0 $0x108  }
0x21: {  	s3 =	sadd.s32 s3, s9;
	s6 =	sadd.s32 @!p0 $0x88, s6;
	s7 =	simm.s32 @p2 $0x1082  }
0x22: {  	[simem:s7], [sflag:s8] =	dma.local @!p0 [hbm:s6], $0xF7A  }
0x23: {  	s9 =	sor.u32 $0xD0000000, s2;
	s6 =	simm.s32 $0x108;
	_ =	swait.ge @!p0 [sflag:s8], $0x0  }
0x24: {  	s3 =	sadd.s32 $0x88, s3;
	s6 =	simm.s32 @!p1 $0x1082;
	[sflag:s4] =	ssyncset.s32 $0xFFFFF086  }
0x25: {  	[simem:s6], [sflag:s4] =	dma.local [hbm:s3], $0xF7A  }
0x26: {  	[smem:$0x3F9B] =	sst s1;
	(tag) =	ssettag s2;
	_ =	strace s9  }
0x27: {  	s1 =	sld [smem:$0x3FAB]  }
0x28: {  	s2 =	sld [smem:$0x3FAC]  }
0x29: {  	s4 =	sld [smem:$0x3FAE]  }
0x2a: {  	p0 =	seq.s32 s5, $0x0;
	s5 =	sld [smem:$0x3FAF]  }
0x2b: {  	s6 =	sld [smem:$0x3FB0]  }
0x2c: {  	s7 =	sld [smem:$0x3FB1]  }
0x2d: {  	s3 =	simm.s32 $0x108;
	s8 =	sld [smem:$0x3FB2]  }
0x2e: {  	s3 =	simm.s32 @!p0 $0x1082;
	s9 =	sld [smem:$0x3FB3]  }
0x2f: {  	lr =	sadd.s32 s0, s3;
	s0 =	sld [smem:$0x3FAA]  }
0x30: {  	s3 =	sld [smem:$0x3FAD]  }
0x31: {  	[smem:$0x3FB6] =	sst s10  }
0x32: {  	s10 =	sld [smem:$0x3FB4];
	_ =	sdelay $0x3  }
0x33: {  	p0 =	seq.s32 s10, $0x1;
	s10 =	sld [smem:$0x3FB6];
	_ =	sdelay $0x3  }
0x34: {  	[smem:$0x3FB6] =	sst s10  }
0x35: {  	s10 =	sld [smem:$0x3FB5];
	_ =	sdelay $0x3  }
0x36: {  	p1 =	seq.s32 s10, $0x1;
	s10 =	sld [smem:$0x3FB6];
	_ =	sdelay $0x3  }
0x37: {  	[smem:$0x3FB6] =	sst s10  }
0x38: {  	s10 =	sld [smem:$0x3FB7]  }
0x39: {  	_ = 	snop;
	(pc) =	sbr.ind lr, $3  }
0x3a: {  	_ = 	snop  }
0x3b: {  	_ = 	snop  }
0x3c: {  	p2 =	seq.s32 s10, $0x1;
	s10 =	sld [smem:$0x3FB6]  }
0x3d: {  	_ =	shalt  }
0x3e: {  	_ =	shalt  }
0x3f: {  	_ =	shalt  }
0x40: {  	_ =	shalt  }
0x41: {  	_ =	shalt  }
0x42: {  	_ =	shalt  }
0x43: {  	_ =	shalt  }
0x44: {  	_ =	shalt  }
0x45: {  	_ =	shalt  }
0x46: {  	_ =	shalt  }
0x47: {  	_ =	shalt  }
0x48: {  	_ =	shalt  }
0x49: {  	_ =	shalt  }
0x4a: {  	_ =	shalt  }
0x4b: {  	_ =	shalt  }
0x4c: {  	_ =	shalt  }
0x4d: {  	_ =	shalt  }
0x4e: {  	_ =	shalt  }
0x4f: {  	_ =	shalt  }
0x50: {  	_ =	shalt  }
0x51: {  	_ =	shalt  }
0x52: {  	_ =	shalt  }
0x53: {  	_ =	shalt  }
0x54: {  	_ =	shalt  }
0x55: {  	_ =	shalt  }
0x56: {  	_ =	shalt  }
0x57: {  	_ =	shalt  }
0x58: {  	_ =	shalt  }
0x59: {  	_ =	shalt  }
0x5a: {  	_ =	shalt  }
0x5b: {  	_ =	shalt  }
0x5c: {  	_ =	shalt  }
0x5d: {  	_ =	shalt  }
0x5e: {  	_ =	shalt  }
0x5f: {  	_ =	shalt  }
0x60: {  	_ =	shalt  }
0x61: {  	_ =	shalt  }
0x62: {  	_ =	shalt  }
0x63: {  	_ =	shalt  }
0x64: {  	_ =	shalt  }
0x65: {  	_ =	shalt  }
0x66: {  	_ =	shalt  }
0x67: {  	_ =	shalt  }
0x68: {  	_ =	shalt  }
0x69: {  	_ =	shalt  }
0x6a: {  	_ =	shalt  }
0x6b: {  	_ =	shalt  }
0x6c: {  	_ =	shalt  }
0x6d: {  	_ =	shalt  }
0x6e: {  	_ =	shalt  }
0x6f: {  	_ =	shalt  }
0x70: {  	_ =	shalt  }
0x71: {  	_ =	shalt  }
0x72: {  	_ =	shalt  }
0x73: {  	_ =	shalt  }
0x74: {  	_ =	shalt  }
0x75: {  	_ =	shalt  }
0x76: {  	_ =	shalt  }
0x77: {  	_ =	shalt  }
0x78: {  	_ =	shalt  }
0x79: {  	_ =	shalt  }
0x7a: {  	_ =	shalt  }
0x7b: {  	_ =	shalt  }
0x7c: {  	_ =	shalt  }
0x7d: {  	_ =	shalt  }
0x7e: {  	_ =	shalt  }
0x7f: {  	_ =	shalt  }
0x80: {  	_ =	shalt  }
0x81: {  	_ =	shalt  }
0x82: {  	_ =	shalt  }
0x83: {  	_ =	shalt  }
0x84: {  	_ =	shalt  }
0x85: {  	_ =	shalt  }
0x86: {  	_ =	shalt  }
0x87: {  	_ =	shalt  }
.Lfunc_end0:
.L_simem_size_0:
called_computation.3_lowered:
.L_overlay_start_0:
0x88: {  	s2 =	sld [smem:$0x3FD9]  }
0x89: {  	s3 =	sld [smem:$0x3FFE];
	_ =	sdelay $0x1  }
0x8a: {  	s1 =	srdreg.scid  }
0x8b: {  	s0 =	sand.u32 $0x1, s1  }
0x8c: {  	s17 =	sshll.u32 s0, $0xA;
	s2 =	sadd.s32 s3, s2  }
0x8d: {  	s2 =	sadd.s32 s2, s17  }
0x8e: {  	[smem:$0x3FC2] =	sst s2  }
0x8f: {  	_ = 	snop  }
0x90: {  	s2 =	sld [smem:$0x3FD0];
	(tm) =	ssettm $0x1  }
0x91: {  	s18 =	sld [smem:$0x3FFB];
	_ =	sdelay $0x3  }
0x92: {  	_ =	strace s18  }
0x93: {  	s3 =	sld [smem:$0x3FFC];
	_ =	sdelay $0x3  }
0x94: {  	_ =	strace s3  }
0x95: {  	s3 =	sld [smem:$0x3FFD];
	_ =	sdelay $0x3  }
0x96: {  	_ =	strace s3  }
0x97: {  	_ =	strace $0x8FFFFFFF  }
0x98: {  	s19 =	sld [smem:$0x3FDB];
	_ =	sdelay $0x1  }
0x99: {  	s4 =	simm.s32 $_scs_section_size  }
0x9a: {  	s5 =	simm.s32 $_size__tile_overlayer_lowered;
	s6 =	simm.s32 $_tile_overlayer_lowered  }
0x9b: {  	s22 =	simm.s32 $0x1BFF;
	s21 =	sshll.u32 s6, $0x1;
	s3 =	sadd.s32 s4, s19  }
0x9c: {  	s7 =	simm.s32 $0x0;
	s20 =	sshll.u32 s5, $0x1;
	s5 =	sadd.s32 s21, s3  }
0x9d: {  	[timem:s7], [sflag:s22] =	dma.local [hbm:s5], s20  }
0x9e: {  	_ =	swait.ge [sflag:s22], s20  }
0x9f: {  	s4 =	ssub.s32 $0x0, s20;
	[sflag:s22] =	ssyncset.done $0x0  }
0xa0: {  	[sflag:s22] =	ssyncadd.s32 s4;
	_ =	sdelay $0x1  }
0xa1: {  	s23 =	simm.s32 $0x1B8B  }
0xa2: {  	_ =	swait.ge [sflag:s23], $0x1  }
0xa3: {  	[sflag:s23] =	ssyncset.done $0x0  }
0xa4: {  	s25 =	simm.s32 $0x1B8E;
	s24 =	sld [smem:$0x3FFE];
	[sflag:s23] =	ssyncadd.s32 $0xFFFFFFFF  }
0xa5: {  	s26 =	simm.s32 $execute0_lowered;
	[smem:$0x3FD2] =	sst s25  }
0xa6: {  	s5 =	sshll.u32 s26, $0x1;
	_ =	strace $0x8000004F;
	[dreg:$0x1] =	wrdreg $0xFFFFFFFF  }
0xa7: {  	s28 =	simm.s32 $_size_execute0_lowered;
	s3 =	sadd.s32 s3, s5;
	[dreg:$0x0] =	wrdreg $0x0  }
0xa8: {  	s5 =	sshll.u32 s28, $0x1;
	[dreg:$0x2] =	wrdreg s3  }
0xa9: {  	[dreg:$0x3] =	wrdreg s5  }
0xaa: {  	[dreg:$0x4] =	wrdreg $0xC0  }
0xab: {  	_ =	task [dreg:s7], $0x5FFFF  }
0xac: {  	[dreg:$0x1] =	wrdreg $0xFFFFFFFF  }
0xad: {  	[dreg:$0x0] =	wrdreg $0x60  }
0xae: {  	[dreg:$0x2] =	wrdreg s2  }
0xaf: {  	[dreg:$0x3] =	wrdreg s24  }
0xb0: {  	[dreg:$0x4] =	wrdreg $0x91000  }
0xb1: {  	[dreg:$0x5] =	wrdreg $0x9  }
0xb2: {  	_ =	task.clear_ibuf [dreg:s7], $0x6FFFF;
	_ =	strace $0x9000004F  }
0xb3: {  	s29 =	simm.s32 $0x9;
	_ =	strace $0x80000051  }
0xb4: {  	_ =	swait.ge [sflag:s29], $0x1  }
0xb5: {  	[sflag:s29] =	ssyncadd.s32 $0xFFFFFFFF  }
0xb6: {  	_ =	strace $0x90000051  }
0xb7: {  	_ =	sfence  }
0xb8: {  	s30 =	sld [smem:$0x0];
	_ =	sdelay $0x2  }
0xb9: {  	s31 =	sshll.u32 s1, $0xD;
	s1 =	sshrl.u32 s1, $0x2  }
0xba: {  	s3 =	sand.u32 $0x4000, s31;
	s1 =	sadd.s32 s1, s30  }
0xbb: {  	s0 =	sor.u32 s3, s0;
	s1 =	sshll.u32 s1, $0x11  }
0xbc: {  	s0 =	sor.u32 s1, s0  }
0xbd: {  	s0 =	sadd.s32 $0x8F2B, s0  }
0xbe: {  	[sflag:s0] =	ssyncadd.remote.s32 $0x1  }
0xbf: {  	_ =	sfence.sel $0xFFFF  }
0xc0: {  	[dreg:$0x0] =	wrdreg $0xFFFFFFFF;
	(pc) =	sbr.abs _section_cstart, $3  }
0xc1: {  	[dreg:$0x1] =	wrdreg $0xFFFFFFFF  }
0xc2: {  	_ =	task.clear_ibuf [dreg:s7], $0x2FFFF;
	_ =	strace $0x9FFFFFFF  }
0xc3: {  	(tm) =	ssettm $0x7FFFFFFF  }
tec
execute0_lowered:
.L_overlay_start_1:
0x0: {  	(tag) =	ssettag $0x1  }
0x1: {  	s1 =	rddreg [dreg:$0x0]  }
0x2: {  	s6 =	rddreg [dreg:$0x1]  }
0x3: {  	s0 =	srdreg.scid;
	s3 =	rddreg [dreg:$0x2]  }
0x4: {  	s2 =	rddreg [dreg:$0x3];
	s7 =	sand.u32 $0x1, s0  }
0x5: {  	s0 =	stileid.u32;
	s5 =	smul.u32 $0x9D000, s7  }
0x6: {  	s4 =	simm.s32 $0x0;
	s18 =	simm.s32 $0x100;
	s8 =	smul.u32 $0x9D00, s0  }
0x7: {  	s19 =	simm.s32 $0x1;
	s20 =	simm.s32 $0x0;
	s28 =	smul.u32 $0x2A000, s0  }
0x8: {  	[smem:$0x7FF] =	sst s4;
	s12 =	sadd.s32 $0x2B600, s6;
	s9 =	smul.u32 $0x28000, s0  }
0x9: {  	_ =	strace $0x80000050;
	s29 =	ssub.s32 $0x2, s7;
	s11 =	smul.u32 $0x1400, s7  }
0xa: {  	s30 =	smul.u32 $0x140, s0;
	s10 =	sshrl.u32 s29, $0x1;
	s5 =	sadd.s32 s8, s5  }
0xb: {  	s8 =	sshrl.u32 s28, $0x2;
	s13 =	ssub.s32 s29, s10;
	s9 =	sshrl.u32 s9, $0x2  }
0xc: {  	s15 =	sadd.s32 s30, s11;
	s10 =	sadd.s32 $0xA0, s30;
	s5 =	sshrl.u32 s5, $0x3  }
0xd: {  	s9 =	sadd.s32 s9, s3;
	s15 =	sshll.u32 s15, $0x4;
	s16 =	sshll.u32 s10, $0x7  }
0xe: {  	s17 =	sadd.s32 s11, s10;
	s13 =	smax.u32 s13, $0x1;
	s14 =	sadd.s32 s5, s6  }
0xf: {  	s5 =	sadd.s32 $0x2AC00, s6;
	s6 =	sadd.s32 s8, s3;
	s10 =	sadd.s32 s12, s15  }
0x10: {  	s11 =	sadd.s32 s16, s3;
	s31 =	sshll.u32 s17, $0x4;
	s15 =	simm.s32 $0x4100  }
0x11: {  	s16 =	simm.s32 $0x2;
	s17 =	simm.s32 $0x80;
	s7 =	sadd.s32 $0x5000, s6  }
0x12: {  	s8 =	sadd.s32 $0xA000, s6;
	s12 =	sadd.s32 s12, s31;
	s14 =	sadd.s32 $0x3800, s14  }
.LBB2_1:
0x13: {  	[tilespmem:s15], [sflag:$0x2] =	stream.linear.gather [hbm4b:s5+s4], $0x5000, $0x38;
	[tilespmem:$0x13900] =	vst v63  }
0x14: {  	_ =	swait.ge [sflag:s16], $0x5000  }
0x15: {  	[sflag:s16] =	ssyncset.done $0x0  }
0x16: {  	[sflag:s16] =	ssyncadd.s32 $0xFFFFB000  }
0x17: {  	[spmem:s6] =	stream.linear.scatter [tilespmem:s15], [sflag:$0x2], $0x5000, $0x38;
	[tilespmem:$0x13900] =	vst v63  }
0x18: {  	_ =	swait.ge [sflag:s16], $0x5000  }
0x19: {  	[sflag:s16] =	ssyncset.done $0x0  }
0x1a: {  	[sflag:s16] =	ssyncadd.s32 $0xFFFFB000  }
0x1b: {  	[spmem:s7] =	stream.linear.scatter [tilespmem:s15], [sflag:$0x2], $0x5000, $0x38;
	[tilespmem:$0x13900] =	vst v63  }
0x1c: {  	_ =	swait.ge [sflag:s16], $0x5000  }
0x1d: {  	[sflag:s16] =	ssyncset.done $0x0  }
0x1e: {  	[sflag:s16] =	ssyncadd.s32 $0xFFFFB000  }
0x1f: {  	[spmem:s8] =	stream.linear.scatter [tilespmem:s15], [sflag:$0x2], $0x800, $0x38;
	[tilespmem:$0x13900] =	vst v63  }
0x20: {  	_ =	swait.ge [sflag:s16], $0x800  }
0x21: {  	[sflag:s16] =	ssyncset.done $0x0  }
0x22: {  	[sflag:s16] =	ssyncadd.s32 $0xFFFFF800  }
0x23: {  	s21 =	sadd.s32 $0x0, s14;
	[bflag:$0x0] =	sbarrier.arrive $0xFFFF  }
0x24: {  	[tilespmem:s4], [sflag:$0x2] =	stream.linear.gather [hbm4b:s21+s4], $0x100, $0x38;
	[tilespmem:$0x13900] =	vst v63  }
0x25: {  	_ =	swait.ge [sflag:s16], $0x100  }
0x26: {  	[sflag:s16] =	ssyncset.done $0x0  }
0x27: {  	[sflag:s16] =	ssyncadd.s32 $0xFFFFFF00  }
0x28: {  	[tilespmem:s18], [sflag:$0x1] =	stream.indirect.gather [hbm4b:s1+s17], $0x80, s4, s17, $0xb8;
	[tilespmem:$0x13900] =	vst v63  }
0x29: {  	_ =	swait.ge [sflag:s19], $0x4000  }
0x2a: {  	[sflag:s19] =	ssyncset.done $0x0  }
0x2b: {  	[sflag:s19] =	ssyncadd.s32 $0xFFFFC000  }
0x2c: {  	[spmem:s3] =	stream.indirect.scatter.add.f32 [tilespmem:s18], [sflag:$0x2], $0x80, s17, s17, $0xb8;
	[tilespmem:$0x13900] =	vst v63  }
0x2d: {  	_ =	swait.ge [sflag:s16], $0x4000  }
0x2e: {  	s22 =	simm.s32 $0x40;
	s21 =	simm.s32 $0x20;
	[sflag:s16] =	ssyncset.done $0x0  }
.LBB2_2:
0x2f: {  	s23 =	sadd.s32 s21, s14  }
0x30: {  	[sflag:s16] =	ssyncadd.s32 $0xFFFFC000;
	s21 =	smov.u32 s22;
	s24 =	sadd.s32 $0x20, s22  }
0x31: {  	[tilespmem:s4], [sflag:$0x2] =	stream.linear.gather [hbm4b:s23+s4], $0x100, $0x38;
	[tilespmem:$0x13900] =	vst v63  }
0x32: {  	p0 =	sne.s32 s22, $0x1380;
	_ =	swait.ge [sflag:s16], $0x100  }
0x33: {  	[sflag:s16] =	ssyncset.done $0x0  }
0x34: {  	[sflag:s16] =	ssyncadd.s32 $0xFFFFFF00  }
0x35: {  	[tilespmem:s18], [sflag:$0x1] =	stream.indirect.gather [hbm4b:s1+s17], $0x80, s4, s17, $0xb8;
	[tilespmem:$0x13900] =	vst v63  }
0x36: {  	_ =	swait.ge [sflag:s19], $0x4000  }
.Ltmp0:
0x37: {  	[sflag:s19] =	ssyncset.done $0x0;
	(pc) =	sbr.rel @p0 .LBB2_2-.Ltmp0, $4  }
0x38: {  	[sflag:s19] =	ssyncadd.s32 $0xFFFFC000  }
0x39: {  	[spmem:s3] =	stream.indirect.scatter.add.f32 [tilespmem:s18], [sflag:$0x2], $0x80, s17, s17, $0xb8;
	[tilespmem:$0x13900] =	vst v63  }
0x3a: {  	_ =	swait.ge [sflag:s16], $0x4000  }
0x3b: {  	s22 =	smov.u32 s24;
	[sflag:s16] =	ssyncset.done $0x0  }
0x3c: {  	s21 =	sadd.s32 s21, s14;
	[sflag:s16] =	ssyncadd.s32 $0xFFFFC000  }
0x3d: {  	[tilespmem:s4], [sflag:$0x2] =	stream.linear.gather [hbm4b:s21+s4], $0x100, $0x38;
	[tilespmem:$0x13900] =	vst v63  }
0x3e: {  	_ =	swait.ge [sflag:s16], $0x100  }
0x3f: {  	[sflag:s16] =	ssyncset.done $0x0  }
0x40: {  	[sflag:s16] =	ssyncadd.s32 $0xFFFFFF00  }
0x41: {  	[tilespmem:s18], [sflag:$0x1] =	stream.indirect.gather [hbm4b:s1+s17], $0x80, s4, s17, $0xb8;
	[tilespmem:$0x13900] =	vst v63  }
0x42: {  	_ =	swait.ge [sflag:s19], $0x4000  }
0x43: {  	[sflag:s19] =	ssyncset.done $0x0  }
0x44: {  	[sflag:s19] =	ssyncadd.s32 $0xFFFFC000  }
0x45: {  	[spmem:s3] =	stream.indirect.scatter.add.f32 [tilespmem:s18], [sflag:$0x2], $0x80, s17, s17, $0xb8;
	[tilespmem:$0x13900] =	vst v63  }
0x46: {  	_ =	swait.ge [sflag:s16], $0x4000  }
0x47: {  	[sflag:s16] =	ssyncset.done $0x0  }
0x48: {  	[sflag:s16] =	ssyncadd.s32 $0xFFFFC000  }
0x49: {  	[bflag:$0x0] =	sbarrier.arrive $0xFFFF  }
0x4a: {  	[tilespmem:s15], [sflag:$0x2] =	stream.linear.gather [spmem:s9], $0x5000, $0x38;
	[tilespmem:$0x13900] =	vst v63  }
0x4b: {  	_ =	swait.ge [sflag:s16], $0x5000  }
0x4c: {  	[sflag:s16] =	ssyncset.done $0x0  }
0x4d: {  	[sflag:s16] =	ssyncadd.s32 $0xFFFFB000  }
0x4e: {  	[hbm4b:s10+s4] =	stream.linear.scatter [tilespmem:s15], [sflag:$0x2], $0x5000, $0x38;
	[tilespmem:$0x13900] =	vst v63  }
0x4f: {  	_ =	swait.ge [sflag:s16], $0x5000  }
0x50: {  	[sflag:s16] =	ssyncset.done $0x0  }
0x51: {  	[sflag:s16] =	ssyncadd.s32 $0xFFFFB000  }
0x52: {  	[tilespmem:s15], [sflag:$0x2] =	stream.linear.gather [spmem:s11], $0x5000, $0x38;
	[tilespmem:$0x13900] =	vst v63  }
0x53: {  	s20 =	sadd.s32 $0x1, s20;
	_ =	swait.ge [sflag:s16], $0x5000  }
0x54: {  	p0 =	sne.s32 s20, s13;
	[sflag:s16] =	ssyncset.done $0x0  }
.Ltmp1:
0x55: {  	[sflag:s16] =	ssyncadd.s32 $0xFFFFB000;
	(pc) =	sbr.rel @p0 .LBB2_1-.Ltmp1, $4  }
0x56: {  	[hbm4b:s12+s4] =	stream.linear.scatter [tilespmem:s15], [sflag:$0x2], $0x5000, $0x38;
	[tilespmem:$0x13900] =	vst v63  }
0x57: {  	_ =	swait.ge [sflag:s16], $0x5000  }
0x58: {  	[sflag:s16] =	ssyncset.done $0x0  }
0x59: {  	[sflag:s16] =	ssyncadd.s32 $0xFFFFB000  }
0x5a: {  	_ =	sfence.sel $0x180000  }
0x5b: {  	[bflag:$0x0] =	sbarrier.arrive $0xFFFF  }
0x5c: {  	p0 =	sne.s32 s0, $0x0;
	_ =	strace $0x90000050  }
0x5d: {  	s0 =	sadd.s32 @!p0 $0x100000, s2;
	[bflag:$0x2] =	sbarrier.arrive $0xFFFF  }
0x5e: {  	[sflag:s0] =	ssyncadd.tile.s32 @!p0 $0x1;
	_ =	shalt  }
.Lfunc_end2:
_tile_overlayer_lowered:
.L_overlay_start_2:
0x5f: {  	(tag) =	ssettag $0x2  }
0x60: {  	s0 =	rddreg [dreg:$0x0];
	s2 =	stileid.u32  }
0x61: {  	s1 =	rddreg [dreg:$0x1];
	p0 =	sne.s32 s2, $0x0  }
0x62: {  	s3 =	rddreg [dreg:$0x2];
	[bflag:$0x3] =	sbarrier.arrive $0xFFFF;
	s2 =	simm.s32 @!p0 $0x1C02  }
0x63: {  	[timem:s3], [sflag:s2] =	dma.local @!p0 [hbm:s0], s1  }
0x64: {  	s0 =	simm.s32 @!p0 $0x2  }
0x65: {  	_ =	swait.ge @!p0 [sflag:s0], s1  }
0x66: {  	s1 =	ssub.s32 @!p0 $0x0, s1;
	[sflag:s0] =	ssyncset.done @!p0 $0x0  }
0x67: {  	[sflag:s0] =	ssyncadd.s32 @!p0 s1  }
0x68: {  	[bflag:$0x3] =	sbarrier.arrive $0xFFFF  }
0x69: {  	_ =	shalt  }

// kernel: kernel.24.cloned.1.call-start
scs
__scs_entry_jumppad:
0x0: {  	(pc) =	sbr.rel $0x88, $3  }
0x1: {  	(tag) =	ssettag $0x0;
	lr =	simm.s32 $0x1  }
0x2: {  	[smem:$0x3F9B] =	sst lr;
	_ =	strace $0xD0000000  }
0x3: {  	_ = 	snop  }
0x4: {  	_ = 	snop  }
0x5: {  	_ = 	snop  }
0x6: {  	_ = 	snop  }
0x7: {  	_ = 	snop  }
__scs_overlays_trampoline_lowered:
0x8: {  	[smem:$0x3FAA] =	sst s0  }
0x9: {  	[smem:$0x3FAB] =	sst s1  }
0xa: {  	[smem:$0x3FAC] =	sst s2  }
0xb: {  	[smem:$0x3FAD] =	sst s3  }
0xc: {  	[smem:$0x3FAE] =	sst s4  }
0xd: {  	[smem:$0x3FAF] =	sst s5  }
0xe: {  	[smem:$0x3FB0] =	sst s6  }
0xf: {  	[smem:$0x3FB1] =	sst s7  }
0x10: {  	[smem:$0x3FB2] =	sst s8  }
0x11: {  	[smem:$0x3FB3] =	sst s9;
	s0 =	simm.s32 @!p0 $0x0  }
0x12: {  	s1 =	sld [smem:$0x3F99];
	s0 =	simm.s32 @p0 $0x1  }
0x13: {  	[smem:$0x3FB4] =	sst s0;
	s0 =	simm.s32 @!p1 $0x0  }
0x14: {  	s2 =	sld [smem:$0x3F98];
	s0 =	simm.s32 @p1 $0x1  }
0x15: {  	[smem:$0x3FB5] =	sst s0;
	s0 =	simm.s32 @!p2 $0x0  }
0x16: {  	s3 =	sld [smem:$0x3FDB];
	s0 =	simm.s32 @p2 $0x1  }
0x17: {  	s4 =	simm.s32 $0x1BF5;
	[smem:$0x3FB7] =	sst s0  }
0x18: {  	s0 =	sld [smem:$0x3F9A];
	_ =	swait.ge [sflag:s4], $0x0  }
0x19: {  	s7 =	sld [smem:$0x3F9B]  }
0x1a: {  	s8 =	sadd.s32 $0xFFFFE003, lr  }
0x1b: {  	s9 =	sadd.s32 $0xFFFFFEF7, lr;
	s5 =	simm.s32 $0xFFFFFFFF;
	p2 =	slt.u32 s8, $0xFFFFF086  }
0x1c: {  	p1 =	slt.u32 s9, $0xF7A;
	s5 =	simm.s32 @!p2 $0x0  }
0x1d: {  	s5 =	simm.s32 @p1 $0x1;
	p0 =	seq.s32 s7, s2  }
0x1e: {  	s7 =	smul.u32 @!p0 $0xF7A, s2;
	p2 =	seq.s32 @!p0 s5, $0x0  }
0x1f: {  	s9 =	smul.u32 $0xF7A, s1;
	s8 =	simm.s32 @!p0 $0x1BF5;
	p2 =	por !p2, p0  }
0x20: {  	[sflag:s8] =	ssyncset.s32 @!p0 $0xFFFFF086;
	s6 =	sadd.s32 @!p0 s3, s7;
	s7 =	simm.s32 @!p0 $0x108  }
0x21: {  	s3 =	sadd.s32 s3, s9;
	s6 =	sadd.s32 @!p0 $0x88, s6;
	s7 =	simm.s32 @p2 $0x1082  }
0x22: {  	[simem:s7], [sflag:s8] =	dma.local @!p0 [hbm:s6], $0xF7A  }
0x23: {  	s9 =	sor.u32 $0xD0000000, s2;
	s6 =	simm.s32 $0x108;
	_ =	swait.ge @!p0 [sflag:s8], $0x0  }
0x24: {  	s3 =	sadd.s32 $0x88, s3;
	s6 =	simm.s32 @!p1 $0x1082;
	[sflag:s4] =	ssyncset.s32 $0xFFFFF086  }
0x25: {  	[simem:s6], [sflag:s4] =	dma.local [hbm:s3], $0xF7A  }
0x26: {  	[smem:$0x3F9B] =	sst s1;
	(tag) =	ssettag s2;
	_ =	strace s9  }
0x27: {  	s1 =	sld [smem:$0x3FAB]  }
0x28: {  	s2 =	sld [smem:$0x3FAC]  }
0x29: {  	s4 =	sld [smem:$0x3FAE]  }
0x2a: {  	p0 =	seq.s32 s5, $0x0;
	s5 =	sld [smem:$0x3FAF]  }
0x2b: {  	s6 =	sld [smem:$0x3FB0]  }
0x2c: {  	s7 =	sld [smem:$0x3FB1]  }
0x2d: {  	s3 =	simm.s32 $0x108;
	s8 =	sld [smem:$0x3FB2]  }
0x2e: {  	s3 =	simm.s32 @!p0 $0x1082;
	s9 =	sld [smem:$0x3FB3]  }
0x2f: {  	lr =	sadd.s32 s0, s3;
	s0 =	sld [smem:$0x3FAA]  }
0x30: {  	s3 =	sld [smem:$0x3FAD]  }
0x31: {  	[smem:$0x3FB6] =	sst s10  }
0x32: {  	s10 =	sld [smem:$0x3FB4];
	_ =	sdelay $0x3  }
0x33: {  	p0 =	seq.s32 s10, $0x1;
	s10 =	sld [smem:$0x3FB6];
	_ =	sdelay $0x3  }
0x34: {  	[smem:$0x3FB6] =	sst s10  }
0x35: {  	s10 =	sld [smem:$0x3FB5];
	_ =	sdelay $0x3  }
0x36: {  	p1 =	seq.s32 s10, $0x1;
	s10 =	sld [smem:$0x3FB6];
	_ =	sdelay $0x3  }
0x37: {  	[smem:$0x3FB6] =	sst s10  }
0x38: {  	s10 =	sld [smem:$0x3FB7]  }
0x39: {  	_ = 	snop;
	(pc) =	sbr.ind lr, $3  }
0x3a: {  	_ = 	snop  }
0x3b: {  	_ = 	snop  }
0x3c: {  	p2 =	seq.s32 s10, $0x1;
	s10 =	sld [smem:$0x3FB6]  }
0x3d: {  	_ =	shalt  }
0x3e: {  	_ =	shalt  }
0x3f: {  	_ =	shalt  }
0x40: {  	_ =	shalt  }
0x41: {  	_ =	shalt  }
0x42: {  	_ =	shalt  }
0x43: {  	_ =	shalt  }
0x44: {  	_ =	shalt  }
0x45: {  	_ =	shalt  }
0x46: {  	_ =	shalt  }
0x47: {  	_ =	shalt  }
0x48: {  	_ =	shalt  }
0x49: {  	_ =	shalt  }
0x4a: {  	_ =	shalt  }
0x4b: {  	_ =	shalt  }
0x4c: {  	_ =	shalt  }
0x4d: {  	_ =	shalt  }
0x4e: {  	_ =	shalt  }
0x4f: {  	_ =	shalt  }
0x50: {  	_ =	shalt  }
0x51: {  	_ =	shalt  }
0x52: {  	_ =	shalt  }
0x53: {  	_ =	shalt  }
0x54: {  	_ =	shalt  }
0x55: {  	_ =	shalt  }
0x56: {  	_ =	shalt  }
0x57: {  	_ =	shalt  }
0x58: {  	_ =	shalt  }
0x59: {  	_ =	shalt  }
0x5a: {  	_ =	shalt  }
0x5b: {  	_ =	shalt  }
0x5c: {  	_ =	shalt  }
0x5d: {  	_ =	shalt  }
0x5e: {  	_ =	shalt  }
0x5f: {  	_ =	shalt  }
0x60: {  	_ =	shalt  }
0x61: {  	_ =	shalt  }
0x62: {  	_ =	shalt  }
0x63: {  	_ =	shalt  }
0x64: {  	_ =	shalt  }
0x65: {  	_ =	shalt  }
0x66: {  	_ =	shalt  }
0x67: {  	_ =	shalt  }
0x68: {  	_ =	shalt  }
0x69: {  	_ =	shalt  }
0x6a: {  	_ =	shalt  }
0x6b: {  	_ =	shalt  }
0x6c: {  	_ =	shalt  }
0x6d: {  	_ =	shalt  }
0x6e: {  	_ =	shalt  }
0x6f: {  	_ =	shalt  }
0x70: {  	_ =	shalt  }
0x71: {  	_ =	shalt  }
0x72: {  	_ =	shalt  }
0x73: {  	_ =	shalt  }
0x74: {  	_ =	shalt  }
0x75: {  	_ =	shalt  }
0x76: {  	_ =	shalt  }
0x77: {  	_ =	shalt  }
0x78: {  	_ =	shalt  }
0x79: {  	_ =	shalt  }
0x7a: {  	_ =	shalt  }
0x7b: {  	_ =	shalt  }
0x7c: {  	_ =	shalt  }
0x7d: {  	_ =	shalt  }
0x7e: {  	_ =	shalt  }
0x7f: {  	_ =	shalt  }
0x80: {  	_ =	shalt  }
0x81: {  	_ =	shalt  }
0x82: {  	_ =	shalt  }
0x83: {  	_ =	shalt  }
0x84: {  	_ =	shalt  }
0x85: {  	_ =	shalt  }
0x86: {  	_ =	shalt  }
0x87: {  	_ =	shalt  }
.Lfunc_end0:
.L_simem_size_0:
called_computation.4_lowered:
.L_overlay_start_0:
0x88: {  	s2 =	sld [smem:$0x3FD9]  }
0x89: {  	s3 =	sld [smem:$0x3FFE];
	_ =	sdelay $0x1  }
0x8a: {  	s1 =	srdreg.scid  }
0x8b: {  	s0 =	sand.u32 $0x1, s1  }
0x8c: {  	s17 =	sshll.u32 s0, $0xA;
	s2 =	sadd.s32 s3, s2  }
0x8d: {  	s2 =	sadd.s32 s2, s17  }
0x8e: {  	[smem:$0x3FC2] =	sst s2  }
0x8f: {  	_ = 	snop  }
0x90: {  	s2 =	sld [smem:$0x3FD0];
	(tm) =	ssettm $0x1  }
0x91: {  	s18 =	sld [smem:$0x3FFB];
	_ =	sdelay $0x3  }
0x92: {  	_ =	strace s18  }
0x93: {  	s3 =	sld [smem:$0x3FFC];
	_ =	sdelay $0x3  }
0x94: {  	_ =	strace s3  }
0x95: {  	s3 =	sld [smem:$0x3FFD];
	_ =	sdelay $0x3  }
0x96: {  	_ =	strace s3  }
0x97: {  	_ =	strace $0x8FFFFFFF  }
0x98: {  	s19 =	sld [smem:$0x3FDB];
	_ =	sdelay $0x1  }
0x99: {  	s4 =	simm.s32 $_scs_section_size  }
0x9a: {  	s5 =	simm.s32 $_size__tile_overlayer_lowered;
	s6 =	simm.s32 $_tile_overlayer_lowered  }
0x9b: {  	s22 =	simm.s32 $0x1BFF;
	s21 =	sshll.u32 s6, $0x1;
	s3 =	sadd.s32 s4, s19  }
0x9c: {  	s7 =	simm.s32 $0x0;
	s20 =	sshll.u32 s5, $0x1;
	s5 =	sadd.s32 s21, s3  }
0x9d: {  	[timem:s7], [sflag:s22] =	dma.local [hbm:s5], s20  }
0x9e: {  	_ =	swait.ge [sflag:s22], s20  }
0x9f: {  	s4 =	ssub.s32 $0x0, s20;
	[sflag:s22] =	ssyncset.done $0x0  }
0xa0: {  	[sflag:s22] =	ssyncadd.s32 s4;
	_ =	sdelay $0x1  }
0xa1: {  	s23 =	simm.s32 $0x1B8B  }
0xa2: {  	_ =	swait.ge [sflag:s23], $0x1  }
0xa3: {  	[sflag:s23] =	ssyncset.done $0x0  }
0xa4: {  	s25 =	simm.s32 $0x1B8E;
	s24 =	sld [smem:$0x3FFE];
	[sflag:s23] =	ssyncadd.s32 $0xFFFFFFFF  }
0xa5: {  	s26 =	simm.s32 $execute0_lowered;
	[smem:$0x3FD2] =	sst s25  }
0xa6: {  	s5 =	sshll.u32 s26, $0x1;
	_ =	strace $0x80000052;
	[dreg:$0x1] =	wrdreg $0xFFFFFFFF  }
0xa7: {  	s28 =	simm.s32 $_size_execute0_lowered;
	s3 =	sadd.s32 s3, s5;
	[dreg:$0x0] =	wrdreg $0x0  }
0xa8: {  	s5 =	sshll.u32 s28, $0x1;
	[dreg:$0x2] =	wrdreg s3  }
0xa9: {  	[dreg:$0x3] =	wrdreg s5  }
0xaa: {  	[dreg:$0x4] =	wrdreg $0xC0  }
0xab: {  	_ =	task [dreg:s7], $0x5FFFF  }
0xac: {  	[dreg:$0x1] =	wrdreg $0xFFFFFFFF  }
0xad: {  	[dreg:$0x0] =	wrdreg $0x60  }
0xae: {  	[dreg:$0x2] =	wrdreg s2  }
0xaf: {  	[dreg:$0x3] =	wrdreg s24  }
0xb0: {  	[dreg:$0x4] =	wrdreg $0x91000  }
0xb1: {  	[dreg:$0x5] =	wrdreg $0x9  }
0xb2: {  	_ =	task.clear_ibuf [dreg:s7], $0x6FFFF;
	_ =	strace $0x90000052  }
0xb3: {  	s29 =	simm.s32 $0x9;
	_ =	strace $0x80000054  }
0xb4: {  	_ =	swait.ge [sflag:s29], $0x1  }
0xb5: {  	[sflag:s29] =	ssyncadd.s32 $0xFFFFFFFF  }
0xb6: {  	_ =	strace $0x90000054  }
0xb7: {  	_ =	sfence  }
0xb8: {  	s30 =	sld [smem:$0x0];
	_ =	sdelay $0x2  }
0xb9: {  	s31 =	sshll.u32 s1, $0xD;
	s1 =	sshrl.u32 s1, $0x2  }
0xba: {  	s3 =	sand.u32 $0x4000, s31;
	s1 =	sadd.s32 s1, s30  }
0xbb: {  	s0 =	sor.u32 s3, s0;
	s1 =	sshll.u32 s1, $0x11  }
0xbc: {  	s0 =	sor.u32 s1, s0  }
0xbd: {  	s0 =	sadd.s32 $0x8F2B, s0  }
0xbe: {  	[sflag:s0] =	ssyncadd.remote.s32 $0x1  }
0xbf: {  	_ =	sfence.sel $0xFFFF  }
0xc0: {  	[dreg:$0x0] =	wrdreg $0xFFFFFFFF;
	(pc) =	sbr.abs _section_cstart, $3  }
0xc1: {  	[dreg:$0x1] =	wrdreg $0xFFFFFFFF  }
0xc2: {  	_ =	task.clear_ibuf [dreg:s7], $0x2FFFF;
	_ =	strace $0x9FFFFFFF  }
0xc3: {  	(tm) =	ssettm $0x7FFFFFFF  }
tec
execute0_lowered:
.L_overlay_start_1:
0x0: {  	(tag) =	ssettag $0x1  }
0x1: {  	s1 =	rddreg [dreg:$0x0]  }
0x2: {  	s6 =	rddreg [dreg:$0x1]  }
0x3: {  	s0 =	srdreg.scid;
	s3 =	rddreg [dreg:$0x2]  }
0x4: {  	s2 =	rddreg [dreg:$0x3];
	s7 =	sand.u32 $0x1, s0  }
0x5: {  	s0 =	stileid.u32;
	s5 =	smul.u32 $0x9D000, s7  }
0x6: {  	s4 =	simm.s32 $0x0;
	s18 =	simm.s32 $0x100;
	s8 =	smul.u32 $0x9D00, s0  }
0x7: {  	s19 =	simm.s32 $0x1;
	s20 =	simm.s32 $0x0;
	s28 =	smul.u32 $0x2A000, s0  }
0x8: {  	[smem:$0x7FF] =	sst s4;
	s12 =	sadd.s32 $0x2B600, s6;
	s9 =	smul.u32 $0x28000, s0  }
0x9: {  	_ =	strace $0x80000053;
	s29 =	ssub.s32 $0x2, s7;
	s11 =	smul.u32 $0x1400, s7  }
0xa: {  	s30 =	smul.u32 $0x140, s0;
	s10 =	sshrl.u32 s29, $0x1;
	s5 =	sadd.s32 s8, s5  }
0xb: {  	s8 =	sshrl.u32 s28, $0x2;
	s13 =	ssub.s32 s29, s10;
	s9 =	sshrl.u32 s9, $0x2  }
0xc: {  	s15 =	sadd.s32 s30, s11;
	s10 =	sadd.s32 $0xA0, s30;
	s5 =	sshrl.u32 s5, $0x3  }
0xd: {  	s9 =	sadd.s32 s9, s3;
	s15 =	sshll.u32 s15, $0x4;
	s16 =	sshll.u32 s10, $0x7  }
0xe: {  	s17 =	sadd.s32 s11, s10;
	s13 =	smax.u32 s13, $0x1;
	s14 =	sadd.s32 s5, s6  }
0xf: {  	s5 =	sadd.s32 $0x2AC00, s6;
	s6 =	sadd.s32 s8, s3;
	s10 =	sadd.s32 s12, s15  }
0x10: {  	s11 =	sadd.s32 s16, s3;
	s31 =	sshll.u32 s17, $0x4;
	s15 =	simm.s32 $0x4100  }
0x11: {  	s16 =	simm.s32 $0x2;
	s17 =	simm.s32 $0x80;
	s7 =	sadd.s32 $0x5000, s6  }
0x12: {  	s8 =	sadd.s32 $0xA000, s6;
	s12 =	sadd.s32 s12, s31;
	s14 =	sadd.s32 $0x3800, s14  }
.LBB2_1:
0x13: {  	[tilespmem:s15], [sflag:$0x2] =	stream.linear.gather [hbm4b:s5+s4], $0x5000, $0x38;
	[tilespmem:$0x13900] =	vst v63  }
0x14: {  	_ =	swait.ge [sflag:s16], $0x5000  }
0x15: {  	[sflag:s16] =	ssyncset.done $0x0  }
0x16: {  	[sflag:s16] =	ssyncadd.s32 $0xFFFFB000  }
0x17: {  	[spmem:s6] =	stream.linear.scatter [tilespmem:s15], [sflag:$0x2], $0x5000, $0x38;
	[tilespmem:$0x13900] =	vst v63  }
0x18: {  	_ =	swait.ge [sflag:s16], $0x5000  }
0x19: {  	[sflag:s16] =	ssyncset.done $0x0  }
0x1a: {  	[sflag:s16] =	ssyncadd.s32 $0xFFFFB000  }
0x1b: {  	[spmem:s7] =	stream.linear.scatter [tilespmem:s15], [sflag:$0x2], $0x5000, $0x38;
	[tilespmem:$0x13900] =	vst v63  }
0x1c: {  	_ =	swait.ge [sflag:s16], $0x5000  }
0x1d: {  	[sflag:s16] =	ssyncset.done $0x0  }
0x1e: {  	[sflag:s16] =	ssyncadd.s32 $0xFFFFB000  }
0x1f: {  	[spmem:s8] =	stream.linear.scatter [tilespmem:s15], [sflag:$0x2], $0x800, $0x38;
	[tilespmem:$0x13900] =	vst v63  }
0x20: {  	_ =	swait.ge [sflag:s16], $0x800  }
0x21: {  	[sflag:s16] =	ssyncset.done $0x0  }
0x22: {  	[sflag:s16] =	ssyncadd.s32 $0xFFFFF800  }
0x23: {  	s21 =	sadd.s32 $0x0, s14;
	[bflag:$0x0] =	sbarrier.arrive $0xFFFF  }
0x24: {  	[tilespmem:s4], [sflag:$0x2] =	stream.linear.gather [hbm4b:s21+s4], $0x100, $0x38;
	[tilespmem:$0x13900] =	vst v63  }
0x25: {  	_ =	swait.ge [sflag:s16], $0x100  }
0x26: {  	[sflag:s16] =	ssyncset.done $0x0  }
0x27: {  	[sflag:s16] =	ssyncadd.s32 $0xFFFFFF00  }
0x28: {  	[tilespmem:s18], [sflag:$0x1] =	stream.indirect.gather [hbm4b:s1+s17], $0x80, s4, s17, $0xb8;
	[tilespmem:$0x13900] =	vst v63  }
0x29: {  	_ =	swait.ge [sflag:s19], $0x4000  }
0x2a: {  	[sflag:s19] =	ssyncset.done $0x0  }
0x2b: {  	[sflag:s19] =	ssyncadd.s32 $0xFFFFC000  }
0x2c: {  	[spmem:s3] =	stream.indirect.scatter.add.f32 [tilespmem:s18], [sflag:$0x2], $0x80, s17, s17, $0xb8;
	[tilespmem:$0x13900] =	vst v63  }
0x2d: {  	_ =	swait.ge [sflag:s16], $0x4000  }
0x2e: {  	s22 =	simm.s32 $0x40;
	s21 =	simm.s32 $0x20;
	[sflag:s16] =	ssyncset.done $0x0  }
.LBB2_2:
0x2f: {  	s23 =	sadd.s32 s21, s14  }
0x30: {  	[sflag:s16] =	ssyncadd.s32 $0xFFFFC000;
	s21 =	smov.u32 s22;
	s24 =	sadd.s32 $0x20, s22  }
0x31: {  	[tilespmem:s4], [sflag:$0x2] =	stream.linear.gather [hbm4b:s23+s4], $0x100, $0x38;
	[tilespmem:$0x13900] =	vst v63  }
0x32: {  	p0 =	sne.s32 s22, $0x1380;
	_ =	swait.ge [sflag:s16], $0x100  }
0x33: {  	[sflag:s16] =	ssyncset.done $0x0  }
0x34: {  	[sflag:s16] =	ssyncadd.s32 $0xFFFFFF00  }
0x35: {  	[tilespmem:s18], [sflag:$0x1] =	stream.indirect.gather [hbm4b:s1+s17], $0x80, s4, s17, $0xb8;
	[tilespmem:$0x13900] =	vst v63  }
0x36: {  	_ =	swait.ge [sflag:s19], $0x4000  }
.Ltmp0:
0x37: {  	[sflag:s19] =	ssyncset.done $0x0;
	(pc) =	sbr.rel @p0 .LBB2_2-.Ltmp0, $4  }
0x38: {  	[sflag:s19] =	ssyncadd.s32 $0xFFFFC000  }
0x39: {  	[spmem:s3] =	stream.indirect.scatter.add.f32 [tilespmem:s18], [sflag:$0x2], $0x80, s17, s17, $0xb8;
	[tilespmem:$0x13900] =	vst v63  }
0x3a: {  	_ =	swait.ge [sflag:s16], $0x4000  }
0x3b: {  	s22 =	smov.u32 s24;
	[sflag:s16] =	ssyncset.done $0x0  }
0x3c: {  	s21 =	sadd.s32 s21, s14;
	[sflag:s16] =	ssyncadd.s32 $0xFFFFC000  }
0x3d: {  	[tilespmem:s4], [sflag:$0x2] =	stream.linear.gather [hbm4b:s21+s4], $0x100, $0x38;
	[tilespmem:$0x13900] =	vst v63  }
0x3e: {  	_ =	swait.ge [sflag:s16], $0x100  }
0x3f: {  	[sflag:s16] =	ssyncset.done $0x0  }
0x40: {  	[sflag:s16] =	ssyncadd.s32 $0xFFFFFF00  }
0x41: {  	[tilespmem:s18], [sflag:$0x1] =	stream.indirect.gather [hbm4b:s1+s17], $0x80, s4, s17, $0xb8;
	[tilespmem:$0x13900] =	vst v63  }
0x42: {  	_ =	swait.ge [sflag:s19], $0x4000  }
0x43: {  	[sflag:s19] =	ssyncset.done $0x0  }
0x44: {  	[sflag:s19] =	ssyncadd.s32 $0xFFFFC000  }
0x45: {  	[spmem:s3] =	stream.indirect.scatter.add.f32 [tilespmem:s18], [sflag:$0x2], $0x80, s17, s17, $0xb8;
	[tilespmem:$0x13900] =	vst v63  }
0x46: {  	_ =	swait.ge [sflag:s16], $0x4000  }
0x47: {  	[sflag:s16] =	ssyncset.done $0x0  }
0x48: {  	[sflag:s16] =	ssyncadd.s32 $0xFFFFC000  }
0x49: {  	[bflag:$0x0] =	sbarrier.arrive $0xFFFF  }
0x4a: {  	[tilespmem:s15], [sflag:$0x2] =	stream.linear.gather [spmem:s9], $0x5000, $0x38;
	[tilespmem:$0x13900] =	vst v63  }
0x4b: {  	_ =	swait.ge [sflag:s16], $0x5000  }
0x4c: {  	[sflag:s16] =	ssyncset.done $0x0  }
0x4d: {  	[sflag:s16] =	ssyncadd.s32 $0xFFFFB000  }
0x4e: {  	[hbm4b:s10+s4] =	stream.linear.scatter [tilespmem:s15], [sflag:$0x2], $0x5000, $0x38;
	[tilespmem:$0x13900] =	vst v63  }
0x4f: {  	_ =	swait.ge [sflag:s16], $0x5000  }
0x50: {  	[sflag:s16] =	ssyncset.done $0x0  }
0x51: {  	[sflag:s16] =	ssyncadd.s32 $0xFFFFB000  }
0x52: {  	[tilespmem:s15], [sflag:$0x2] =	stream.linear.gather [spmem:s11], $0x5000, $0x38;
	[tilespmem:$0x13900] =	vst v63  }
0x53: {  	s20 =	sadd.s32 $0x1, s20;
	_ =	swait.ge [sflag:s16], $0x5000  }
0x54: {  	p0 =	sne.s32 s20, s13;
	[sflag:s16] =	ssyncset.done $0x0  }
.Ltmp1:
0x55: {  	[sflag:s16] =	ssyncadd.s32 $0xFFFFB000;
	(pc) =	sbr.rel @p0 .LBB2_1-.Ltmp1, $4  }
0x56: {  	[hbm4b:s12+s4] =	stream.linear.scatter [tilespmem:s15], [sflag:$0x2], $0x5000, $0x38;
	[tilespmem:$0x13900] =	vst v63  }
0x57: {  	_ =	swait.ge [sflag:s16], $0x5000  }
0x58: {  	[sflag:s16] =	ssyncset.done $0x0  }
0x59: {  	[sflag:s16] =	ssyncadd.s32 $0xFFFFB000  }
0x5a: {  	_ =	sfence.sel $0x180000  }
0x5b: {  	[bflag:$0x0] =	sbarrier.arrive $0xFFFF  }
0x5c: {  	p0 =	sne.s32 s0, $0x0;
	_ =	strace $0x90000053  }
0x5d: {  	s0 =	sadd.s32 @!p0 $0x100000, s2;
	[bflag:$0x2] =	sbarrier.arrive $0xFFFF  }
0x5e: {  	[sflag:s0] =	ssyncadd.tile.s32 @!p0 $0x1;
	_ =	shalt  }
.Lfunc_end2:
_tile_overlayer_lowered:
.L_overlay_start_2:
0x5f: {  	(tag) =	ssettag $0x2  }
0x60: {  	s0 =	rddreg [dreg:$0x0];
	s2 =	stileid.u32  }
0x61: {  	s1 =	rddreg [dreg:$0x1];
	p0 =	sne.s32 s2, $0x0  }
0x62: {  	s3 =	rddreg [dreg:$0x2];
	[bflag:$0x3] =	sbarrier.arrive $0xFFFF;
	s2 =	simm.s32 @!p0 $0x1C02  }
0x63: {  	[timem:s3], [sflag:s2] =	dma.local @!p0 [hbm:s0], s1  }
0x64: {  	s0 =	simm.s32 @!p0 $0x2  }
0x65: {  	_ =	swait.ge @!p0 [sflag:s0], s1  }
0x66: {  	s1 =	ssub.s32 @!p0 $0x0, s1;
	[sflag:s0] =	ssyncset.done @!p0 $0x0  }
0x67: {  	[sflag:s0] =	ssyncadd.s32 @!p0 s1  }
0x68: {  	[bflag:$0x3] =	sbarrier.arrive $0xFFFF  }
0x69: {  	_ =	shalt  }

</sc_bundles>
